<compile_context>
chip_gen: v7x
topology: tpu7x:2x2x1
jax: 0.10.2.dev20260603
libtpu: 0.0.44.dev20260713+nightly
codegen_flags: <defaults>
</compile_context>

<pallas_src>
import functools

import jax
import jax.numpy as jnp
from jax import lax
from jax.experimental import pallas as pl
from jax.experimental.pallas import tpu as pltpu
from jax.experimental.pallas import tpu_sc as plsc


_G = 8


@functools.cache
def _make_gather(B, d_big, d_small, cpad, dpad):
    info = plsc.get_sparse_core_info()
    NC, NS = info.num_cores, info.num_subcores
    NW = NC * NS
    assert B % NW == 0
    bpw = B // NW
    assert bpw % _G == 0
    ngroups = bpw // _G
    mesh = plsc.VectorSubcoreMesh(core_axis_name="c", subcore_axis_name="s")
    f32 = jnp.float32
    i32 = jnp.int32

    @functools.partial(
        pl.kernel,
        mesh=mesh,
        compiler_params=pltpu.CompilerParams(
            use_tc_tiling_on_sc=True, needs_layout_passes=False),
        out_type=jax.ShapeDtypeStruct((B, 128), f32),
        scratch_types=[
            pltpu.VMEM((bpw + 16,), i32),
            pltpu.VMEM((bpw,), i32),
            pltpu.VMEM((bpw + 16,), i32),
            pltpu.VMEM((bpw,), i32),
            pltpu.VMEM((bpw,), i32),
            pltpu.VMEM((bpw,), i32),
            pltpu.VMEM((_G, d_big, 128), f32),
            pltpu.VMEM((_G, d_big, 128), f32),
            pltpu.VMEM((d_small, cpad), f32),
            pltpu.VMEM((d_small, dpad), f32),
            pltpu.VMEM((2, _G, 128), f32),
            pltpu.SemaphoreType.DMA,
            pltpu.SemaphoreType.DMA,
            pltpu.SemaphoreType.DMA,
        ],
    )
    def gather(userT, merchT, ctryT, devT, uq, ur, mq, mr, ci, di,
               xg_out,
               uq_v, ur_v, mq_v, mr_v, ci_v, di_v,
               ustage, mstage, ctry_v, dev_v, xga_v, semu, semm, semo):
        wid = lax.axis_index("s") * NC + lax.axis_index("c")
        base = wid * bpw
        sl = pl.ds(base, bpw)
        pltpu.sync_copy(uq.at[sl], uq_v.at[pl.ds(0, bpw)])
        pltpu.sync_copy(ur.at[sl], ur_v)
        pltpu.sync_copy(mq.at[sl], mq_v.at[pl.ds(0, bpw)])
        pltpu.sync_copy(mr.at[sl], mr_v)
        pltpu.sync_copy(ci.at[sl], ci_v)
        pltpu.sync_copy(di.at[sl], di_v)
        pltpu.sync_copy(ctryT, ctry_v)
        pltpu.sync_copy(devT, dev_v)

        iota16 = lax.iota(i32, 16)
        slot8 = iota16 % _G
        fpair = iota16 // _G

        def fire_u(g):
            q_vec = uq_v[pl.ds(g * _G, 16)]
            for s in range(_G):
                col = pl.multiple_of(q_vec[s] * 128, 128)
                pltpu.async_copy(userT.at[:, pl.ds(col, 128)],
                                 ustage.at[s], semu)

        def fire_m(g):
            q_vec = mq_v[pl.ds(g * _G, 16)]
            for s in range(_G):
                col = pl.multiple_of(q_vec[s] * 128, 128)
                pltpu.async_copy(merchT.at[:, pl.ds(col, 128)],
                                 mstage.at[s], semm)

        def drain(tabT, sem):
            for s in range(_G):
                pltpu.make_async_copy(
                    tabT.at[:, pl.ds(0, 128)], mstage.at[s], sem).wait()

        def extract_u(g):
            bvec = jnp.full((16,), g % 2, i32)
            rv = plsc.load_gather(ur_v, [g * _G + slot8])
            for f in range(0, d_big, 2):
                v = plsc.load_gather(ustage, [slot8, fpair + f, rv])
                plsc.store_scatter(xga_v, [bvec, slot8, fpair + f], v)

        def extract_m(g):
            bvec = jnp.full((16,), g % 2, i32)
            rv = plsc.load_gather(mr_v, [g * _G + slot8])
            for f in range(0, d_big, 2):
                v = plsc.load_gather(mstage, [slot8, fpair + f, rv])
                plsc.store_scatter(xga_v, [bvec, slot8, fpair + (d_big + f)], v)

        def extract_small(tab_v, idx_v, colbase, g):
            bvec = jnp.full((16,), g % 2, i32)
            iv = plsc.load_gather(idx_v, [g * _G + slot8])
            for f in range(0, d_small, 2):
                v = plsc.load_gather(tab_v, [fpair + f, iv])
                plsc.store_scatter(
                    xga_v, [bvec, slot8, fpair + (colbase + f)], v)

        fire_u(0)

        def group(g, _):
            fire_m(g)
            drain(userT, semu)
            extract_u(g)

            @pl.when(g < ngroups - 1)
            def _():
                fire_u(g + 1)

            extract_small(ctry_v, ci_v, 2 * d_big, g)
            extract_small(dev_v, di_v, 2 * d_big + d_small, g)

            @pl.when(g > 0)
            def _():
                pltpu.make_async_copy(
                    xga_v.at[0], xg_out.at[pl.ds(base, _G)], semo).wait()

            drain(merchT, semm)
            extract_m(g)
            pltpu.async_copy(
                xga_v.at[g % 2], xg_out.at[pl.ds(base + g * _G, _G)], semo)
            return 0

        lax.fori_loop(0, ngroups, group, 0)
        pltpu.make_async_copy(
            xga_v.at[0], xg_out.at[pl.ds(base, _G)], semo).wait()

    return gather


def _mlp_body(numT_r, xg_r, w1n_r, w1x_r, b1_r, w2_r, b2_r, w3_r, b3_r, out_r):
    f32 = jnp.float32
    dn = (((0,), (0,)), ((), ()))
    h = lax.dot_general(numT_r[...], w1n_r[...], dn, preferred_element_type=f32)
    h += jnp.dot(xg_r[:, :80], w1x_r[...], preferred_element_type=f32)
    h = jnp.maximum(h + b1_r[...], 0.0)
    h2 = jnp.dot(h, w2_r[...], preferred_element_type=f32)
    h2 = jnp.maximum(h2 + b2_r[...], 0.0)
    o = jnp.dot(h2, w3_r[...], preferred_element_type=f32)
    out_r[...] = jax.nn.sigmoid(o + b3_r[...])[:, 0]


@functools.cache
def _make_mlp(B, TB, n_num, H1, H2):
    grid = (B // TB,)

    def full(shape):
        return pl.BlockSpec(shape, lambda i: tuple(0 for _ in shape))

    return pl.pallas_call(
        _mlp_body,
        grid=grid,
        in_specs=[
            pl.BlockSpec((n_num, TB), lambda i: (0, i)),
            pl.BlockSpec((TB, 128), lambda i: (i, 0)),
            full((n_num, H1)), full((80, H1)), full((1, H1)),
            full((H1, H2)), full((1, H2)),
            full((H2, 1)), full((1, 1)),
        ],
        out_specs=pl.BlockSpec((TB,), lambda i: (i,)),
        out_shape=jax.ShapeDtypeStruct((B,), jnp.float32),
    )


def kernel(num, user, merchant, country, device,
           user_emb, merchant_emb, country_emb, device_emb,
           W1, b1, W2, b2, W3, b3):
    B, n_num = num.shape
    d_big = user_emb.shape[1]
    d_small = country_emb.shape[1]
    H1 = W1.shape[0]
    H2 = W2.shape[0]

    i32 = jnp.int32
    user = user.astype(i32)
    merchant = merchant.astype(i32)

    def pad128(n):
        return -(-n // 128) * 128

    cpad = pad128(country_emb.shape[0])
    dpad = pad128(device_emb.shape[0])
    ctryT = jnp.pad(country_emb, ((0, cpad - country_emb.shape[0]), (0, 0))).T
    devT = jnp.pad(device_emb, ((0, dpad - device_emb.shape[0]), (0, 0))).T

    gather = _make_gather(B, d_big, d_small, cpad, dpad)
    xg = gather(user_emb.T, merchant_emb.T, ctryT, devT,
                user // 128, user % 128, merchant // 128, merchant % 128,
                country.astype(i32), device.astype(i32))

    c0 = n_num
    w1n = W1[:, :c0].T
    w1x = W1[:, c0:].T
    mlp = _make_mlp(B, 4096, n_num, H1, H2)
    out = mlp(num.T, xg,
              w1n, w1x, b1.reshape(1, H1),
              W2.T, b2.reshape(1, H2), W3.T, b3.reshape(1, 1))
    return out.reshape(B, 1)

# --- scband reference (transcript-rebuilt; emitter-appended) ---
"""Pipeline reference for scband-fraud-model-82772609728603 (READ-ONLY COPY).

The authoritative reference and input builder live on the scoring server;
editing this copy changes nothing except your own understanding.
"""

import jax, jax.numpy as jnp
import numpy as np

B = 16384
N_NUM = 32
N_USERS = 1000000
N_MERCHANTS = 100000
N_COUNTRY = 200
N_DEVICE = 1000


def setup_inputs(seed: int = 0) -> dict:
    key = jax.random.key(seed)
    ks = jax.random.split(key, 16)
    num = jax.random.normal(ks[0], (B, N_NUM), dtype=jnp.float32)
    user = jax.random.randint(ks[1], (B,), 0, N_USERS)
    merchant = jax.random.randint(ks[2], (B,), 0, N_MERCHANTS)
    country = jax.random.randint(ks[3], (B,), 0, N_COUNTRY)
    device = jax.random.randint(ks[4], (B,), 0, N_DEVICE)
    user_emb = jax.random.normal(ks[5], (N_USERS, 32), dtype=jnp.float32) * 0.02
    merchant_emb = jax.random.normal(ks[6], (N_MERCHANTS, 32), dtype=jnp.float32) * 0.02
    country_emb = jax.random.normal(ks[7], (N_COUNTRY, 8), dtype=jnp.float32) * 0.02
    device_emb = jax.random.normal(ks[8], (N_DEVICE, 8), dtype=jnp.float32) * 0.02
    d_in = N_NUM + 32 + 32 + 8 + 8
    W1 = jax.random.normal(ks[9], (256, d_in), dtype=jnp.float32) * (1.0 / np.sqrt(d_in))
    b1 = jnp.zeros((256,), dtype=jnp.float32)
    W2 = jax.random.normal(ks[10], (128, 256), dtype=jnp.float32) * (1.0 / np.sqrt(256))
    b2 = jnp.zeros((128,), dtype=jnp.float32)
    W3 = jax.random.normal(ks[11], (1, 128), dtype=jnp.float32) * (1.0 / np.sqrt(128))
    b3 = jnp.zeros((1,), dtype=jnp.float32)
    return {"num": num, "user": user, "merchant": merchant, "country": country, "device": device,
            "user_emb": user_emb, "merchant_emb": merchant_emb, "country_emb": country_emb, "device_emb": device_emb,
            "W1": W1, "b1": b1, "W2": W2, "b2": b2, "W3": W3, "b3": b3}


def reference(num, user, merchant, country, device,
              user_emb, merchant_emb, country_emb, device_emb,
              W1, b1, W2, b2, W3, b3):
    ue = jnp.take(user_emb, user, axis=0)
    me = jnp.take(merchant_emb, merchant, axis=0)
    ce = jnp.take(country_emb, country, axis=0)
    de = jnp.take(device_emb, device, axis=0)
    x = jnp.concatenate([num, ue, me, ce, de], axis=1)
    x = jax.nn.relu(x @ W1.T + b1)
    x = jax.nn.relu(x @ W2.T + b2)
    return jax.nn.sigmoid(x @ W3.T + b3)

if __name__ == "__main__":
    import jax
    _d = setup_inputs()
    print(jax.jit(kernel)(*tuple(_d.values())))

</pallas_src>

<mosaic_0001>
#map = affine_map<(d0, d1) -> (0, 0)>
#map1 = affine_map<(d0, d1) -> (0)>
module attributes {stable_mosaic.version = 14 : i64} {
  func.func @gather(%arg0: i32, %arg1: i32, %arg2: memref<32x1000000xf32, #tpu.memory_space<hbm>>, %arg3: memref<32x100000xf32, #tpu.memory_space<hbm>>, %arg4: memref<8x256xf32, #tpu.memory_space<hbm>>, %arg5: memref<8x1024xf32, #tpu.memory_space<hbm>>, %arg6: memref<16384xi32, #tpu.memory_space<hbm>>, %arg7: memref<16384xi32, #tpu.memory_space<hbm>>, %arg8: memref<16384xi32, #tpu.memory_space<hbm>>, %arg9: memref<16384xi32, #tpu.memory_space<hbm>>, %arg10: memref<16384xi32, #tpu.memory_space<hbm>>, %arg11: memref<16384xi32, #tpu.memory_space<hbm>>, %arg12: memref<16384x128xf32, #tpu.memory_space<hbm>>, %arg13: memref<528xi32, #tpu.memory_space<vmem>>, %arg14: memref<512xi32, #tpu.memory_space<vmem>>, %arg15: memref<528xi32, #tpu.memory_space<vmem>>, %arg16: memref<512xi32, #tpu.memory_space<vmem>>, %arg17: memref<512xi32, #tpu.memory_space<vmem>>, %arg18: memref<512xi32, #tpu.memory_space<vmem>>, %arg19: memref<8x32x128xf32, #tpu.memory_space<vmem>>, %arg20: memref<8x32x128xf32, #tpu.memory_space<vmem>>, %arg21: memref<8x256xf32, #tpu.memory_space<vmem>>, %arg22: memref<8x1024xf32, #tpu.memory_space<vmem>>, %arg23: memref<2x8x128xf32, #tpu.memory_space<vmem>>, %arg24: memref<!tpu.dma_semaphore, #tpu.memory_space<semaphore_mem>>, %arg25: memref<!tpu.dma_semaphore, #tpu.memory_space<semaphore_mem>>, %arg26: memref<!tpu.dma_semaphore, #tpu.memory_space<semaphore_mem>>) attributes {dimension_semantics = [#tpu.dimension_semantics<core_parallel>, #tpu.dimension_semantics<subcore_parallel>], iteration_bounds = array<i64: 2, 16>, scalar_prefetch = 0 : i64, scratch_operands = 14 : i64, tpu.core_type = #tpu.core_type<sc_vector_subcore>, window_params = [{transform_indices = #map}, {transform_indices = #map}, {transform_indices = #map}, {transform_indices = #map}, {transform_indices = #map1}, {transform_indices = #map1}, {transform_indices = #map1}, {transform_indices = #map1}, {transform_indices = #map1}, {transform_indices = #map1}, {transform_indices = #map}]} {
    %mul3A = arith.constant 2 : i32
    %mul3A_0 = arith.muli %arg1, %mul3A : i32
    %add3A = arith.addi %mul3A_0, %arg0 : i32
    %mul3A_1 = arith.constant 512 : i32
    %mul3A_2 = arith.muli %add3A, %mul3A_1 : i32
    "tpu.region"() ({
      %run_scoped3A = tpu.sem_alloc : memref<!tpu.dma_semaphore, #tpu.memory_space<semaphore_mem>>
      %dma_start3A_205 = arith.constant 0 : i32
      %dma_start3A_206 = tpu.memref_slice %arg13[%dma_start3A_205] : memref<528xi32, #tpu.memory_space<vmem>> -> memref<512xi32, #tpu.memory_space<vmem>>
      %dma_start3A_207 = tpu.memref_slice %arg6[%mul3A_2] : memref<16384xi32, #tpu.memory_space<hbm>> -> memref<512xi32, #tpu.memory_space<hbm>>
      %dma_start3A_208 = arith.constant 0 : i32
      %dma_start3A_209 = tpu.memref_slice %arg13[%dma_start3A_208] : memref<528xi32, #tpu.memory_space<vmem>> -> memref<512xi32, #tpu.memory_space<vmem>>
      %dma_start3A_210 = tpu.memref_slice %arg6[%mul3A_2] : memref<16384xi32, #tpu.memory_space<hbm>> -> memref<512xi32, #tpu.memory_space<hbm>>
      tpu.enqueue_dma source(%dma_start3A_210 : memref<512xi32, #tpu.memory_space<hbm>>) target(%dma_start3A_209 : memref<512xi32, #tpu.memory_space<vmem>>) target_semaphore(%run_scoped3A : memref<!tpu.dma_semaphore, #tpu.memory_space<semaphore_mem>>)
      %dma_wait3A_211 = arith.constant 0 : i32
      %dma_wait3A_212 = tpu.memref_slice %arg13[%dma_wait3A_211] : memref<528xi32, #tpu.memory_space<vmem>> -> memref<512xi32, #tpu.memory_space<vmem>>
      %dma_wait3A_213 = tpu.memref_slice %arg6[%mul3A_2] : memref<16384xi32, #tpu.memory_space<hbm>> -> memref<512xi32, #tpu.memory_space<hbm>>
      %dma_wait3A_214 = arith.constant 0 : i32
      %dma_wait3A_215 = tpu.memref_slice %arg13[%dma_wait3A_214] : memref<528xi32, #tpu.memory_space<vmem>> -> memref<512xi32, #tpu.memory_space<vmem>>
      %dma_wait3A_216 = tpu.memref_slice %arg6[%mul3A_2] : memref<16384xi32, #tpu.memory_space<hbm>> -> memref<512xi32, #tpu.memory_space<hbm>>
      tpu.wait_dma2 semaphore(%run_scoped3A : memref<!tpu.dma_semaphore, #tpu.memory_space<semaphore_mem>>) src(%dma_wait3A_216 : memref<512xi32, #tpu.memory_space<hbm>>) dst(%dma_wait3A_215 : memref<512xi32, #tpu.memory_space<vmem>>)
      tpu.yield
    }) : () -> ()
    "tpu.region"() ({
      %run_scoped3A = tpu.sem_alloc : memref<!tpu.dma_semaphore, #tpu.memory_space<semaphore_mem>>
      %dma_start3A_205 = tpu.memref_slice %arg7[%mul3A_2] : memref<16384xi32, #tpu.memory_space<hbm>> -> memref<512xi32, #tpu.memory_space<hbm>>
      %dma_start3A_206 = tpu.memref_slice %arg7[%mul3A_2] : memref<16384xi32, #tpu.memory_space<hbm>> -> memref<512xi32, #tpu.memory_space<hbm>>
      tpu.enqueue_dma source(%dma_start3A_206 : memref<512xi32, #tpu.memory_space<hbm>>) target(%arg14 : memref<512xi32, #tpu.memory_space<vmem>>) target_semaphore(%run_scoped3A : memref<!tpu.dma_semaphore, #tpu.memory_space<semaphore_mem>>)
      %dma_wait3A_207 = tpu.memref_slice %arg7[%mul3A_2] : memref<16384xi32, #tpu.memory_space<hbm>> -> memref<512xi32, #tpu.memory_space<hbm>>
      %dma_wait3A_208 = tpu.memref_slice %arg7[%mul3A_2] : memref<16384xi32, #tpu.memory_space<hbm>> -> memref<512xi32, #tpu.memory_space<hbm>>
      tpu.wait_dma2 semaphore(%run_scoped3A : memref<!tpu.dma_semaphore, #tpu.memory_space<semaphore_mem>>) src(%dma_wait3A_208 : memref<512xi32, #tpu.memory_space<hbm>>) dst(%arg14 : memref<512xi32, #tpu.memory_space<vmem>>)
      tpu.yield
    }) : () -> ()
    "tpu.region"() ({
      %run_scoped3A = tpu.sem_alloc : memref<!tpu.dma_semaphore, #tpu.memory_space<semaphore_mem>>
      %dma_start3A_205 = arith.constant 0 : i32
      %dma_start3A_206 = tpu.memref_slice %arg15[%dma_start3A_205] : memref<528xi32, #tpu.memory_space<vmem>> -> memref<512xi32, #tpu.memory_space<vmem>>
      %dma_start3A_207 = tpu.memref_slice %arg8[%mul3A_2] : memref<16384xi32, #tpu.memory_space<hbm>> -> memref<512xi32, #tpu.memory_space<hbm>>
      %dma_start3A_208 = arith.constant 0 : i32
      %dma_start3A_209 = tpu.memref_slice %arg15[%dma_start3A_208] : memref<528xi32, #tpu.memory_space<vmem>> -> memref<512xi32, #tpu.memory_space<vmem>>
      %dma_start3A_210 = tpu.memref_slice %arg8[%mul3A_2] : memref<16384xi32, #tpu.memory_space<hbm>> -> memref<512xi32, #tpu.memory_space<hbm>>
      tpu.enqueue_dma source(%dma_start3A_210 : memref<512xi32, #tpu.memory_space<hbm>>) target(%dma_start3A_209 : memref<512xi32, #tpu.memory_space<vmem>>) target_semaphore(%run_scoped3A : memref<!tpu.dma_semaphore, #tpu.memory_space<semaphore_mem>>)
      %dma_wait3A_211 = arith.constant 0 : i32
      %dma_wait3A_212 = tpu.memref_slice %arg15[%dma_wait3A_211] : memref<528xi32, #tpu.memory_space<vmem>> -> memref<512xi32, #tpu.memory_space<vmem>>
      %dma_wait3A_213 = tpu.memref_slice %arg8[%mul3A_2] : memref<16384xi32, #tpu.memory_space<hbm>> -> memref<512xi32, #tpu.memory_space<hbm>>
      %dma_wait3A_214 = arith.constant 0 : i32
      %dma_wait3A_215 = tpu.memref_slice %arg15[%dma_wait3A_214] : memref<528xi32, #tpu.memory_space<vmem>> -> memref<512xi32, #tpu.memory_space<vmem>>
      %dma_wait3A_216 = tpu.memref_slice %arg8[%mul3A_2] : memref<16384xi32, #tpu.memory_space<hbm>> -> memref<512xi32, #tpu.memory_space<hbm>>
      tpu.wait_dma2 semaphore(%run_scoped3A : memref<!tpu.dma_semaphore, #tpu.memory_space<semaphore_mem>>) src(%dma_wait3A_216 : memref<512xi32, #tpu.memory_space<hbm>>) dst(%dma_wait3A_215 : memref<512xi32, #tpu.memory_space<vmem>>)
      tpu.yield
    }) : () -> ()
    "tpu.region"() ({
      %run_scoped3A = tpu.sem_alloc : memref<!tpu.dma_semaphore, #tpu.memory_space<semaphore_mem>>
      %dma_start3A_205 = tpu.memref_slice %arg9[%mul3A_2] : memref<16384xi32, #tpu.memory_space<hbm>> -> memref<512xi32, #tpu.memory_space<hbm>>
      %dma_start3A_206 = tpu.memref_slice %arg9[%mul3A_2] : memref<16384xi32, #tpu.memory_space<hbm>> -> memref<512xi32, #tpu.memory_space<hbm>>
      tpu.enqueue_dma source(%dma_start3A_206 : memref<512xi32, #tpu.memory_space<hbm>>) target(%arg16 : memref<512xi32, #tpu.memory_space<vmem>>) target_semaphore(%run_scoped3A : memref<!tpu.dma_semaphore, #tpu.memory_space<semaphore_mem>>)
      %dma_wait3A_207 = tpu.memref_slice %arg9[%mul3A_2] : memref<16384xi32, #tpu.memory_space<hbm>> -> memref<512xi32, #tpu.memory_space<hbm>>
      %dma_wait3A_208 = tpu.memref_slice %arg9[%mul3A_2] : memref<16384xi32, #tpu.memory_space<hbm>> -> memref<512xi32, #tpu.memory_space<hbm>>
      tpu.wait_dma2 semaphore(%run_scoped3A : memref<!tpu.dma_semaphore, #tpu.memory_space<semaphore_mem>>) src(%dma_wait3A_208 : memref<512xi32, #tpu.memory_space<hbm>>) dst(%arg16 : memref<512xi32, #tpu.memory_space<vmem>>)
      tpu.yield
    }) : () -> ()
    "tpu.region"() ({
      %run_scoped3A = tpu.sem_alloc : memref<!tpu.dma_semaphore, #tpu.memory_space<semaphore_mem>>
      %dma_start3A_205 = tpu.memref_slice %arg10[%mul3A_2] : memref<16384xi32, #tpu.memory_space<hbm>> -> memref<512xi32, #tpu.memory_space<hbm>>
      %dma_start3A_206 = tpu.memref_slice %arg10[%mul3A_2] : memref<16384xi32, #tpu.memory_space<hbm>> -> memref<512xi32, #tpu.memory_space<hbm>>
      tpu.enqueue_dma source(%dma_start3A_206 : memref<512xi32, #tpu.memory_space<hbm>>) target(%arg17 : memref<512xi32, #tpu.memory_space<vmem>>) target_semaphore(%run_scoped3A : memref<!tpu.dma_semaphore, #tpu.memory_space<semaphore_mem>>)
      %dma_wait3A_207 = tpu.memref_slice %arg10[%mul3A_2] : memref<16384xi32, #tpu.memory_space<hbm>> -> memref<512xi32, #tpu.memory_space<hbm>>
      %dma_wait3A_208 = tpu.memref_slice %arg10[%mul3A_2] : memref<16384xi32, #tpu.memory_space<hbm>> -> memref<512xi32, #tpu.memory_space<hbm>>
      tpu.wait_dma2 semaphore(%run_scoped3A : memref<!tpu.dma_semaphore, #tpu.memory_space<semaphore_mem>>) src(%dma_wait3A_208 : memref<512xi32, #tpu.memory_space<hbm>>) dst(%arg17 : memref<512xi32, #tpu.memory_space<vmem>>)
      tpu.yield
    }) : () -> ()
    "tpu.region"() ({
      %run_scoped3A = tpu.sem_alloc : memref<!tpu.dma_semaphore, #tpu.memory_space<semaphore_mem>>
      %dma_start3A_205 = tpu.memref_slice %arg11[%mul3A_2] : memref<16384xi32, #tpu.memory_space<hbm>> -> memref<512xi32, #tpu.memory_space<hbm>>
      %dma_start3A_206 = tpu.memref_slice %arg11[%mul3A_2] : memref<16384xi32, #tpu.memory_space<hbm>> -> memref<512xi32, #tpu.memory_space<hbm>>
      tpu.enqueue_dma source(%dma_start3A_206 : memref<512xi32, #tpu.memory_space<hbm>>) target(%arg18 : memref<512xi32, #tpu.memory_space<vmem>>) target_semaphore(%run_scoped3A : memref<!tpu.dma_semaphore, #tpu.memory_space<semaphore_mem>>)
      %dma_wait3A_207 = tpu.memref_slice %arg11[%mul3A_2] : memref<16384xi32, #tpu.memory_space<hbm>> -> memref<512xi32, #tpu.memory_space<hbm>>
      %dma_wait3A_208 = tpu.memref_slice %arg11[%mul3A_2] : memref<16384xi32, #tpu.memory_space<hbm>> -> memref<512xi32, #tpu.memory_space<hbm>>
      tpu.wait_dma2 semaphore(%run_scoped3A : memref<!tpu.dma_semaphore, #tpu.memory_space<semaphore_mem>>) src(%dma_wait3A_208 : memref<512xi32, #tpu.memory_space<hbm>>) dst(%arg18 : memref<512xi32, #tpu.memory_space<vmem>>)
      tpu.yield
    }) : () -> ()
    "tpu.region"() ({
      %run_scoped3A = tpu.sem_alloc : memref<!tpu.dma_semaphore, #tpu.memory_space<semaphore_mem>>
      tpu.enqueue_dma source(%arg4 : memref<8x256xf32, #tpu.memory_space<hbm>>) target(%arg21 : memref<8x256xf32, #tpu.memory_space<vmem>>) target_semaphore(%run_scoped3A : memref<!tpu.dma_semaphore, #tpu.memory_space<semaphore_mem>>)
      tpu.wait_dma2 semaphore(%run_scoped3A : memref<!tpu.dma_semaphore, #tpu.memory_space<semaphore_mem>>) src(%arg4 : memref<8x256xf32, #tpu.memory_space<hbm>>) dst(%arg21 : memref<8x256xf32, #tpu.memory_space<vmem>>)
      tpu.yield
    }) : () -> ()
    "tpu.region"() ({
      %run_scoped3A = tpu.sem_alloc : memref<!tpu.dma_semaphore, #tpu.memory_space<semaphore_mem>>
      tpu.enqueue_dma source(%arg5 : memref<8x1024xf32, #tpu.memory_space<hbm>>) target(%arg22 : memref<8x1024xf32, #tpu.memory_space<vmem>>) target_semaphore(%run_scoped3A : memref<!tpu.dma_semaphore, #tpu.memory_space<semaphore_mem>>)
      tpu.wait_dma2 semaphore(%run_scoped3A : memref<!tpu.dma_semaphore, #tpu.memory_space<semaphore_mem>>) src(%arg5 : memref<8x1024xf32, #tpu.memory_space<hbm>>) dst(%arg22 : memref<8x1024xf32, #tpu.memory_space<vmem>>)
      tpu.yield
    }) : () -> ()
    %iota3A = tpu.iota {dimensions = array<i32: 0>} : vector<16xi32>
    %jit3A = arith.constant 8 : i32
    %eq3A = arith.constant 0 : i32
    %eq3A_3 = arith.cmpi eq, %jit3A, %eq3A : i32
    %jit3A_4 = arith.constant 1 : i32
    %select_n3A = arith.select %eq3A_3, %jit3A_4, %jit3A : i32
    %rem3A = vector.broadcast %select_n3A : i32 to vector<16xi32>
    %rem3A_5 = arith.remsi %iota3A, %rem3A : vector<16xi32>
    %ne3A = arith.constant 0 : i32
    %ne3A_6 = vector.broadcast %ne3A : i32 to vector<16xi32>
    %ne3A_7 = arith.cmpi ne, %rem3A_5, %ne3A_6 : vector<16xi32>
    %lt3A = arith.constant 0 : i32
    %lt3A_8 = vector.broadcast %lt3A : i32 to vector<16xi32>
    %lt3A_9 = arith.cmpi slt, %rem3A_5, %lt3A_8 : vector<16xi32>
    %lt3A_10 = arith.constant 0 : i32
    %lt3A_11 = arith.cmpi slt, %select_n3A, %lt3A_10 : i32
    %ne3A_12 = vector.broadcast %lt3A_11 : i1 to vector<16xi1>
    %ne3A_13 = vector.broadcast %ne3A_12 : vector<16xi1> to vector<16xi1>
    %ne3A_14 = arith.xori %lt3A_9, %ne3A_13 : vector<16xi1>
    %and3A = arith.andi %ne3A_14, %ne3A_7 : vector<16xi1>
    %add3A_15 = vector.broadcast %select_n3A : i32 to vector<16xi32>
    %add3A_16 = arith.addi %rem3A_5, %add3A_15 : vector<16xi32>
    %select_n3A_17 = arith.select %and3A, %add3A_16, %rem3A_5 : vector<16xi1>, vector<16xi32>
    %jit3A_18 = arith.constant 8 : i32
    %div3A = vector.broadcast %jit3A_18 : i32 to vector<16xi32>
    %div3A_19 = arith.divsi %iota3A, %div3A : vector<16xi32>
    %sign3A = arith.constant 0 : i32
    %sign3A_20 = vector.broadcast %sign3A : i32 to vector<16xi32>
    %sign3A_21 = arith.cmpi sgt, %iota3A, %sign3A_20 : vector<16xi32>
    %sign3A_22 = arith.extui %sign3A_21 : vector<16xi1> to vector<16xi32>
    %sign3A_23 = arith.constant 0 : i32
    %sign3A_24 = vector.broadcast %sign3A_23 : i32 to vector<16xi32>
    %sign3A_25 = arith.cmpi slt, %iota3A, %sign3A_24 : vector<16xi32>
    %sign3A_26 = arith.extui %sign3A_25 : vector<16xi1> to vector<16xi32>
    %sign3A_27 = arith.subi %sign3A_22, %sign3A_26 : vector<16xi32>
    %sign3A_28 = arith.constant 0 : i32
    %sign3A_29 = arith.cmpi sgt, %jit3A_18, %sign3A_28 : i32
    %sign3A_30 = arith.extui %sign3A_29 : i1 to i32
    %sign3A_31 = arith.constant 0 : i32
    %sign3A_32 = arith.cmpi slt, %jit3A_18, %sign3A_31 : i32
    %sign3A_33 = arith.extui %sign3A_32 : i1 to i32
    %sign3A_34 = arith.subi %sign3A_30, %sign3A_33 : i32
    %ne3A_35 = vector.broadcast %sign3A_34 : i32 to vector<16xi32>
    %ne3A_36 = arith.cmpi ne, %sign3A_27, %ne3A_35 : vector<16xi32>
    %rem3A_37 = vector.broadcast %jit3A_18 : i32 to vector<16xi32>
    %rem3A_38 = arith.remsi %iota3A, %rem3A_37 : vector<16xi32>
    %ne3A_39 = arith.constant 0 : i32
    %ne3A_40 = vector.broadcast %ne3A_39 : i32 to vector<16xi32>
    %ne3A_41 = arith.cmpi ne, %rem3A_38, %ne3A_40 : vector<16xi32>
    %and3A_42 = arith.andi %ne3A_36, %ne3A_41 : vector<16xi1>
    %sub3A = arith.constant 1 : i32
    %sub3A_43 = vector.broadcast %sub3A : i32 to vector<16xi32>
    %sub3A_44 = arith.subi %div3A_19, %sub3A_43 : vector<16xi32>
    %select_n3A_45 = arith.select %and3A_42, %sub3A_44, %div3A_19 : vector<16xi1>, vector<16xi32>
    %get3A = arith.constant 0 : index
    %get3A_46 = tpu.vector_load %arg13[%get3A] {strides = array<i32>} : memref<528xi32, #tpu.memory_space<vmem>>, vector<16xi32>,
    %slice3A = vector.extract_strided_slice %get3A_46 {offsets = [0], sizes = [1], strides = [1]} : vector<16xi32> to vector<1xi32>
    %squeeze3A = vector.extract %slice3A[0] : i32 from vector<1xi32>
    %mul3A_47 = arith.constant 128 : i32
    %mul3A_48 = arith.muli %squeeze3A, %mul3A_47 : i32
    %multiple_of3A = tpu.assume_multiple %mul3A_48, 128 : i32
    %dma_start3A = arith.constant 0 : i32
    %dma_start3A_49 = arith.constant 0 : i32
    %dma_start3A_50 = arith.constant 0 : i32
    %dma_start3A_51 = tpu.memref_slice %arg19[%dma_start3A, %dma_start3A_49, %dma_start3A_50] : memref<8x32x128xf32, #tpu.memory_space<vmem>> -> memref<1x32x128xf32, #tpu.memory_space<vmem>>
    %dma_start3A_52 = tpu.memref_squeeze %dma_start3A_51 : memref<1x32x128xf32, #tpu.memory_space<vmem>> -> memref<32x128xf32, #tpu.memory_space<vmem>>
    %dma_start3A_53 = arith.constant 0 : i32
    %dma_start3A_54 = tpu.memref_slice %arg2[%dma_start3A_53, %multiple_of3A] : memref<32x1000000xf32, #tpu.memory_space<hbm>> -> memref<32x128xf32, #tpu.memory_space<hbm>>
    %dma_start3A_55 = arith.constant 0 : i32
    %dma_start3A_56 = arith.constant 0 : i32
    %dma_start3A_57 = tpu.memref_slice %arg19[%dma_start3A, %dma_start3A_55, %dma_start3A_56] : memref<8x32x128xf32, #tpu.memory_space<vmem>> -> memref<1x32x128xf32, #tpu.memory_space<vmem>>
    %dma_start3A_58 = tpu.memref_squeeze %dma_start3A_57 : memref<1x32x128xf32, #tpu.memory_space<vmem>> -> memref<32x128xf32, #tpu.memory_space<vmem>>
    %dma_start3A_59 = arith.constant 0 : i32
    %dma_start3A_60 = tpu.memref_slice %arg2[%dma_start3A_59, %multiple_of3A] : memref<32x1000000xf32, #tpu.memory_space<hbm>> -> memref<32x128xf32, #tpu.memory_space<hbm>>
    tpu.enqueue_dma source(%dma_start3A_60 : memref<32x128xf32, #tpu.memory_space<hbm>>) target(%dma_start3A_58 : memref<32x128xf32, #tpu.memory_space<vmem>>) target_semaphore(%arg24 : memref<!tpu.dma_semaphore, #tpu.memory_space<semaphore_mem>>)
    %slice3A_61 = vector.extract_strided_slice %get3A_46 {offsets = [1], sizes = [1], strides = [1]} : vector<16xi32> to vector<1xi32>
    %squeeze3A_62 = vector.extract %slice3A_61[0] : i32 from vector<1xi32>
    %mul3A_63 = arith.constant 128 : i32
    %mul3A_64 = arith.muli %squeeze3A_62, %mul3A_63 : i32
    %multiple_of3A_65 = tpu.assume_multiple %mul3A_64, 128 : i32
    %dma_start3A_66 = arith.constant 1 : i32
    %dma_start3A_67 = arith.constant 0 : i32
    %dma_start3A_68 = arith.constant 0 : i32
    %dma_start3A_69 = tpu.memref_slice %arg19[%dma_start3A_66, %dma_start3A_67, %dma_start3A_68] : memref<8x32x128xf32, #tpu.memory_space<vmem>> -> memref<1x32x128xf32, #tpu.memory_space<vmem>>
    %dma_start3A_70 = tpu.memref_squeeze %dma_start3A_69 : memref<1x32x128xf32, #tpu.memory_space<vmem>> -> memref<32x128xf32, #tpu.memory_space<vmem>>
    %dma_start3A_71 = arith.constant 0 : i32
    %dma_start3A_72 = tpu.memref_slice %arg2[%dma_start3A_71, %multiple_of3A_65] : memref<32x1000000xf32, #tpu.memory_space<hbm>> -> memref<32x128xf32, #tpu.memory_space<hbm>>
    %dma_start3A_73 = arith.constant 0 : i32
    %dma_start3A_74 = arith.constant 0 : i32
    %dma_start3A_75 = tpu.memref_slice %arg19[%dma_start3A_66, %dma_start3A_73, %dma_start3A_74] : memref<8x32x128xf32, #tpu.memory_space<vmem>> -> memref<1x32x128xf32, #tpu.memory_space<vmem>>
    %dma_start3A_76 = tpu.memref_squeeze %dma_start3A_75 : memref<1x32x128xf32, #tpu.memory_space<vmem>> -> memref<32x128xf32, #tpu.memory_space<vmem>>
    %dma_start3A_77 = arith.constant 0 : i32
    %dma_start3A_78 = tpu.memref_slice %arg2[%dma_start3A_77, %multiple_of3A_65] : memref<32x1000000xf32, #tpu.memory_space<hbm>> -> memref<32x128xf32, #tpu.memory_space<hbm>>
    tpu.enqueue_dma source(%dma_start3A_78 : memref<32x128xf32, #tpu.memory_space<hbm>>) target(%dma_start3A_76 : memref<32x128xf32, #tpu.memory_space<vmem>>) target_semaphore(%arg24 : memref<!tpu.dma_semaphore, #tpu.memory_space<semaphore_mem>>)
    %slice3A_79 = vector.extract_strided_slice %get3A_46 {offsets = [2], sizes = [1], strides = [1]} : vector<16xi32> to vector<1xi32>
    %squeeze3A_80 = vector.extract %slice3A_79[0] : i32 from vector<1xi32>
    %mul3A_81 = arith.constant 128 : i32
    %mul3A_82 = arith.muli %squeeze3A_80, %mul3A_81 : i32
    %multiple_of3A_83 = tpu.assume_multiple %mul3A_82, 128 : i32
    %dma_start3A_84 = arith.constant 2 : i32
    %dma_start3A_85 = arith.constant 0 : i32
    %dma_start3A_86 = arith.constant 0 : i32
    %dma_start3A_87 = tpu.memref_slice %arg19[%dma_start3A_84, %dma_start3A_85, %dma_start3A_86] : memref<8x32x128xf32, #tpu.memory_space<vmem>> -> memref<1x32x128xf32, #tpu.memory_space<vmem>>
    %dma_start3A_88 = tpu.memref_squeeze %dma_start3A_87 : memref<1x32x128xf32, #tpu.memory_space<vmem>> -> memref<32x128xf32, #tpu.memory_space<vmem>>
    %dma_start3A_89 = arith.constant 0 : i32
    %dma_start3A_90 = tpu.memref_slice %arg2[%dma_start3A_89, %multiple_of3A_83] : memref<32x1000000xf32, #tpu.memory_space<hbm>> -> memref<32x128xf32, #tpu.memory_space<hbm>>
    %dma_start3A_91 = arith.constant 0 : i32
    %dma_start3A_92 = arith.constant 0 : i32
    %dma_start3A_93 = tpu.memref_slice %arg19[%dma_start3A_84, %dma_start3A_91, %dma_start3A_92] : memref<8x32x128xf32, #tpu.memory_space<vmem>> -> memref<1x32x128xf32, #tpu.memory_space<vmem>>
    %dma_start3A_94 = tpu.memref_squeeze %dma_start3A_93 : memref<1x32x128xf32, #tpu.memory_space<vmem>> -> memref<32x128xf32, #tpu.memory_space<vmem>>
    %dma_start3A_95 = arith.constant 0 : i32
    %dma_start3A_96 = tpu.memref_slice %arg2[%dma_start3A_95, %multiple_of3A_83] : memref<32x1000000xf32, #tpu.memory_space<hbm>> -> memref<32x128xf32, #tpu.memory_space<hbm>>
    tpu.enqueue_dma source(%dma_start3A_96 : memref<32x128xf32, #tpu.memory_space<hbm>>) target(%dma_start3A_94 : memref<32x128xf32, #tpu.memory_space<vmem>>) target_semaphore(%arg24 : memref<!tpu.dma_semaphore, #tpu.memory_space<semaphore_mem>>)
    %slice3A_97 = vector.extract_strided_slice %get3A_46 {offsets = [3], sizes = [1], strides = [1]} : vector<16xi32> to vector<1xi32>
    %squeeze3A_98 = vector.extract %slice3A_97[0] : i32 from vector<1xi32>
    %mul3A_99 = arith.constant 128 : i32
    %mul3A_100 = arith.muli %squeeze3A_98, %mul3A_99 : i32
    %multiple_of3A_101 = tpu.assume_multiple %mul3A_100, 128 : i32
    %dma_start3A_102 = arith.constant 3 : i32
    %dma_start3A_103 = arith.constant 0 : i32
    %dma_start3A_104 = arith.constant 0 : i32
    %dma_start3A_105 = tpu.memref_slice %arg19[%dma_start3A_102, %dma_start3A_103, %dma_start3A_104] : memref<8x32x128xf32, #tpu.memory_space<vmem>> -> memref<1x32x128xf32, #tpu.memory_space<vmem>>
    %dma_start3A_106 = tpu.memref_squeeze %dma_start3A_105 : memref<1x32x128xf32, #tpu.memory_space<vmem>> -> memref<32x128xf32, #tpu.memory_space<vmem>>
    %dma_start3A_107 = arith.constant 0 : i32
    %dma_start3A_108 = tpu.memref_slice %arg2[%dma_start3A_107, %multiple_of3A_101] : memref<32x1000000xf32, #tpu.memory_space<hbm>> -> memref<32x128xf32, #tpu.memory_space<hbm>>
    %dma_start3A_109 = arith.constant 0 : i32
    %dma_start3A_110 = arith.constant 0 : i32
    %dma_start3A_111 = tpu.memref_slice %arg19[%dma_start3A_102, %dma_start3A_109, %dma_start3A_110] : memref<8x32x128xf32, #tpu.memory_space<vmem>> -> memref<1x32x128xf32, #tpu.memory_space<vmem>>
    %dma_start3A_112 = tpu.memref_squeeze %dma_start3A_111 : memref<1x32x128xf32, #tpu.memory_space<vmem>> -> memref<32x128xf32, #tpu.memory_space<vmem>>
    %dma_start3A_113 = arith.constant 0 : i32
    %dma_start3A_114 = tpu.memref_slice %arg2[%dma_start3A_113, %multiple_of3A_101] : memref<32x1000000xf32, #tpu.memory_space<hbm>> -> memref<32x128xf32, #tpu.memory_space<hbm>>
    tpu.enqueue_dma source(%dma_start3A_114 : memref<32x128xf32, #tpu.memory_space<hbm>>) target(%dma_start3A_112 : memref<32x128xf32, #tpu.memory_space<vmem>>) target_semaphore(%arg24 : memref<!tpu.dma_semaphore, #tpu.memory_space<semaphore_mem>>)
    %slice3A_115 = vector.extract_strided_slice %get3A_46 {offsets = [4], sizes = [1], strides = [1]} : vector<16xi32> to vector<1xi32>
    %squeeze3A_116 = vector.extract %slice3A_115[0] : i32 from vector<1xi32>
    %mul3A_117 = arith.constant 128 : i32
    %mul3A_118 = arith.muli %squeeze3A_116, %mul3A_117 : i32
    %multiple_of3A_119 = tpu.assume_multiple %mul3A_118, 128 : i32
    %dma_start3A_120 = arith.constant 4 : i32
    %dma_start3A_121 = arith.constant 0 : i32
    %dma_start3A_122 = arith.constant 0 : i32
    %dma_start3A_123 = tpu.memref_slice %arg19[%dma_start3A_120, %dma_start3A_121, %dma_start3A_122] : memref<8x32x128xf32, #tpu.memory_space<vmem>> -> memref<1x32x128xf32, #tpu.memory_space<vmem>>
    %dma_start3A_124 = tpu.memref_squeeze %dma_start3A_123 : memref<1x32x128xf32, #tpu.memory_space<vmem>> -> memref<32x128xf32, #tpu.memory_space<vmem>>
    %dma_start3A_125 = arith.constant 0 : i32
    %dma_start3A_126 = tpu.memref_slice %arg2[%dma_start3A_125, %multiple_of3A_119] : memref<32x1000000xf32, #tpu.memory_space<hbm>> -> memref<32x128xf32, #tpu.memory_space<hbm>>
    %dma_start3A_127 = arith.constant 0 : i32
    %dma_start3A_128 = arith.constant 0 : i32
    %dma_start3A_129 = tpu.memref_slice %arg19[%dma_start3A_120, %dma_start3A_127, %dma_start3A_128] : memref<8x32x128xf32, #tpu.memory_space<vmem>> -> memref<1x32x128xf32, #tpu.memory_space<vmem>>
    %dma_start3A_130 = tpu.memref_squeeze %dma_start3A_129 : memref<1x32x128xf32, #tpu.memory_space<vmem>> -> memref<32x128xf32, #tpu.memory_space<vmem>>
    %dma_start3A_131 = arith.constant 0 : i32
    %dma_start3A_132 = tpu.memref_slice %arg2[%dma_start3A_131, %multiple_of3A_119] : memref<32x1000000xf32, #tpu.memory_space<hbm>> -> memref<32x128xf32, #tpu.memory_space<hbm>>
    tpu.enqueue_dma source(%dma_start3A_132 : memref<32x128xf32, #tpu.memory_space<hbm>>) target(%dma_start3A_130 : memref<32x128xf32, #tpu.memory_space<vmem>>) target_semaphore(%arg24 : memref<!tpu.dma_semaphore, #tpu.memory_space<semaphore_mem>>)
    %slice3A_133 = vector.extract_strided_slice %get3A_46 {offsets = [5], sizes = [1], strides = [1]} : vector<16xi32> to vector<1xi32>
    %squeeze3A_134 = vector.extract %slice3A_133[0] : i32 from vector<1xi32>
    %mul3A_135 = arith.constant 128 : i32
    %mul3A_136 = arith.muli %squeeze3A_134, %mul3A_135 : i32
    %multiple_of3A_137 = tpu.assume_multiple %mul3A_136, 128 : i32
    %dma_start3A_138 = arith.constant 5 : i32
    %dma_start3A_139 = arith.constant 0 : i32
    %dma_start3A_140 = arith.constant 0 : i32
    %dma_start3A_141 = tpu.memref_slice %arg19[%dma_start3A_138, %dma_start3A_139, %dma_start3A_140] : memref<8x32x128xf32, #tpu.memory_space<vmem>> -> memref<1x32x128xf32, #tpu.memory_space<vmem>>
    %dma_start3A_142 = tpu.memref_squeeze %dma_start3A_141 : memref<1x32x128xf32, #tpu.memory_space<vmem>> -> memref<32x128xf32, #tpu.memory_space<vmem>>
    %dma_start3A_143 = arith.constant 0 : i32
    %dma_start3A_144 = tpu.memref_slice %arg2[%dma_start3A_143, %multiple_of3A_137] : memref<32x1000000xf32, #tpu.memory_space<hbm>> -> memref<32x128xf32, #tpu.memory_space<hbm>>
    %dma_start3A_145 = arith.constant 0 : i32
    %dma_start3A_146 = arith.constant 0 : i32
    %dma_start3A_147 = tpu.memref_slice %arg19[%dma_start3A_138, %dma_start3A_145, %dma_start3A_146] : memref<8x32x128xf32, #tpu.memory_space<vmem>> -> memref<1x32x128xf32, #tpu.memory_space<vmem>>
    %dma_start3A_148 = tpu.memref_squeeze %dma_start3A_147 : memref<1x32x128xf32, #tpu.memory_space<vmem>> -> memref<32x128xf32, #tpu.memory_space<vmem>>
    %dma_start3A_149 = arith.constant 0 : i32
    %dma_start3A_150 = tpu.memref_slice %arg2[%dma_start3A_149, %multiple_of3A_137] : memref<32x1000000xf32, #tpu.memory_space<hbm>> -> memref<32x128xf32, #tpu.memory_space<hbm>>
    tpu.enqueue_dma source(%dma_start3A_150 : memref<32x128xf32, #tpu.memory_space<hbm>>) target(%dma_start3A_148 : memref<32x128xf32, #tpu.memory_space<vmem>>) target_semaphore(%arg24 : memref<!tpu.dma_semaphore, #tpu.memory_space<semaphore_mem>>)
    %slice3A_151 = vector.extract_strided_slice %get3A_46 {offsets = [6], sizes = [1], strides = [1]} : vector<16xi32> to vector<1xi32>
    %squeeze3A_152 = vector.extract %slice3A_151[0] : i32 from vector<1xi32>
    %mul3A_153 = arith.constant 128 : i32
    %mul3A_154 = arith.muli %squeeze3A_152, %mul3A_153 : i32
    %multiple_of3A_155 = tpu.assume_multiple %mul3A_154, 128 : i32
    %dma_start3A_156 = arith.constant 6 : i32
    %dma_start3A_157 = arith.constant 0 : i32
    %dma_start3A_158 = arith.constant 0 : i32
    %dma_start3A_159 = tpu.memref_slice %arg19[%dma_start3A_156, %dma_start3A_157, %dma_start3A_158] : memref<8x32x128xf32, #tpu.memory_space<vmem>> -> memref<1x32x128xf32, #tpu.memory_space<vmem>>
    %dma_start3A_160 = tpu.memref_squeeze %dma_start3A_159 : memref<1x32x128xf32, #tpu.memory_space<vmem>> -> memref<32x128xf32, #tpu.memory_space<vmem>>
    %dma_start3A_161 = arith.constant 0 : i32
    %dma_start3A_162 = tpu.memref_slice %arg2[%dma_start3A_161, %multiple_of3A_155] : memref<32x1000000xf32, #tpu.memory_space<hbm>> -> memref<32x128xf32, #tpu.memory_space<hbm>>
    %dma_start3A_163 = arith.constant 0 : i32
    %dma_start3A_164 = arith.constant 0 : i32
    %dma_start3A_165 = tpu.memref_slice %arg19[%dma_start3A_156, %dma_start3A_163, %dma_start3A_164] : memref<8x32x128xf32, #tpu.memory_space<vmem>> -> memref<1x32x128xf32, #tpu.memory_space<vmem>>
    %dma_start3A_166 = tpu.memref_squeeze %dma_start3A_165 : memref<1x32x128xf32, #tpu.memory_space<vmem>> -> memref<32x128xf32, #tpu.memory_space<vmem>>
    %dma_start3A_167 = arith.constant 0 : i32
    %dma_start3A_168 = tpu.memref_slice %arg2[%dma_start3A_167, %multiple_of3A_155] : memref<32x1000000xf32, #tpu.memory_space<hbm>> -> memref<32x128xf32, #tpu.memory_space<hbm>>
    tpu.enqueue_dma source(%dma_start3A_168 : memref<32x128xf32, #tpu.memory_space<hbm>>) target(%dma_start3A_166 : memref<32x128xf32, #tpu.memory_space<vmem>>) target_semaphore(%arg24 : memref<!tpu.dma_semaphore, #tpu.memory_space<semaphore_mem>>)
    %slice3A_169 = vector.extract_strided_slice %get3A_46 {offsets = [7], sizes = [1], strides = [1]} : vector<16xi32> to vector<1xi32>
    %squeeze3A_170 = vector.extract %slice3A_169[0] : i32 from vector<1xi32>
    %mul3A_171 = arith.constant 128 : i32
    %mul3A_172 = arith.muli %squeeze3A_170, %mul3A_171 : i32
    %multiple_of3A_173 = tpu.assume_multiple %mul3A_172, 128 : i32
    %dma_start3A_174 = arith.constant 7 : i32
    %dma_start3A_175 = arith.constant 0 : i32
    %dma_start3A_176 = arith.constant 0 : i32
    %dma_start3A_177 = tpu.memref_slice %arg19[%dma_start3A_174, %dma_start3A_175, %dma_start3A_176] : memref<8x32x128xf32, #tpu.memory_space<vmem>> -> memref<1x32x128xf32, #tpu.memory_space<vmem>>
    %dma_start3A_178 = tpu.memref_squeeze %dma_start3A_177 : memref<1x32x128xf32, #tpu.memory_space<vmem>> -> memref<32x128xf32, #tpu.memory_space<vmem>>
    %dma_start3A_179 = arith.constant 0 : i32
    %dma_start3A_180 = tpu.memref_slice %arg2[%dma_start3A_179, %multiple_of3A_173] : memref<32x1000000xf32, #tpu.memory_space<hbm>> -> memref<32x128xf32, #tpu.memory_space<hbm>>
    %dma_start3A_181 = arith.constant 0 : i32
    %dma_start3A_182 = arith.constant 0 : i32
    %dma_start3A_183 = tpu.memref_slice %arg19[%dma_start3A_174, %dma_start3A_181, %dma_start3A_182] : memref<8x32x128xf32, #tpu.memory_space<vmem>> -> memref<1x32x128xf32, #tpu.memory_space<vmem>>
    %dma_start3A_184 = tpu.memref_squeeze %dma_start3A_183 : memref<1x32x128xf32, #tpu.memory_space<vmem>> -> memref<32x128xf32, #tpu.memory_space<vmem>>
    %dma_start3A_185 = arith.constant 0 : i32
    %dma_start3A_186 = tpu.memref_slice %arg2[%dma_start3A_185, %multiple_of3A_173] : memref<32x1000000xf32, #tpu.memory_space<hbm>> -> memref<32x128xf32, #tpu.memory_space<hbm>>
    tpu.enqueue_dma source(%dma_start3A_186 : memref<32x128xf32, #tpu.memory_space<hbm>>) target(%dma_start3A_184 : memref<32x128xf32, #tpu.memory_space<vmem>>) target_semaphore(%arg24 : memref<!tpu.dma_semaphore, #tpu.memory_space<semaphore_mem>>)
    %scan3A = arith.constant 0 : i32
    %scan3A_187 = arith.constant 0 : i32
    %scan3A_188 = arith.constant 64 : i32
    %scan3A_189 = arith.addi %scan3A_187, %scan3A_188 : i32
    %scan3A_190 = arith.constant 1 : i32
    %scan3A_191 = scf.for %scan3A_205 = %scan3A_187 to %scan3A_189 step %scan3A_190 iter_args(%scan3A_206 = %scan3A) -> (i32)  : i32 {
      %mul3A_207 = arith.constant 8 : i32
      %mul3A_208 = arith.muli %scan3A_205, %mul3A_207 : i32
      %get3A_209 = arith.index_cast %mul3A_208 : i32 to index
      %get3A_210 = tpu.vector_load %arg15[%get3A_209] {strides = array<i32>} : memref<528xi32, #tpu.memory_space<vmem>>, vector<16xi32>,
      %slice3A_211 = vector.extract_strided_slice %get3A_210 {offsets = [0], sizes = [1], strides = [1]} : vector<16xi32> to vector<1xi32>
      %squeeze3A_212 = vector.extract %slice3A_211[0] : i32 from vector<1xi32>
      %mul3A_213 = arith.constant 128 : i32
      %mul3A_214 = arith.muli %squeeze3A_212, %mul3A_213 : i32
      %multiple_of3A_215 = tpu.assume_multiple %mul3A_214, 128 : i32
      %dma_start3A_216 = arith.constant 0 : i32
      %dma_start3A_217 = arith.constant 0 : i32
      %dma_start3A_218 = arith.constant 0 : i32
      %dma_start3A_219 = tpu.memref_slice %arg20[%dma_start3A_216, %dma_start3A_217, %dma_start3A_218] : memref<8x32x128xf32, #tpu.memory_space<vmem>> -> memref<1x32x128xf32, #tpu.memory_space<vmem>>
      %dma_start3A_220 = tpu.memref_squeeze %dma_start3A_219 : memref<1x32x128xf32, #tpu.memory_space<vmem>> -> memref<32x128xf32, #tpu.memory_space<vmem>>
      %dma_start3A_221 = arith.constant 0 : i32
      %dma_start3A_222 = tpu.memref_slice %arg3[%dma_start3A_221, %multiple_of3A_215] : memref<32x100000xf32, #tpu.memory_space<hbm>> -> memref<32x128xf32, #tpu.memory_space<hbm>>
      %dma_start3A_223 = arith.constant 0 : i32
      %dma_start3A_224 = arith.constant 0 : i32
      %dma_start3A_225 = tpu.memref_slice %arg20[%dma_start3A_216, %dma_start3A_223, %dma_start3A_224] : memref<8x32x128xf32, #tpu.memory_space<vmem>> -> memref<1x32x128xf32, #tpu.memory_space<vmem>>
      %dma_start3A_226 = tpu.memref_squeeze %dma_start3A_225 : memref<1x32x128xf32, #tpu.memory_space<vmem>> -> memref<32x128xf32, #tpu.memory_space<vmem>>
      %dma_start3A_227 = arith.constant 0 : i32
      %dma_start3A_228 = tpu.memref_slice %arg3[%dma_start3A_227, %multiple_of3A_215] : memref<32x100000xf32, #tpu.memory_space<hbm>> -> memref<32x128xf32, #tpu.memory_space<hbm>>
      tpu.enqueue_dma source(%dma_start3A_228 : memref<32x128xf32, #tpu.memory_space<hbm>>) target(%dma_start3A_226 : memref<32x128xf32, #tpu.memory_space<vmem>>) target_semaphore(%arg25 : memref<!tpu.dma_semaphore, #tpu.memory_space<semaphore_mem>>)
      %slice3A_229 = vector.extract_strided_slice %get3A_210 {offsets = [1], sizes = [1], strides = [1]} : vector<16xi32> to vector<1xi32>
      %squeeze3A_230 = vector.extract %slice3A_229[0] : i32 from vector<1xi32>
      %mul3A_231 = arith.constant 128 : i32
      %mul3A_232 = arith.muli %squeeze3A_230, %mul3A_231 : i32
      %multiple_of3A_233 = tpu.assume_multiple %mul3A_232, 128 : i32
      %dma_start3A_234 = arith.constant 1 : i32
      %dma_start3A_235 = arith.constant 0 : i32
      %dma_start3A_236 = arith.constant 0 : i32
      %dma_start3A_237 = tpu.memref_slice %arg20[%dma_start3A_234, %dma_start3A_235, %dma_start3A_236] : memref<8x32x128xf32, #tpu.memory_space<vmem>> -> memref<1x32x128xf32, #tpu.memory_space<vmem>>
      %dma_start3A_238 = tpu.memref_squeeze %dma_start3A_237 : memref<1x32x128xf32, #tpu.memory_space<vmem>> -> memref<32x128xf32, #tpu.memory_space<vmem>>
      %dma_start3A_239 = arith.constant 0 : i32
      %dma_start3A_240 = tpu.memref_slice %arg3[%dma_start3A_239, %multiple_of3A_233] : memref<32x100000xf32, #tpu.memory_space<hbm>> -> memref<32x128xf32, #tpu.memory_space<hbm>>
      %dma_start3A_241 = arith.constant 0 : i32
      %dma_start3A_242 = arith.constant 0 : i32
      %dma_start3A_243 = tpu.memref_slice %arg20[%dma_start3A_234, %dma_start3A_241, %dma_start3A_242] : memref<8x32x128xf32, #tpu.memory_space<vmem>> -> memref<1x32x128xf32, #tpu.memory_space<vmem>>
      %dma_start3A_244 = tpu.memref_squeeze %dma_start3A_243 : memref<1x32x128xf32, #tpu.memory_space<vmem>> -> memref<32x128xf32, #tpu.memory_space<vmem>>
      %dma_start3A_245 = arith.constant 0 : i32
      %dma_start3A_246 = tpu.memref_slice %arg3[%dma_start3A_245, %multiple_of3A_233] : memref<32x100000xf32, #tpu.memory_space<hbm>> -> memref<32x128xf32, #tpu.memory_space<hbm>>
      tpu.enqueue_dma source(%dma_start3A_246 : memref<32x128xf32, #tpu.memory_space<hbm>>) target(%dma_start3A_244 : memref<32x128xf32, #tpu.memory_space<vmem>>) target_semaphore(%arg25 : memref<!tpu.dma_semaphore, #tpu.memory_space<semaphore_mem>>)
      %slice3A_247 = vector.extract_strided_slice %get3A_210 {offsets = [2], sizes = [1], strides = [1]} : vector<16xi32> to vector<1xi32>
      %squeeze3A_248 = vector.extract %slice3A_247[0] : i32 from vector<1xi32>
      %mul3A_249 = arith.constant 128 : i32
      %mul3A_250 = arith.muli %squeeze3A_248, %mul3A_249 : i32
      %multiple_of3A_251 = tpu.assume_multiple %mul3A_250, 128 : i32
      %dma_start3A_252 = arith.constant 2 : i32
      %dma_start3A_253 = arith.constant 0 : i32
      %dma_start3A_254 = arith.constant 0 : i32
      %dma_start3A_255 = tpu.memref_slice %arg20[%dma_start3A_252, %dma_start3A_253, %dma_start3A_254] : memref<8x32x128xf32, #tpu.memory_space<vmem>> -> memref<1x32x128xf32, #tpu.memory_space<vmem>>
      %dma_start3A_256 = tpu.memref_squeeze %dma_start3A_255 : memref<1x32x128xf32, #tpu.memory_space<vmem>> -> memref<32x128xf32, #tpu.memory_space<vmem>>
      %dma_start3A_257 = arith.constant 0 : i32
      %dma_start3A_258 = tpu.memref_slice %arg3[%dma_start3A_257, %multiple_of3A_251] : memref<32x100000xf32, #tpu.memory_space<hbm>> -> memref<32x128xf32, #tpu.memory_space<hbm>>
      %dma_start3A_259 = arith.constant 0 : i32
      %dma_start3A_260 = arith.constant 0 : i32
      %dma_start3A_261 = tpu.memref_slice %arg20[%dma_start3A_252, %dma_start3A_259, %dma_start3A_260] : memref<8x32x128xf32, #tpu.memory_space<vmem>> -> memref<1x32x128xf32, #tpu.memory_space<vmem>>
      %dma_start3A_262 = tpu.memref_squeeze %dma_start3A_261 : memref<1x32x128xf32, #tpu.memory_space<vmem>> -> memref<32x128xf32, #tpu.memory_space<vmem>>
      %dma_start3A_263 = arith.constant 0 : i32
      %dma_start3A_264 = tpu.memref_slice %arg3[%dma_start3A_263, %multiple_of3A_251] : memref<32x100000xf32, #tpu.memory_space<hbm>> -> memref<32x128xf32, #tpu.memory_space<hbm>>
      tpu.enqueue_dma source(%dma_start3A_264 : memref<32x128xf32, #tpu.memory_space<hbm>>) target(%dma_start3A_262 : memref<32x128xf32, #tpu.memory_space<vmem>>) target_semaphore(%arg25 : memref<!tpu.dma_semaphore, #tpu.memory_space<semaphore_mem>>)
      %slice3A_265 = vector.extract_strided_slice %get3A_210 {offsets = [3], sizes = [1], strides = [1]} : vector<16xi32> to vector<1xi32>
      %squeeze3A_266 = vector.extract %slice3A_265[0] : i32 from vector<1xi32>
      %mul3A_267 = arith.constant 128 : i32
      %mul3A_268 = arith.muli %squeeze3A_266, %mul3A_267 : i32
      %multiple_of3A_269 = tpu.assume_multiple %mul3A_268, 128 : i32
      %dma_start3A_270 = arith.constant 3 : i32
      %dma_start3A_271 = arith.constant 0 : i32
      %dma_start3A_272 = arith.constant 0 : i32
      %dma_start3A_273 = tpu.memref_slice %arg20[%dma_start3A_270, %dma_start3A_271, %dma_start3A_272] : memref<8x32x128xf32, #tpu.memory_space<vmem>> -> memref<1x32x128xf32, #tpu.memory_space<vmem>>
      %dma_start3A_274 = tpu.memref_squeeze %dma_start3A_273 : memref<1x32x128xf32, #tpu.memory_space<vmem>> -> memref<32x128xf32, #tpu.memory_space<vmem>>
      %dma_start3A_275 = arith.constant 0 : i32
      %dma_start3A_276 = tpu.memref_slice %arg3[%dma_start3A_275, %multiple_of3A_269] : memref<32x100000xf32, #tpu.memory_space<hbm>> -> memref<32x128xf32, #tpu.memory_space<hbm>>
      %dma_start3A_277 = arith.constant 0 : i32
      %dma_start3A_278 = arith.constant 0 : i32
      %dma_start3A_279 = tpu.memref_slice %arg20[%dma_start3A_270, %dma_start3A_277, %dma_start3A_278] : memref<8x32x128xf32, #tpu.memory_space<vmem>> -> memref<1x32x128xf32, #tpu.memory_space<vmem>>
      %dma_start3A_280 = tpu.memref_squeeze %dma_start3A_279 : memref<1x32x128xf32, #tpu.memory_space<vmem>> -> memref<32x128xf32, #tpu.memory_space<vmem>>
      %dma_start3A_281 = arith.constant 0 : i32
      %dma_start3A_282 = tpu.memref_slice %arg3[%dma_start3A_281, %multiple_of3A_269] : memref<32x100000xf32, #tpu.memory_space<hbm>> -> memref<32x128xf32, #tpu.memory_space<hbm>>
      tpu.enqueue_dma source(%dma_start3A_282 : memref<32x128xf32, #tpu.memory_space<hbm>>) target(%dma_start3A_280 : memref<32x128xf32, #tpu.memory_space<vmem>>) target_semaphore(%arg25 : memref<!tpu.dma_semaphore, #tpu.memory_space<semaphore_mem>>)
      %slice3A_283 = vector.extract_strided_slice %get3A_210 {offsets = [4], sizes = [1], strides = [1]} : vector<16xi32> to vector<1xi32>
      %squeeze3A_284 = vector.extract %slice3A_283[0] : i32 from vector<1xi32>
      %mul3A_285 = arith.constant 128 : i32
      %mul3A_286 = arith.muli %squeeze3A_284, %mul3A_285 : i32
      %multiple_of3A_287 = tpu.assume_multiple %mul3A_286, 128 : i32
      %dma_start3A_288 = arith.constant 4 : i32
      %dma_start3A_289 = arith.constant 0 : i32
      %dma_start3A_290 = arith.constant 0 : i32
      %dma_start3A_291 = tpu.memref_slice %arg20[%dma_start3A_288, %dma_start3A_289, %dma_start3A_290] : memref<8x32x128xf32, #tpu.memory_space<vmem>> -> memref<1x32x128xf32, #tpu.memory_space<vmem>>
      %dma_start3A_292 = tpu.memref_squeeze %dma_start3A_291 : memref<1x32x128xf32, #tpu.memory_space<vmem>> -> memref<32x128xf32, #tpu.memory_space<vmem>>
      %dma_start3A_293 = arith.constant 0 : i32
      %dma_start3A_294 = tpu.memref_slice %arg3[%dma_start3A_293, %multiple_of3A_287] : memref<32x100000xf32, #tpu.memory_space<hbm>> -> memref<32x128xf32, #tpu.memory_space<hbm>>
      %dma_start3A_295 = arith.constant 0 : i32
      %dma_start3A_296 = arith.constant 0 : i32
      %dma_start3A_297 = tpu.memref_slice %arg20[%dma_start3A_288, %dma_start3A_295, %dma_start3A_296] : memref<8x32x128xf32, #tpu.memory_space<vmem>> -> memref<1x32x128xf32, #tpu.memory_space<vmem>>
      %dma_start3A_298 = tpu.memref_squeeze %dma_start3A_297 : memref<1x32x128xf32, #tpu.memory_space<vmem>> -> memref<32x128xf32, #tpu.memory_space<vmem>>
      %dma_start3A_299 = arith.constant 0 : i32
      %dma_start3A_300 = tpu.memref_slice %arg3[%dma_start3A_299, %multiple_of3A_287] : memref<32x100000xf32, #tpu.memory_space<hbm>> -> memref<32x128xf32, #tpu.memory_space<hbm>>
      tpu.enqueue_dma source(%dma_start3A_300 : memref<32x128xf32, #tpu.memory_space<hbm>>) target(%dma_start3A_298 : memref<32x128xf32, #tpu.memory_space<vmem>>) target_semaphore(%arg25 : memref<!tpu.dma_semaphore, #tpu.memory_space<semaphore_mem>>)
      %slice3A_301 = vector.extract_strided_slice %get3A_210 {offsets = [5], sizes = [1], strides = [1]} : vector<16xi32> to vector<1xi32>
      %squeeze3A_302 = vector.extract %slice3A_301[0] : i32 from vector<1xi32>
      %mul3A_303 = arith.constant 128 : i32
      %mul3A_304 = arith.muli %squeeze3A_302, %mul3A_303 : i32
      %multiple_of3A_305 = tpu.assume_multiple %mul3A_304, 128 : i32
      %dma_start3A_306 = arith.constant 5 : i32
      %dma_start3A_307 = arith.constant 0 : i32
      %dma_start3A_308 = arith.constant 0 : i32
      %dma_start3A_309 = tpu.memref_slice %arg20[%dma_start3A_306, %dma_start3A_307, %dma_start3A_308] : memref<8x32x128xf32, #tpu.memory_space<vmem>> -> memref<1x32x128xf32, #tpu.memory_space<vmem>>
      %dma_start3A_310 = tpu.memref_squeeze %dma_start3A_309 : memref<1x32x128xf32, #tpu.memory_space<vmem>> -> memref<32x128xf32, #tpu.memory_space<vmem>>
      %dma_start3A_311 = arith.constant 0 : i32
      %dma_start3A_312 = tpu.memref_slice %arg3[%dma_start3A_311, %multiple_of3A_305] : memref<32x100000xf32, #tpu.memory_space<hbm>> -> memref<32x128xf32, #tpu.memory_space<hbm>>
      %dma_start3A_313 = arith.constant 0 : i32
      %dma_start3A_314 = arith.constant 0 : i32
      %dma_start3A_315 = tpu.memref_slice %arg20[%dma_start3A_306, %dma_start3A_313, %dma_start3A_314] : memref<8x32x128xf32, #tpu.memory_space<vmem>> -> memref<1x32x128xf32, #tpu.memory_space<vmem>>
      %dma_start3A_316 = tpu.memref_squeeze %dma_start3A_315 : memref<1x32x128xf32, #tpu.memory_space<vmem>> -> memref<32x128xf32, #tpu.memory_space<vmem>>
      %dma_start3A_317 = arith.constant 0 : i32
      %dma_start3A_318 = tpu.memref_slice %arg3[%dma_start3A_317, %multiple_of3A_305] : memref<32x100000xf32, #tpu.memory_space<hbm>> -> memref<32x128xf32, #tpu.memory_space<hbm>>
      tpu.enqueue_dma source(%dma_start3A_318 : memref<32x128xf32, #tpu.memory_space<hbm>>) target(%dma_start3A_316 : memref<32x128xf32, #tpu.memory_space<vmem>>) target_semaphore(%arg25 : memref<!tpu.dma_semaphore, #tpu.memory_space<semaphore_mem>>)
      %slice3A_319 = vector.extract_strided_slice %get3A_210 {offsets = [6], sizes = [1], strides = [1]} : vector<16xi32> to vector<1xi32>
      %squeeze3A_320 = vector.extract %slice3A_319[0] : i32 from vector<1xi32>
      %mul3A_321 = arith.constant 128 : i32
      %mul3A_322 = arith.muli %squeeze3A_320, %mul3A_321 : i32
      %multiple_of3A_323 = tpu.assume_multiple %mul3A_322, 128 : i32
      %dma_start3A_324 = arith.constant 6 : i32
      %dma_start3A_325 = arith.constant 0 : i32
      %dma_start3A_326 = arith.constant 0 : i32
      %dma_start3A_327 = tpu.memref_slice %arg20[%dma_start3A_324, %dma_start3A_325, %dma_start3A_326] : memref<8x32x128xf32, #tpu.memory_space<vmem>> -> memref<1x32x128xf32, #tpu.memory_space<vmem>>
      %dma_start3A_328 = tpu.memref_squeeze %dma_start3A_327 : memref<1x32x128xf32, #tpu.memory_space<vmem>> -> memref<32x128xf32, #tpu.memory_space<vmem>>
      %dma_start3A_329 = arith.constant 0 : i32
      %dma_start3A_330 = tpu.memref_slice %arg3[%dma_start3A_329, %multiple_of3A_323] : memref<32x100000xf32, #tpu.memory_space<hbm>> -> memref<32x128xf32, #tpu.memory_space<hbm>>
      %dma_start3A_331 = arith.constant 0 : i32
      %dma_start3A_332 = arith.constant 0 : i32
      %dma_start3A_333 = tpu.memref_slice %arg20[%dma_start3A_324, %dma_start3A_331, %dma_start3A_332] : memref<8x32x128xf32, #tpu.memory_space<vmem>> -> memref<1x32x128xf32, #tpu.memory_space<vmem>>
      %dma_start3A_334 = tpu.memref_squeeze %dma_start3A_333 : memref<1x32x128xf32, #tpu.memory_space<vmem>> -> memref<32x128xf32, #tpu.memory_space<vmem>>
      %dma_start3A_335 = arith.constant 0 : i32
      %dma_start3A_336 = tpu.memref_slice %arg3[%dma_start3A_335, %multiple_of3A_323] : memref<32x100000xf32, #tpu.memory_space<hbm>> -> memref<32x128xf32, #tpu.memory_space<hbm>>
      tpu.enqueue_dma source(%dma_start3A_336 : memref<32x128xf32, #tpu.memory_space<hbm>>) target(%dma_start3A_334 : memref<32x128xf32, #tpu.memory_space<vmem>>) target_semaphore(%arg25 : memref<!tpu.dma_semaphore, #tpu.memory_space<semaphore_mem>>)
      %slice3A_337 = vector.extract_strided_slice %get3A_210 {offsets = [7], sizes = [1], strides = [1]} : vector<16xi32> to vector<1xi32>
      %squeeze3A_338 = vector.extract %slice3A_337[0] : i32 from vector<1xi32>
      %mul3A_339 = arith.constant 128 : i32
      %mul3A_340 = arith.muli %squeeze3A_338, %mul3A_339 : i32
      %multiple_of3A_341 = tpu.assume_multiple %mul3A_340, 128 : i32
      %dma_start3A_342 = arith.constant 7 : i32
      %dma_start3A_343 = arith.constant 0 : i32
      %dma_start3A_344 = arith.constant 0 : i32
      %dma_start3A_345 = tpu.memref_slice %arg20[%dma_start3A_342, %dma_start3A_343, %dma_start3A_344] : memref<8x32x128xf32, #tpu.memory_space<vmem>> -> memref<1x32x128xf32, #tpu.memory_space<vmem>>
      %dma_start3A_346 = tpu.memref_squeeze %dma_start3A_345 : memref<1x32x128xf32, #tpu.memory_space<vmem>> -> memref<32x128xf32, #tpu.memory_space<vmem>>
      %dma_start3A_347 = arith.constant 0 : i32
      %dma_start3A_348 = tpu.memref_slice %arg3[%dma_start3A_347, %multiple_of3A_341] : memref<32x100000xf32, #tpu.memory_space<hbm>> -> memref<32x128xf32, #tpu.memory_space<hbm>>
      %dma_start3A_349 = arith.constant 0 : i32
      %dma_start3A_350 = arith.constant 0 : i32
      %dma_start3A_351 = tpu.memref_slice %arg20[%dma_start3A_342, %dma_start3A_349, %dma_start3A_350] : memref<8x32x128xf32, #tpu.memory_space<vmem>> -> memref<1x32x128xf32, #tpu.memory_space<vmem>>
      %dma_start3A_352 = tpu.memref_squeeze %dma_start3A_351 : memref<1x32x128xf32, #tpu.memory_space<vmem>> -> memref<32x128xf32, #tpu.memory_space<vmem>>
      %dma_start3A_353 = arith.constant 0 : i32
      %dma_start3A_354 = tpu.memref_slice %arg3[%dma_start3A_353, %multiple_of3A_341] : memref<32x100000xf32, #tpu.memory_space<hbm>> -> memref<32x128xf32, #tpu.memory_space<hbm>>
      tpu.enqueue_dma source(%dma_start3A_354 : memref<32x128xf32, #tpu.memory_space<hbm>>) target(%dma_start3A_352 : memref<32x128xf32, #tpu.memory_space<vmem>>) target_semaphore(%arg25 : memref<!tpu.dma_semaphore, #tpu.memory_space<semaphore_mem>>)
      %dma_wait3A_355 = arith.constant 0 : i32
      %dma_wait3A_356 = arith.constant 0 : i32
      %dma_wait3A_357 = arith.constant 0 : i32
      %dma_wait3A_358 = tpu.memref_slice %arg20[%dma_wait3A_355, %dma_wait3A_356, %dma_wait3A_357] : memref<8x32x128xf32, #tpu.memory_space<vmem>> -> memref<1x32x128xf32, #tpu.memory_space<vmem>>
      %dma_wait3A_359 = tpu.memref_squeeze %dma_wait3A_358 : memref<1x32x128xf32, #tpu.memory_space<vmem>> -> memref<32x128xf32, #tpu.memory_space<vmem>>
      %dma_wait3A_360 = arith.constant 0 : i32
      %dma_wait3A_361 = arith.constant 0 : i32
      %dma_wait3A_362 = tpu.memref_slice %arg2[%dma_wait3A_360, %dma_wait3A_361] : memref<32x1000000xf32, #tpu.memory_space<hbm>> -> memref<32x128xf32, #tpu.memory_space<hbm>>
      %dma_wait3A_363 = arith.constant 0 : i32
      %dma_wait3A_364 = arith.constant 0 : i32
      %dma_wait3A_365 = tpu.memref_slice %arg20[%dma_wait3A_355, %dma_wait3A_363, %dma_wait3A_364] : memref<8x32x128xf32, #tpu.memory_space<vmem>> -> memref<1x32x128xf32, #tpu.memory_space<vmem>>
      %dma_wait3A_366 = tpu.memref_squeeze %dma_wait3A_365 : memref<1x32x128xf32, #tpu.memory_space<vmem>> -> memref<32x128xf32, #tpu.memory_space<vmem>>
      %dma_wait3A_367 = arith.constant 0 : i32
      %dma_wait3A_368 = arith.constant 0 : i32
      %dma_wait3A_369 = tpu.memref_slice %arg2[%dma_wait3A_367, %dma_wait3A_368] : memref<32x1000000xf32, #tpu.memory_space<hbm>> -> memref<32x128xf32, #tpu.memory_space<hbm>>
      tpu.wait_dma2 semaphore(%arg24 : memref<!tpu.dma_semaphore, #tpu.memory_space<semaphore_mem>>) src(%dma_wait3A_369 : memref<32x128xf32, #tpu.memory_space<hbm>>) dst(%dma_wait3A_366 : memref<32x128xf32, #tpu.memory_space<vmem>>)
      %dma_wait3A_370 = arith.constant 1 : i32
      %dma_wait3A_371 = arith.constant 0 : i32
      %dma_wait3A_372 = arith.constant 0 : i32
      %dma_wait3A_373 = tpu.memref_slice %arg20[%dma_wait3A_370, %dma_wait3A_371, %dma_wait3A_372] : memref<8x32x128xf32, #tpu.memory_space<vmem>> -> memref<1x32x128xf32, #tpu.memory_space<vmem>>
      %dma_wait3A_374 = tpu.memref_squeeze %dma_wait3A_373 : memref<1x32x128xf32, #tpu.memory_space<vmem>> -> memref<32x128xf32, #tpu.memory_space<vmem>>
      %dma_wait3A_375 = arith.constant 0 : i32
      %dma_wait3A_376 = arith.constant 0 : i32
      %dma_wait3A_377 = tpu.memref_slice %arg2[%dma_wait3A_375, %dma_wait3A_376] : memref<32x1000000xf32, #tpu.memory_space<hbm>> -> memref<32x128xf32, #tpu.memory_space<hbm>>
      %dma_wait3A_378 = arith.constant 0 : i32
      %dma_wait3A_379 = arith.constant 0 : i32
      %dma_wait3A_380 = tpu.memref_slice %arg20[%dma_wait3A_370, %dma_wait3A_378, %dma_wait3A_379] : memref<8x32x128xf32, #tpu.memory_space<vmem>> -> memref<1x32x128xf32, #tpu.memory_space<vmem>>
      %dma_wait3A_381 = tpu.memref_squeeze %dma_wait3A_380 : memref<1x32x128xf32, #tpu.memory_space<vmem>> -> memref<32x128xf32, #tpu.memory_space<vmem>>
      %dma_wait3A_382 = arith.constant 0 : i32
      %dma_wait3A_383 = arith.constant 0 : i32
      %dma_wait3A_384 = tpu.memref_slice %arg2[%dma_wait3A_382, %dma_wait3A_383] : memref<32x1000000xf32, #tpu.memory_space<hbm>> -> memref<32x128xf32, #tpu.memory_space<hbm>>
      tpu.wait_dma2 semaphore(%arg24 : memref<!tpu.dma_semaphore, #tpu.memory_space<semaphore_mem>>) src(%dma_wait3A_384 : memref<32x128xf32, #tpu.memory_space<hbm>>) dst(%dma_wait3A_381 : memref<32x128xf32, #tpu.memory_space<vmem>>)
      %dma_wait3A_385 = arith.constant 2 : i32
      %dma_wait3A_386 = arith.constant 0 : i32
      %dma_wait3A_387 = arith.constant 0 : i32
      %dma_wait3A_388 = tpu.memref_slice %arg20[%dma_wait3A_385, %dma_wait3A_386, %dma_wait3A_387] : memref<8x32x128xf32, #tpu.memory_space<vmem>> -> memref<1x32x128xf32, #tpu.memory_space<vmem>>
      %dma_wait3A_389 = tpu.memref_squeeze %dma_wait3A_388 : memref<1x32x128xf32, #tpu.memory_space<vmem>> -> memref<32x128xf32, #tpu.memory_space<vmem>>
      %dma_wait3A_390 = arith.constant 0 : i32
      %dma_wait3A_391 = arith.constant 0 : i32
      %dma_wait3A_392 = tpu.memref_slice %arg2[%dma_wait3A_390, %dma_wait3A_391] : memref<32x1000000xf32, #tpu.memory_space<hbm>> -> memref<32x128xf32, #tpu.memory_space<hbm>>
      %dma_wait3A_393 = arith.constant 0 : i32
      %dma_wait3A_394 = arith.constant 0 : i32
      %dma_wait3A_395 = tpu.memref_slice %arg20[%dma_wait3A_385, %dma_wait3A_393, %dma_wait3A_394] : memref<8x32x128xf32, #tpu.memory_space<vmem>> -> memref<1x32x128xf32, #tpu.memory_space<vmem>>
      %dma_wait3A_396 = tpu.memref_squeeze %dma_wait3A_395 : memref<1x32x128xf32, #tpu.memory_space<vmem>> -> memref<32x128xf32, #tpu.memory_space<vmem>>
      %dma_wait3A_397 = arith.constant 0 : i32
      %dma_wait3A_398 = arith.constant 0 : i32
      %dma_wait3A_399 = tpu.memref_slice %arg2[%dma_wait3A_397, %dma_wait3A_398] : memref<32x1000000xf32, #tpu.memory_space<hbm>> -> memref<32x128xf32, #tpu.memory_space<hbm>>
      tpu.wait_dma2 semaphore(%arg24 : memref<!tpu.dma_semaphore, #tpu.memory_space<semaphore_mem>>) src(%dma_wait3A_399 : memref<32x128xf32, #tpu.memory_space<hbm>>) dst(%dma_wait3A_396 : memref<32x128xf32, #tpu.memory_space<vmem>>)
      %dma_wait3A_400 = arith.constant 3 : i32
      %dma_wait3A_401 = arith.constant 0 : i32
      %dma_wait3A_402 = arith.constant 0 : i32
      %dma_wait3A_403 = tpu.memref_slice %arg20[%dma_wait3A_400, %dma_wait3A_401, %dma_wait3A_402] : memref<8x32x128xf32, #tpu.memory_space<vmem>> -> memref<1x32x128xf32, #tpu.memory_space<vmem>>
      %dma_wait3A_404 = tpu.memref_squeeze %dma_wait3A_403 : memref<1x32x128xf32, #tpu.memory_space<vmem>> -> memref<32x128xf32, #tpu.memory_space<vmem>>
      %dma_wait3A_405 = arith.constant 0 : i32
      %dma_wait3A_406 = arith.constant 0 : i32
      %dma_wait3A_407 = tpu.memref_slice %arg2[%dma_wait3A_405, %dma_wait3A_406] : memref<32x1000000xf32, #tpu.memory_space<hbm>> -> memref<32x128xf32, #tpu.memory_space<hbm>>
      %dma_wait3A_408 = arith.constant 0 : i32
      %dma_wait3A_409 = arith.constant 0 : i32
      %dma_wait3A_410 = tpu.memref_slice %arg20[%dma_wait3A_400, %dma_wait3A_408, %dma_wait3A_409] : memref<8x32x128xf32, #tpu.memory_space<vmem>> -> memref<1x32x128xf32, #tpu.memory_space<vmem>>
      %dma_wait3A_411 = tpu.memref_squeeze %dma_wait3A_410 : memref<1x32x128xf32, #tpu.memory_space<vmem>> -> memref<32x128xf32, #tpu.memory_space<vmem>>
      %dma_wait3A_412 = arith.constant 0 : i32
      %dma_wait3A_413 = arith.constant 0 : i32
      %dma_wait3A_414 = tpu.memref_slice %arg2[%dma_wait3A_412, %dma_wait3A_413] : memref<32x1000000xf32, #tpu.memory_space<hbm>> -> memref<32x128xf32, #tpu.memory_space<hbm>>
      tpu.wait_dma2 semaphore(%arg24 : memref<!tpu.dma_semaphore, #tpu.memory_space<semaphore_mem>>) src(%dma_wait3A_414 : memref<32x128xf32, #tpu.memory_space<hbm>>) dst(%dma_wait3A_411 : memref<32x128xf32, #tpu.memory_space<vmem>>)
      %dma_wait3A_415 = arith.constant 4 : i32
      %dma_wait3A_416 = arith.constant 0 : i32
      %dma_wait3A_417 = arith.constant 0 : i32
      %dma_wait3A_418 = tpu.memref_slice %arg20[%dma_wait3A_415, %dma_wait3A_416, %dma_wait3A_417] : memref<8x32x128xf32, #tpu.memory_space<vmem>> -> memref<1x32x128xf32, #tpu.memory_space<vmem>>
      %dma_wait3A_419 = tpu.memref_squeeze %dma_wait3A_418 : memref<1x32x128xf32, #tpu.memory_space<vmem>> -> memref<32x128xf32, #tpu.memory_space<vmem>>
      %dma_wait3A_420 = arith.constant 0 : i32
      %dma_wait3A_421 = arith.constant 0 : i32
      %dma_wait3A_422 = tpu.memref_slice %arg2[%dma_wait3A_420, %dma_wait3A_421] : memref<32x1000000xf32, #tpu.memory_space<hbm>> -> memref<32x128xf32, #tpu.memory_space<hbm>>
      %dma_wait3A_423 = arith.constant 0 : i32
      %dma_wait3A_424 = arith.constant 0 : i32
      %dma_wait3A_425 = tpu.memref_slice %arg20[%dma_wait3A_415, %dma_wait3A_423, %dma_wait3A_424] : memref<8x32x128xf32, #tpu.memory_space<vmem>> -> memref<1x32x128xf32, #tpu.memory_space<vmem>>
      %dma_wait3A_426 = tpu.memref_squeeze %dma_wait3A_425 : memref<1x32x128xf32, #tpu.memory_space<vmem>> -> memref<32x128xf32, #tpu.memory_space<vmem>>
      %dma_wait3A_427 = arith.constant 0 : i32
      %dma_wait3A_428 = arith.constant 0 : i32
      %dma_wait3A_429 = tpu.memref_slice %arg2[%dma_wait3A_427, %dma_wait3A_428] : memref<32x1000000xf32, #tpu.memory_space<hbm>> -> memref<32x128xf32, #tpu.memory_space<hbm>>
      tpu.wait_dma2 semaphore(%arg24 : memref<!tpu.dma_semaphore, #tpu.memory_space<semaphore_mem>>) src(%dma_wait3A_429 : memref<32x128xf32, #tpu.memory_space<hbm>>) dst(%dma_wait3A_426 : memref<32x128xf32, #tpu.memory_space<vmem>>)
      %dma_wait3A_430 = arith.constant 5 : i32
      %dma_wait3A_431 = arith.constant 0 : i32
      %dma_wait3A_432 = arith.constant 0 : i32
      %dma_wait3A_433 = tpu.memref_slice %arg20[%dma_wait3A_430, %dma_wait3A_431, %dma_wait3A_432] : memref<8x32x128xf32, #tpu.memory_space<vmem>> -> memref<1x32x128xf32, #tpu.memory_space<vmem>>
      %dma_wait3A_434 = tpu.memref_squeeze %dma_wait3A_433 : memref<1x32x128xf32, #tpu.memory_space<vmem>> -> memref<32x128xf32, #tpu.memory_space<vmem>>
      %dma_wait3A_435 = arith.constant 0 : i32
      %dma_wait3A_436 = arith.constant 0 : i32
      %dma_wait3A_437 = tpu.memref_slice %arg2[%dma_wait3A_435, %dma_wait3A_436] : memref<32x1000000xf32, #tpu.memory_space<hbm>> -> memref<32x128xf32, #tpu.memory_space<hbm>>
      %dma_wait3A_438 = arith.constant 0 : i32
      %dma_wait3A_439 = arith.constant 0 : i32
      %dma_wait3A_440 = tpu.memref_slice %arg20[%dma_wait3A_430, %dma_wait3A_438, %dma_wait3A_439] : memref<8x32x128xf32, #tpu.memory_space<vmem>> -> memref<1x32x128xf32, #tpu.memory_space<vmem>>
      %dma_wait3A_441 = tpu.memref_squeeze %dma_wait3A_440 : memref<1x32x128xf32, #tpu.memory_space<vmem>> -> memref<32x128xf32, #tpu.memory_space<vmem>>
      %dma_wait3A_442 = arith.constant 0 : i32
      %dma_wait3A_443 = arith.constant 0 : i32
      %dma_wait3A_444 = tpu.memref_slice %arg2[%dma_wait3A_442, %dma_wait3A_443] : memref<32x1000000xf32, #tpu.memory_space<hbm>> -> memref<32x128xf32, #tpu.memory_space<hbm>>
      tpu.wait_dma2 semaphore(%arg24 : memref<!tpu.dma_semaphore, #tpu.memory_space<semaphore_mem>>) src(%dma_wait3A_444 : memref<32x128xf32, #tpu.memory_space<hbm>>) dst(%dma_wait3A_441 : memref<32x128xf32, #tpu.memory_space<vmem>>)
      %dma_wait3A_445 = arith.constant 6 : i32
      %dma_wait3A_446 = arith.constant 0 : i32
      %dma_wait3A_447 = arith.constant 0 : i32
      %dma_wait3A_448 = tpu.memref_slice %arg20[%dma_wait3A_445, %dma_wait3A_446, %dma_wait3A_447] : memref<8x32x128xf32, #tpu.memory_space<vmem>> -> memref<1x32x128xf32, #tpu.memory_space<vmem>>
      %dma_wait3A_449 = tpu.memref_squeeze %dma_wait3A_448 : memref<1x32x128xf32, #tpu.memory_space<vmem>> -> memref<32x128xf32, #tpu.memory_space<vmem>>
      %dma_wait3A_450 = arith.constant 0 : i32
      %dma_wait3A_451 = arith.constant 0 : i32
      %dma_wait3A_452 = tpu.memref_slice %arg2[%dma_wait3A_450, %dma_wait3A_451] : memref<32x1000000xf32, #tpu.memory_space<hbm>> -> memref<32x128xf32, #tpu.memory_space<hbm>>
      %dma_wait3A_453 = arith.constant 0 : i32
      %dma_wait3A_454 = arith.constant 0 : i32
      %dma_wait3A_455 = tpu.memref_slice %arg20[%dma_wait3A_445, %dma_wait3A_453, %dma_wait3A_454] : memref<8x32x128xf32, #tpu.memory_space<vmem>> -> memref<1x32x128xf32, #tpu.memory_space<vmem>>
      %dma_wait3A_456 = tpu.memref_squeeze %dma_wait3A_455 : memref<1x32x128xf32, #tpu.memory_space<vmem>> -> memref<32x128xf32, #tpu.memory_space<vmem>>
      %dma_wait3A_457 = arith.constant 0 : i32
      %dma_wait3A_458 = arith.constant 0 : i32
      %dma_wait3A_459 = tpu.memref_slice %arg2[%dma_wait3A_457, %dma_wait3A_458] : memref<32x1000000xf32, #tpu.memory_space<hbm>> -> memref<32x128xf32, #tpu.memory_space<hbm>>
      tpu.wait_dma2 semaphore(%arg24 : memref<!tpu.dma_semaphore, #tpu.memory_space<semaphore_mem>>) src(%dma_wait3A_459 : memref<32x128xf32, #tpu.memory_space<hbm>>) dst(%dma_wait3A_456 : memref<32x128xf32, #tpu.memory_space<vmem>>)
      %dma_wait3A_460 = arith.constant 7 : i32
      %dma_wait3A_461 = arith.constant 0 : i32
      %dma_wait3A_462 = arith.constant 0 : i32
      %dma_wait3A_463 = tpu.memref_slice %arg20[%dma_wait3A_460, %dma_wait3A_461, %dma_wait3A_462] : memref<8x32x128xf32, #tpu.memory_space<vmem>> -> memref<1x32x128xf32, #tpu.memory_space<vmem>>
      %dma_wait3A_464 = tpu.memref_squeeze %dma_wait3A_463 : memref<1x32x128xf32, #tpu.memory_space<vmem>> -> memref<32x128xf32, #tpu.memory_space<vmem>>
      %dma_wait3A_465 = arith.constant 0 : i32
      %dma_wait3A_466 = arith.constant 0 : i32
      %dma_wait3A_467 = tpu.memref_slice %arg2[%dma_wait3A_465, %dma_wait3A_466] : memref<32x1000000xf32, #tpu.memory_space<hbm>> -> memref<32x128xf32, #tpu.memory_space<hbm>>
      %dma_wait3A_468 = arith.constant 0 : i32
      %dma_wait3A_469 = arith.constant 0 : i32
      %dma_wait3A_470 = tpu.memref_slice %arg20[%dma_wait3A_460, %dma_wait3A_468, %dma_wait3A_469] : memref<8x32x128xf32, #tpu.memory_space<vmem>> -> memref<1x32x128xf32, #tpu.memory_space<vmem>>
      %dma_wait3A_471 = tpu.memref_squeeze %dma_wait3A_470 : memref<1x32x128xf32, #tpu.memory_space<vmem>> -> memref<32x128xf32, #tpu.memory_space<vmem>>
      %dma_wait3A_472 = arith.constant 0 : i32
      %dma_wait3A_473 = arith.constant 0 : i32
      %dma_wait3A_474 = tpu.memref_slice %arg2[%dma_wait3A_472, %dma_wait3A_473] : memref<32x1000000xf32, #tpu.memory_space<hbm>> -> memref<32x128xf32, #tpu.memory_space<hbm>>
      tpu.wait_dma2 semaphore(%arg24 : memref<!tpu.dma_semaphore, #tpu.memory_space<semaphore_mem>>) src(%dma_wait3A_474 : memref<32x128xf32, #tpu.memory_space<hbm>>) dst(%dma_wait3A_471 : memref<32x128xf32, #tpu.memory_space<vmem>>)
      %jit3A_475 = arith.constant 2 : i32
      %eq3A_476 = arith.constant 0 : i32
      %eq3A_477 = arith.cmpi eq, %jit3A_475, %eq3A_476 : i32
      %jit3A_478 = arith.constant 1 : i32
      %select_n3A_479 = arith.select %eq3A_477, %jit3A_478, %jit3A_475 : i32
      %rem3A_480 = arith.remsi %scan3A_205, %select_n3A_479 : i32
      %ne3A_481 = arith.constant 0 : i32
      %ne3A_482 = arith.cmpi ne, %rem3A_480, %ne3A_481 : i32
      %lt3A_483 = arith.constant 0 : i32
      %lt3A_484 = arith.cmpi slt, %rem3A_480, %lt3A_483 : i32
      %lt3A_485 = arith.constant 0 : i32
      %lt3A_486 = arith.cmpi slt, %select_n3A_479, %lt3A_485 : i32
      %ne3A_487 = arith.xori %lt3A_484, %lt3A_486 : i1
      %and3A_488 = arith.andi %ne3A_487, %ne3A_482 : i1
      %add3A_489 = arith.addi %rem3A_480, %select_n3A_479 : i32
      %select_n3A_490 = arith.select %and3A_488, %add3A_489, %rem3A_480 : i32
      %broadcast_in_dim3A = vector.broadcast %select_n3A_490 : i32 to vector<16xi32>
      %mul3A_491 = arith.constant 8 : i32
      %mul3A_492 = arith.muli %scan3A_205, %mul3A_491 : i32
      %add3A_493 = vector.broadcast %mul3A_492 : i32 to vector<16xi32>
      %add3A_494 = arith.addi %add3A_493, %select_n3A_17 : vector<16xi32>
      %gather3A = tpu.vector_load_idx %arg14[%add3A_494] : memref<512xi32, #tpu.memory_space<vmem>>[vector<16xi32>], vector<16xi32>,
      %add3A_495 = arith.constant 0 : i32
      %add3A_496 = vector.broadcast %add3A_495 : i32 to vector<16xi32>
      %add3A_497 = arith.addi %select_n3A_45, %add3A_496 : vector<16xi32>
      %gather3A_498 = tpu.vector_load_idx %arg19[%select_n3A_17, %add3A_497, %gather3A] : memref<8x32x128xf32, #tpu.memory_space<vmem>>[vector<16xi32>, vector<16xi32>, vector<16xi32>], vector<16xf32>,
      %add3A_499 = arith.constant 0 : i32
      %add3A_500 = vector.broadcast %add3A_499 : i32 to vector<16xi32>
      %add3A_501 = arith.addi %select_n3A_45, %add3A_500 : vector<16xi32>
      tpu.vector_store_idx %arg23[%broadcast_in_dim3A, %select_n3A_17, %add3A_501], %gather3A_498 : memref<2x8x128xf32, #tpu.memory_space<vmem>>[vector<16xi32>, vector<16xi32>, vector<16xi32>], vector<16xf32>,
      %add3A_502 = arith.constant 2 : i32
      %add3A_503 = vector.broadcast %add3A_502 : i32 to vector<16xi32>
      %add3A_504 = arith.addi %select_n3A_45, %add3A_503 : vector<16xi32>
      %gather3A_505 = tpu.vector_load_idx %arg19[%select_n3A_17, %add3A_504, %gather3A] : memref<8x32x128xf32, #tpu.memory_space<vmem>>[vector<16xi32>, vector<16xi32>, vector<16xi32>], vector<16xf32>,
      %add3A_506 = arith.constant 2 : i32
      %add3A_507 = vector.broadcast %add3A_506 : i32 to vector<16xi32>
      %add3A_508 = arith.addi %select_n3A_45, %add3A_507 : vector<16xi32>
      tpu.vector_store_idx %arg23[%broadcast_in_dim3A, %select_n3A_17, %add3A_508], %gather3A_505 : memref<2x8x128xf32, #tpu.memory_space<vmem>>[vector<16xi32>, vector<16xi32>, vector<16xi32>], vector<16xf32>,
      %add3A_509 = arith.constant 4 : i32
      %add3A_510 = vector.broadcast %add3A_509 : i32 to vector<16xi32>
      %add3A_511 = arith.addi %select_n3A_45, %add3A_510 : vector<16xi32>
      %gather3A_512 = tpu.vector_load_idx %arg19[%select_n3A_17, %add3A_511, %gather3A] : memref<8x32x128xf32, #tpu.memory_space<vmem>>[vector<16xi32>, vector<16xi32>, vector<16xi32>], vector<16xf32>,
      %add3A_513 = arith.constant 4 : i32
      %add3A_514 = vector.broadcast %add3A_513 : i32 to vector<16xi32>
      %add3A_515 = arith.addi %select_n3A_45, %add3A_514 : vector<16xi32>
      tpu.vector_store_idx %arg23[%broadcast_in_dim3A, %select_n3A_17, %add3A_515], %gather3A_512 : memref<2x8x128xf32, #tpu.memory_space<vmem>>[vector<16xi32>, vector<16xi32>, vector<16xi32>], vector<16xf32>,
      %add3A_516 = arith.constant 6 : i32
      %add3A_517 = vector.broadcast %add3A_516 : i32 to vector<16xi32>
      %add3A_518 = arith.addi %select_n3A_45, %add3A_517 : vector<16xi32>
      %gather3A_519 = tpu.vector_load_idx %arg19[%select_n3A_17, %add3A_518, %gather3A] : memref<8x32x128xf32, #tpu.memory_space<vmem>>[vector<16xi32>, vector<16xi32>, vector<16xi32>], vector<16xf32>,
      %add3A_520 = arith.constant 6 : i32
      %add3A_521 = vector.broadcast %add3A_520 : i32 to vector<16xi32>
      %add3A_522 = arith.addi %select_n3A_45, %add3A_521 : vector<16xi32>
      tpu.vector_store_idx %arg23[%broadcast_in_dim3A, %select_n3A_17, %add3A_522], %gather3A_519 : memref<2x8x128xf32, #tpu.memory_space<vmem>>[vector<16xi32>, vector<16xi32>, vector<16xi32>], vector<16xf32>,
      %add3A_523 = arith.constant 8 : i32
      %add3A_524 = vector.broadcast %add3A_523 : i32 to vector<16xi32>
      %add3A_525 = arith.addi %select_n3A_45, %add3A_524 : vector<16xi32>
      %gather3A_526 = tpu.vector_load_idx %arg19[%select_n3A_17, %add3A_525, %gather3A] : memref<8x32x128xf32, #tpu.memory_space<vmem>>[vector<16xi32>, vector<16xi32>, vector<16xi32>], vector<16xf32>,
      %add3A_527 = arith.constant 8 : i32
      %add3A_528 = vector.broadcast %add3A_527 : i32 to vector<16xi32>
      %add3A_529 = arith.addi %select_n3A_45, %add3A_528 : vector<16xi32>
      tpu.vector_store_idx %arg23[%broadcast_in_dim3A, %select_n3A_17, %add3A_529], %gather3A_526 : memref<2x8x128xf32, #tpu.memory_space<vmem>>[vector<16xi32>, vector<16xi32>, vector<16xi32>], vector<16xf32>,
      %add3A_530 = arith.constant 10 : i32
      %add3A_531 = vector.broadcast %add3A_530 : i32 to vector<16xi32>
      %add3A_532 = arith.addi %select_n3A_45, %add3A_531 : vector<16xi32>
      %gather3A_533 = tpu.vector_load_idx %arg19[%select_n3A_17, %add3A_532, %gather3A] : memref<8x32x128xf32, #tpu.memory_space<vmem>>[vector<16xi32>, vector<16xi32>, vector<16xi32>], vector<16xf32>,
      %add3A_534 = arith.constant 10 : i32
      %add3A_535 = vector.broadcast %add3A_534 : i32 to vector<16xi32>
      %add3A_536 = arith.addi %select_n3A_45, %add3A_535 : vector<16xi32>
      tpu.vector_store_idx %arg23[%broadcast_in_dim3A, %select_n3A_17, %add3A_536], %gather3A_533 : memref<2x8x128xf32, #tpu.memory_space<vmem>>[vector<16xi32>, vector<16xi32>, vector<16xi32>], vector<16xf32>,
      %add3A_537 = arith.constant 12 : i32
      %add3A_538 = vector.broadcast %add3A_537 : i32 to vector<16xi32>
      %add3A_539 = arith.addi %select_n3A_45, %add3A_538 : vector<16xi32>
      %gather3A_540 = tpu.vector_load_idx %arg19[%select_n3A_17, %add3A_539, %gather3A] : memref<8x32x128xf32, #tpu.memory_space<vmem>>[vector<16xi32>, vector<16xi32>, vector<16xi32>], vector<16xf32>,
      %add3A_541 = arith.constant 12 : i32
      %add3A_542 = vector.broadcast %add3A_541 : i32 to vector<16xi32>
      %add3A_543 = arith.addi %select_n3A_45, %add3A_542 : vector<16xi32>
      tpu.vector_store_idx %arg23[%broadcast_in_dim3A, %select_n3A_17, %add3A_543], %gather3A_540 : memref<2x8x128xf32, #tpu.memory_space<vmem>>[vector<16xi32>, vector<16xi32>, vector<16xi32>], vector<16xf32>,
      %add3A_544 = arith.constant 14 : i32
      %add3A_545 = vector.broadcast %add3A_544 : i32 to vector<16xi32>
      %add3A_546 = arith.addi %select_n3A_45, %add3A_545 : vector<16xi32>
      %gather3A_547 = tpu.vector_load_idx %arg19[%select_n3A_17, %add3A_546, %gather3A] : memref<8x32x128xf32, #tpu.memory_space<vmem>>[vector<16xi32>, vector<16xi32>, vector<16xi32>], vector<16xf32>,
      %add3A_548 = arith.constant 14 : i32
      %add3A_549 = vector.broadcast %add3A_548 : i32 to vector<16xi32>
      %add3A_550 = arith.addi %select_n3A_45, %add3A_549 : vector<16xi32>
      tpu.vector_store_idx %arg23[%broadcast_in_dim3A, %select_n3A_17, %add3A_550], %gather3A_547 : memref<2x8x128xf32, #tpu.memory_space<vmem>>[vector<16xi32>, vector<16xi32>, vector<16xi32>], vector<16xf32>,
      %add3A_551 = arith.constant 16 : i32
      %add3A_552 = vector.broadcast %add3A_551 : i32 to vector<16xi32>
      %add3A_553 = arith.addi %select_n3A_45, %add3A_552 : vector<16xi32>
      %gather3A_554 = tpu.vector_load_idx %arg19[%select_n3A_17, %add3A_553, %gather3A] : memref<8x32x128xf32, #tpu.memory_space<vmem>>[vector<16xi32>, vector<16xi32>, vector<16xi32>], vector<16xf32>,
      %add3A_555 = arith.constant 16 : i32
      %add3A_556 = vector.broadcast %add3A_555 : i32 to vector<16xi32>
      %add3A_557 = arith.addi %select_n3A_45, %add3A_556 : vector<16xi32>
      tpu.vector_store_idx %arg23[%broadcast_in_dim3A, %select_n3A_17, %add3A_557], %gather3A_554 : memref<2x8x128xf32, #tpu.memory_space<vmem>>[vector<16xi32>, vector<16xi32>, vector<16xi32>], vector<16xf32>,
      %add3A_558 = arith.constant 18 : i32
      %add3A_559 = vector.broadcast %add3A_558 : i32 to vector<16xi32>
      %add3A_560 = arith.addi %select_n3A_45, %add3A_559 : vector<16xi32>
      %gather3A_561 = tpu.vector_load_idx %arg19[%select_n3A_17, %add3A_560, %gather3A] : memref<8x32x128xf32, #tpu.memory_space<vmem>>[vector<16xi32>, vector<16xi32>, vector<16xi32>], vector<16xf32>,
      %add3A_562 = arith.constant 18 : i32
      %add3A_563 = vector.broadcast %add3A_562 : i32 to vector<16xi32>
      %add3A_564 = arith.addi %select_n3A_45, %add3A_563 : vector<16xi32>
      tpu.vector_store_idx %arg23[%broadcast_in_dim3A, %select_n3A_17, %add3A_564], %gather3A_561 : memref<2x8x128xf32, #tpu.memory_space<vmem>>[vector<16xi32>, vector<16xi32>, vector<16xi32>], vector<16xf32>,
      %add3A_565 = arith.constant 20 : i32
      %add3A_566 = vector.broadcast %add3A_565 : i32 to vector<16xi32>
      %add3A_567 = arith.addi %select_n3A_45, %add3A_566 : vector<16xi32>
      %gather3A_568 = tpu.vector_load_idx %arg19[%select_n3A_17, %add3A_567, %gather3A] : memref<8x32x128xf32, #tpu.memory_space<vmem>>[vector<16xi32>, vector<16xi32>, vector<16xi32>], vector<16xf32>,
      %add3A_569 = arith.constant 20 : i32
      %add3A_570 = vector.broadcast %add3A_569 : i32 to vector<16xi32>
      %add3A_571 = arith.addi %select_n3A_45, %add3A_570 : vector<16xi32>
      tpu.vector_store_idx %arg23[%broadcast_in_dim3A, %select_n3A_17, %add3A_571], %gather3A_568 : memref<2x8x128xf32, #tpu.memory_space<vmem>>[vector<16xi32>, vector<16xi32>, vector<16xi32>], vector<16xf32>,
      %add3A_572 = arith.constant 22 : i32
      %add3A_573 = vector.broadcast %add3A_572 : i32 to vector<16xi32>
      %add3A_574 = arith.addi %select_n3A_45, %add3A_573 : vector<16xi32>
      %gather3A_575 = tpu.vector_load_idx %arg19[%select_n3A_17, %add3A_574, %gather3A] : memref<8x32x128xf32, #tpu.memory_space<vmem>>[vector<16xi32>, vector<16xi32>, vector<16xi32>], vector<16xf32>,
      %add3A_576 = arith.constant 22 : i32
      %add3A_577 = vector.broadcast %add3A_576 : i32 to vector<16xi32>
      %add3A_578 = arith.addi %select_n3A_45, %add3A_577 : vector<16xi32>
      tpu.vector_store_idx %arg23[%broadcast_in_dim3A, %select_n3A_17, %add3A_578], %gather3A_575 : memref<2x8x128xf32, #tpu.memory_space<vmem>>[vector<16xi32>, vector<16xi32>, vector<16xi32>], vector<16xf32>,
      %add3A_579 = arith.constant 24 : i32
      %add3A_580 = vector.broadcast %add3A_579 : i32 to vector<16xi32>
      %add3A_581 = arith.addi %select_n3A_45, %add3A_580 : vector<16xi32>
      %gather3A_582 = tpu.vector_load_idx %arg19[%select_n3A_17, %add3A_581, %gather3A] : memref<8x32x128xf32, #tpu.memory_space<vmem>>[vector<16xi32>, vector<16xi32>, vector<16xi32>], vector<16xf32>,
      %add3A_583 = arith.constant 24 : i32
      %add3A_584 = vector.broadcast %add3A_583 : i32 to vector<16xi32>
      %add3A_585 = arith.addi %select_n3A_45, %add3A_584 : vector<16xi32>
      tpu.vector_store_idx %arg23[%broadcast_in_dim3A, %select_n3A_17, %add3A_585], %gather3A_582 : memref<2x8x128xf32, #tpu.memory_space<vmem>>[vector<16xi32>, vector<16xi32>, vector<16xi32>], vector<16xf32>,
      %add3A_586 = arith.constant 26 : i32
      %add3A_587 = vector.broadcast %add3A_586 : i32 to vector<16xi32>
      %add3A_588 = arith.addi %select_n3A_45, %add3A_587 : vector<16xi32>
      %gather3A_589 = tpu.vector_load_idx %arg19[%select_n3A_17, %add3A_588, %gather3A] : memref<8x32x128xf32, #tpu.memory_space<vmem>>[vector<16xi32>, vector<16xi32>, vector<16xi32>], vector<16xf32>,
      %add3A_590 = arith.constant 26 : i32
      %add3A_591 = vector.broadcast %add3A_590 : i32 to vector<16xi32>
      %add3A_592 = arith.addi %select_n3A_45, %add3A_591 : vector<16xi32>
      tpu.vector_store_idx %arg23[%broadcast_in_dim3A, %select_n3A_17, %add3A_592], %gather3A_589 : memref<2x8x128xf32, #tpu.memory_space<vmem>>[vector<16xi32>, vector<16xi32>, vector<16xi32>], vector<16xf32>,
      %add3A_593 = arith.constant 28 : i32
      %add3A_594 = vector.broadcast %add3A_593 : i32 to vector<16xi32>
      %add3A_595 = arith.addi %select_n3A_45, %add3A_594 : vector<16xi32>
      %gather3A_596 = tpu.vector_load_idx %arg19[%select_n3A_17, %add3A_595, %gather3A] : memref<8x32x128xf32, #tpu.memory_space<vmem>>[vector<16xi32>, vector<16xi32>, vector<16xi32>], vector<16xf32>,
      %add3A_597 = arith.constant 28 : i32
      %add3A_598 = vector.broadcast %add3A_597 : i32 to vector<16xi32>
      %add3A_599 = arith.addi %select_n3A_45, %add3A_598 : vector<16xi32>
      tpu.vector_store_idx %arg23[%broadcast_in_dim3A, %select_n3A_17, %add3A_599], %gather3A_596 : memref<2x8x128xf32, #tpu.memory_space<vmem>>[vector<16xi32>, vector<16xi32>, vector<16xi32>], vector<16xf32>,
      %add3A_600 = arith.constant 30 : i32
      %add3A_601 = vector.broadcast %add3A_600 : i32 to vector<16xi32>
      %add3A_602 = arith.addi %select_n3A_45, %add3A_601 : vector<16xi32>
      %gather3A_603 = tpu.vector_load_idx %arg19[%select_n3A_17, %add3A_602, %gather3A] : memref<8x32x128xf32, #tpu.memory_space<vmem>>[vector<16xi32>, vector<16xi32>, vector<16xi32>], vector<16xf32>,
      %add3A_604 = arith.constant 30 : i32
      %add3A_605 = vector.broadcast %add3A_604 : i32 to vector<16xi32>
      %add3A_606 = arith.addi %select_n3A_45, %add3A_605 : vector<16xi32>
      tpu.vector_store_idx %arg23[%broadcast_in_dim3A, %select_n3A_17, %add3A_606], %gather3A_603 : memref<2x8x128xf32, #tpu.memory_space<vmem>>[vector<16xi32>, vector<16xi32>, vector<16xi32>], vector<16xf32>,
      %lt3A_607 = arith.constant 63 : i32
      %lt3A_608 = arith.cmpi slt, %scan3A_205, %lt3A_607 : i32
      %convert_element_type3A = arith.extui %lt3A_608 : i1 to i32
      %cond3A = arith.constant 0 : i32
      %cond3A_609 = arith.cmpi ne, %convert_element_type3A, %cond3A : i32
      scf.if %cond3A_609 {
        %add3A_1000 = arith.constant 1 : i32
        %add3A_1001 = arith.addi %scan3A_205, %add3A_1000 : i32
        %mul3A_1002 = arith.constant 8 : i32
        %mul3A_1003 = arith.muli %add3A_1001, %mul3A_1002 : i32
        %get3A_1004 = arith.index_cast %mul3A_1003 : i32 to index
        %get3A_1005 = tpu.vector_load %arg13[%get3A_1004] {strides = array<i32>} : memref<528xi32, #tpu.memory_space<vmem>>, vector<16xi32>,
        %slice3A_1006 = vector.extract_strided_slice %get3A_1005 {offsets = [0], sizes = [1], strides = [1]} : vector<16xi32> to vector<1xi32>
        %squeeze3A_1007 = vector.extract %slice3A_1006[0] : i32 from vector<1xi32>
        %mul3A_1008 = arith.constant 128 : i32
        %mul3A_1009 = arith.muli %squeeze3A_1007, %mul3A_1008 : i32
        %multiple_of3A_1010 = tpu.assume_multiple %mul3A_1009, 128 : i32
        %dma_start3A_1011 = arith.constant 0 : i32
        %dma_start3A_1012 = arith.constant 0 : i32
        %dma_start3A_1013 = arith.constant 0 : i32
        %dma_start3A_1014 = tpu.memref_slice %arg19[%dma_start3A_1011, %dma_start3A_1012, %dma_start3A_1013] : memref<8x32x128xf32, #tpu.memory_space<vmem>> -> memref<1x32x128xf32, #tpu.memory_space<vmem>>
        %dma_start3A_1015 = tpu.memref_squeeze %dma_start3A_1014 : memref<1x32x128xf32, #tpu.memory_space<vmem>> -> memref<32x128xf32, #tpu.memory_space<vmem>>
        %dma_start3A_1016 = arith.constant 0 : i32
        %dma_start3A_1017 = tpu.memref_slice %arg2[%dma_start3A_1016, %multiple_of3A_1010] : memref<32x1000000xf32, #tpu.memory_space<hbm>> -> memref<32x128xf32, #tpu.memory_space<hbm>>
        %dma_start3A_1018 = arith.constant 0 : i32
        %dma_start3A_1019 = arith.constant 0 : i32
        %dma_start3A_1020 = tpu.memref_slice %arg19[%dma_start3A_1011, %dma_start3A_1018, %dma_start3A_1019] : memref<8x32x128xf32, #tpu.memory_space<vmem>> -> memref<1x32x128xf32, #tpu.memory_space<vmem>>
        %dma_start3A_1021 = tpu.memref_squeeze %dma_start3A_1020 : memref<1x32x128xf32, #tpu.memory_space<vmem>> -> memref<32x128xf32, #tpu.memory_space<vmem>>
        %dma_start3A_1022 = arith.constant 0 : i32
        %dma_start3A_1023 = tpu.memref_slice %arg2[%dma_start3A_1022, %multiple_of3A_1010] : memref<32x1000000xf32, #tpu.memory_space<hbm>> -> memref<32x128xf32, #tpu.memory_space<hbm>>
        tpu.enqueue_dma source(%dma_start3A_1023 : memref<32x128xf32, #tpu.memory_space<hbm>>) target(%dma_start3A_1021 : memref<32x128xf32, #tpu.memory_space<vmem>>) target_semaphore(%arg24 : memref<!tpu.dma_semaphore, #tpu.memory_space<semaphore_mem>>)
        %slice3A_1024 = vector.extract_strided_slice %get3A_1005 {offsets = [1], sizes = [1], strides = [1]} : vector<16xi32> to vector<1xi32>
        %squeeze3A_1025 = vector.extract %slice3A_1024[0] : i32 from vector<1xi32>
        %mul3A_1026 = arith.constant 128 : i32
        %mul3A_1027 = arith.muli %squeeze3A_1025, %mul3A_1026 : i32
        %multiple_of3A_1028 = tpu.assume_multiple %mul3A_1027, 128 : i32
        %dma_start3A_1029 = arith.constant 1 : i32
        %dma_start3A_1030 = arith.constant 0 : i32
        %dma_start3A_1031 = arith.constant 0 : i32
        %dma_start3A_1032 = tpu.memref_slice %arg19[%dma_start3A_1029, %dma_start3A_1030, %dma_start3A_1031] : memref<8x32x128xf32, #tpu.memory_space<vmem>> -> memref<1x32x128xf32, #tpu.memory_space<vmem>>
        %dma_start3A_1033 = tpu.memref_squeeze %dma_start3A_1032 : memref<1x32x128xf32, #tpu.memory_space<vmem>> -> memref<32x128xf32, #tpu.memory_space<vmem>>
        %dma_start3A_1034 = arith.constant 0 : i32
        %dma_start3A_1035 = tpu.memref_slice %arg2[%dma_start3A_1034, %multiple_of3A_1028] : memref<32x1000000xf32, #tpu.memory_space<hbm>> -> memref<32x128xf32, #tpu.memory_space<hbm>>
        %dma_start3A_1036 = arith.constant 0 : i32
        %dma_start3A_1037 = arith.constant 0 : i32
        %dma_start3A_1038 = tpu.memref_slice %arg19[%dma_start3A_1029, %dma_start3A_1036, %dma_start3A_1037] : memref<8x32x128xf32, #tpu.memory_space<vmem>> -> memref<1x32x128xf32, #tpu.memory_space<vmem>>
        %dma_start3A_1039 = tpu.memref_squeeze %dma_start3A_1038 : memref<1x32x128xf32, #tpu.memory_space<vmem>> -> memref<32x128xf32, #tpu.memory_space<vmem>>
        %dma_start3A_1040 = arith.constant 0 : i32
        %dma_start3A_1041 = tpu.memref_slice %arg2[%dma_start3A_1040, %multiple_of3A_1028] : memref<32x1000000xf32, #tpu.memory_space<hbm>> -> memref<32x128xf32, #tpu.memory_space<hbm>>
        tpu.enqueue_dma source(%dma_start3A_1041 : memref<32x128xf32, #tpu.memory_space<hbm>>) target(%dma_start3A_1039 : memref<32x128xf32, #tpu.memory_space<vmem>>) target_semaphore(%arg24 : memref<!tpu.dma_semaphore, #tpu.memory_space<semaphore_mem>>)
        %slice3A_1042 = vector.extract_strided_slice %get3A_1005 {offsets = [2], sizes = [1], strides = [1]} : vector<16xi32> to vector<1xi32>
        %squeeze3A_1043 = vector.extract %slice3A_1042[0] : i32 from vector<1xi32>
        %mul3A_1044 = arith.constant 128 : i32
        %mul3A_1045 = arith.muli %squeeze3A_1043, %mul3A_1044 : i32
        %multiple_of3A_1046 = tpu.assume_multiple %mul3A_1045, 128 : i32
        %dma_start3A_1047 = arith.constant 2 : i32
        %dma_start3A_1048 = arith.constant 0 : i32
        %dma_start3A_1049 = arith.constant 0 : i32
        %dma_start3A_1050 = tpu.memref_slice %arg19[%dma_start3A_1047, %dma_start3A_1048, %dma_start3A_1049] : memref<8x32x128xf32, #tpu.memory_space<vmem>> -> memref<1x32x128xf32, #tpu.memory_space<vmem>>
        %dma_start3A_1051 = tpu.memref_squeeze %dma_start3A_1050 : memref<1x32x128xf32, #tpu.memory_space<vmem>> -> memref<32x128xf32, #tpu.memory_space<vmem>>
        %dma_start3A_1052 = arith.constant 0 : i32
        %dma_start3A_1053 = tpu.memref_slice %arg2[%dma_start3A_1052, %multiple_of3A_1046] : memref<32x1000000xf32, #tpu.memory_space<hbm>> -> memref<32x128xf32, #tpu.memory_space<hbm>>
        %dma_start3A_1054 = arith.constant 0 : i32
        %dma_start3A_1055 = arith.constant 0 : i32
        %dma_start3A_1056 = tpu.memref_slice %arg19[%dma_start3A_1047, %dma_start3A_1054, %dma_start3A_1055] : memref<8x32x128xf32, #tpu.memory_space<vmem>> -> memref<1x32x128xf32, #tpu.memory_space<vmem>>
        %dma_start3A_1057 = tpu.memref_squeeze %dma_start3A_1056 : memref<1x32x128xf32, #tpu.memory_space<vmem>> -> memref<32x128xf32, #tpu.memory_space<vmem>>
        %dma_start3A_1058 = arith.constant 0 : i32
        %dma_start3A_1059 = tpu.memref_slice %arg2[%dma_start3A_1058, %multiple_of3A_1046] : memref<32x1000000xf32, #tpu.memory_space<hbm>> -> memref<32x128xf32, #tpu.memory_space<hbm>>
        tpu.enqueue_dma source(%dma_start3A_1059 : memref<32x128xf32, #tpu.memory_space<hbm>>) target(%dma_start3A_1057 : memref<32x128xf32, #tpu.memory_space<vmem>>) target_semaphore(%arg24 : memref<!tpu.dma_semaphore, #tpu.memory_space<semaphore_mem>>)
        %slice3A_1060 = vector.extract_strided_slice %get3A_1005 {offsets = [3], sizes = [1], strides = [1]} : vector<16xi32> to vector<1xi32>
        %squeeze3A_1061 = vector.extract %slice3A_1060[0] : i32 from vector<1xi32>
        %mul3A_1062 = arith.constant 128 : i32
        %mul3A_1063 = arith.muli %squeeze3A_1061, %mul3A_1062 : i32
        %multiple_of3A_1064 = tpu.assume_multiple %mul3A_1063, 128 : i32
        %dma_start3A_1065 = arith.constant 3 : i32
        %dma_start3A_1066 = arith.constant 0 : i32
        %dma_start3A_1067 = arith.constant 0 : i32
        %dma_start3A_1068 = tpu.memref_slice %arg19[%dma_start3A_1065, %dma_start3A_1066, %dma_start3A_1067] : memref<8x32x128xf32, #tpu.memory_space<vmem>> -> memref<1x32x128xf32, #tpu.memory_space<vmem>>
        %dma_start3A_1069 = tpu.memref_squeeze %dma_start3A_1068 : memref<1x32x128xf32, #tpu.memory_space<vmem>> -> memref<32x128xf32, #tpu.memory_space<vmem>>
        %dma_start3A_1070 = arith.constant 0 : i32
        %dma_start3A_1071 = tpu.memref_slice %arg2[%dma_start3A_1070, %multiple_of3A_1064] : memref<32x1000000xf32, #tpu.memory_space<hbm>> -> memref<32x128xf32, #tpu.memory_space<hbm>>
        %dma_start3A_1072 = arith.constant 0 : i32
        %dma_start3A_1073 = arith.constant 0 : i32
        %dma_start3A_1074 = tpu.memref_slice %arg19[%dma_start3A_1065, %dma_start3A_1072, %dma_start3A_1073] : memref<8x32x128xf32, #tpu.memory_space<vmem>> -> memref<1x32x128xf32, #tpu.memory_space<vmem>>
        %dma_start3A_1075 = tpu.memref_squeeze %dma_start3A_1074 : memref<1x32x128xf32, #tpu.memory_space<vmem>> -> memref<32x128xf32, #tpu.memory_space<vmem>>
        %dma_start3A_1076 = arith.constant 0 : i32
        %dma_start3A_1077 = tpu.memref_slice %arg2[%dma_start3A_1076, %multiple_of3A_1064] : memref<32x1000000xf32, #tpu.memory_space<hbm>> -> memref<32x128xf32, #tpu.memory_space<hbm>>
        tpu.enqueue_dma source(%dma_start3A_1077 : memref<32x128xf32, #tpu.memory_space<hbm>>) target(%dma_start3A_1075 : memref<32x128xf32, #tpu.memory_space<vmem>>) target_semaphore(%arg24 : memref<!tpu.dma_semaphore, #tpu.memory_space<semaphore_mem>>)
        %slice3A_1078 = vector.extract_strided_slice %get3A_1005 {offsets = [4], sizes = [1], strides = [1]} : vector<16xi32> to vector<1xi32>
        %squeeze3A_1079 = vector.extract %slice3A_1078[0] : i32 from vector<1xi32>
        %mul3A_1080 = arith.constant 128 : i32
        %mul3A_1081 = arith.muli %squeeze3A_1079, %mul3A_1080 : i32
        %multiple_of3A_1082 = tpu.assume_multiple %mul3A_1081, 128 : i32
        %dma_start3A_1083 = arith.constant 4 : i32
        %dma_start3A_1084 = arith.constant 0 : i32
        %dma_start3A_1085 = arith.constant 0 : i32
        %dma_start3A_1086 = tpu.memref_slice %arg19[%dma_start3A_1083, %dma_start3A_1084, %dma_start3A_1085] : memref<8x32x128xf32, #tpu.memory_space<vmem>> -> memref<1x32x128xf32, #tpu.memory_space<vmem>>
        %dma_start3A_1087 = tpu.memref_squeeze %dma_start3A_1086 : memref<1x32x128xf32, #tpu.memory_space<vmem>> -> memref<32x128xf32, #tpu.memory_space<vmem>>
        %dma_start3A_1088 = arith.constant 0 : i32
        %dma_start3A_1089 = tpu.memref_slice %arg2[%dma_start3A_1088, %multiple_of3A_1082] : memref<32x1000000xf32, #tpu.memory_space<hbm>> -> memref<32x128xf32, #tpu.memory_space<hbm>>
        %dma_start3A_1090 = arith.constant 0 : i32
        %dma_start3A_1091 = arith.constant 0 : i32
        %dma_start3A_1092 = tpu.memref_slice %arg19[%dma_start3A_1083, %dma_start3A_1090, %dma_start3A_1091] : memref<8x32x128xf32, #tpu.memory_space<vmem>> -> memref<1x32x128xf32, #tpu.memory_space<vmem>>
        %dma_start3A_1093 = tpu.memref_squeeze %dma_start3A_1092 : memref<1x32x128xf32, #tpu.memory_space<vmem>> -> memref<32x128xf32, #tpu.memory_space<vmem>>
        %dma_start3A_1094 = arith.constant 0 : i32
        %dma_start3A_1095 = tpu.memref_slice %arg2[%dma_start3A_1094, %multiple_of3A_1082] : memref<32x1000000xf32, #tpu.memory_space<hbm>> -> memref<32x128xf32, #tpu.memory_space<hbm>>
        tpu.enqueue_dma source(%dma_start3A_1095 : memref<32x128xf32, #tpu.memory_space<hbm>>) target(%dma_start3A_1093 : memref<32x128xf32, #tpu.memory_space<vmem>>) target_semaphore(%arg24 : memref<!tpu.dma_semaphore, #tpu.memory_space<semaphore_mem>>)
        %slice3A_1096 = vector.extract_strided_slice %get3A_1005 {offsets = [5], sizes = [1], strides = [1]} : vector<16xi32> to vector<1xi32>
        %squeeze3A_1097 = vector.extract %slice3A_1096[0] : i32 from vector<1xi32>
        %mul3A_1098 = arith.constant 128 : i32
        %mul3A_1099 = arith.muli %squeeze3A_1097, %mul3A_1098 : i32
        %multiple_of3A_1100 = tpu.assume_multiple %mul3A_1099, 128 : i32
        %dma_start3A_1101 = arith.constant 5 : i32
        %dma_start3A_1102 = arith.constant 0 : i32
        %dma_start3A_1103 = arith.constant 0 : i32
        %dma_start3A_1104 = tpu.memref_slice %arg19[%dma_start3A_1101, %dma_start3A_1102, %dma_start3A_1103] : memref<8x32x128xf32, #tpu.memory_space<vmem>> -> memref<1x32x128xf32, #tpu.memory_space<vmem>>
        %dma_start3A_1105 = tpu.memref_squeeze %dma_start3A_1104 : memref<1x32x128xf32, #tpu.memory_space<vmem>> -> memref<32x128xf32, #tpu.memory_space<vmem>>
        %dma_start3A_1106 = arith.constant 0 : i32
        %dma_start3A_1107 = tpu.memref_slice %arg2[%dma_start3A_1106, %multiple_of3A_1100] : memref<32x1000000xf32, #tpu.memory_space<hbm>> -> memref<32x128xf32, #tpu.memory_space<hbm>>
        %dma_start3A_1108 = arith.constant 0 : i32
        %dma_start3A_1109 = arith.constant 0 : i32
        %dma_start3A_1110 = tpu.memref_slice %arg19[%dma_start3A_1101, %dma_start3A_1108, %dma_start3A_1109] : memref<8x32x128xf32, #tpu.memory_space<vmem>> -> memref<1x32x128xf32, #tpu.memory_space<vmem>>
        %dma_start3A_1111 = tpu.memref_squeeze %dma_start3A_1110 : memref<1x32x128xf32, #tpu.memory_space<vmem>> -> memref<32x128xf32, #tpu.memory_space<vmem>>
        %dma_start3A_1112 = arith.constant 0 : i32
        %dma_start3A_1113 = tpu.memref_slice %arg2[%dma_start3A_1112, %multiple_of3A_1100] : memref<32x1000000xf32, #tpu.memory_space<hbm>> -> memref<32x128xf32, #tpu.memory_space<hbm>>
        tpu.enqueue_dma source(%dma_start3A_1113 : memref<32x128xf32, #tpu.memory_space<hbm>>) target(%dma_start3A_1111 : memref<32x128xf32, #tpu.memory_space<vmem>>) target_semaphore(%arg24 : memref<!tpu.dma_semaphore, #tpu.memory_space<semaphore_mem>>)
        %slice3A_1114 = vector.extract_strided_slice %get3A_1005 {offsets = [6], sizes = [1], strides = [1]} : vector<16xi32> to vector<1xi32>
        %squeeze3A_1115 = vector.extract %slice3A_1114[0] : i32 from vector<1xi32>
        %mul3A_1116 = arith.constant 128 : i32
        %mul3A_1117 = arith.muli %squeeze3A_1115, %mul3A_1116 : i32
        %multiple_of3A_1118 = tpu.assume_multiple %mul3A_1117, 128 : i32
        %dma_start3A_1119 = arith.constant 6 : i32
        %dma_start3A_1120 = arith.constant 0 : i32
        %dma_start3A_1121 = arith.constant 0 : i32
        %dma_start3A_1122 = tpu.memref_slice %arg19[%dma_start3A_1119, %dma_start3A_1120, %dma_start3A_1121] : memref<8x32x128xf32, #tpu.memory_space<vmem>> -> memref<1x32x128xf32, #tpu.memory_space<vmem>>
        %dma_start3A_1123 = tpu.memref_squeeze %dma_start3A_1122 : memref<1x32x128xf32, #tpu.memory_space<vmem>> -> memref<32x128xf32, #tpu.memory_space<vmem>>
        %dma_start3A_1124 = arith.constant 0 : i32
        %dma_start3A_1125 = tpu.memref_slice %arg2[%dma_start3A_1124, %multiple_of3A_1118] : memref<32x1000000xf32, #tpu.memory_space<hbm>> -> memref<32x128xf32, #tpu.memory_space<hbm>>
        %dma_start3A_1126 = arith.constant 0 : i32
        %dma_start3A_1127 = arith.constant 0 : i32
        %dma_start3A_1128 = tpu.memref_slice %arg19[%dma_start3A_1119, %dma_start3A_1126, %dma_start3A_1127] : memref<8x32x128xf32, #tpu.memory_space<vmem>> -> memref<1x32x128xf32, #tpu.memory_space<vmem>>
        %dma_start3A_1129 = tpu.memref_squeeze %dma_start3A_1128 : memref<1x32x128xf32, #tpu.memory_space<vmem>> -> memref<32x128xf32, #tpu.memory_space<vmem>>
        %dma_start3A_1130 = arith.constant 0 : i32
        %dma_start3A_1131 = tpu.memref_slice %arg2[%dma_start3A_1130, %multiple_of3A_1118] : memref<32x1000000xf32, #tpu.memory_space<hbm>> -> memref<32x128xf32, #tpu.memory_space<hbm>>
        tpu.enqueue_dma source(%dma_start3A_1131 : memref<32x128xf32, #tpu.memory_space<hbm>>) target(%dma_start3A_1129 : memref<32x128xf32, #tpu.memory_space<vmem>>) target_semaphore(%arg24 : memref<!tpu.dma_semaphore, #tpu.memory_space<semaphore_mem>>)
        %slice3A_1132 = vector.extract_strided_slice %get3A_1005 {offsets = [7], sizes = [1], strides = [1]} : vector<16xi32> to vector<1xi32>
        %squeeze3A_1133 = vector.extract %slice3A_1132[0] : i32 from vector<1xi32>
        %mul3A_1134 = arith.constant 128 : i32
        %mul3A_1135 = arith.muli %squeeze3A_1133, %mul3A_1134 : i32
        %multiple_of3A_1136 = tpu.assume_multiple %mul3A_1135, 128 : i32
        %dma_start3A_1137 = arith.constant 7 : i32
        %dma_start3A_1138 = arith.constant 0 : i32
        %dma_start3A_1139 = arith.constant 0 : i32
        %dma_start3A_1140 = tpu.memref_slice %arg19[%dma_start3A_1137, %dma_start3A_1138, %dma_start3A_1139] : memref<8x32x128xf32, #tpu.memory_space<vmem>> -> memref<1x32x128xf32, #tpu.memory_space<vmem>>
        %dma_start3A_1141 = tpu.memref_squeeze %dma_start3A_1140 : memref<1x32x128xf32, #tpu.memory_space<vmem>> -> memref<32x128xf32, #tpu.memory_space<vmem>>
        %dma_start3A_1142 = arith.constant 0 : i32
        %dma_start3A_1143 = tpu.memref_slice %arg2[%dma_start3A_1142, %multiple_of3A_1136] : memref<32x1000000xf32, #tpu.memory_space<hbm>> -> memref<32x128xf32, #tpu.memory_space<hbm>>
        %dma_start3A_1144 = arith.constant 0 : i32
        %dma_start3A_1145 = arith.constant 0 : i32
        %dma_start3A_1146 = tpu.memref_slice %arg19[%dma_start3A_1137, %dma_start3A_1144, %dma_start3A_1145] : memref<8x32x128xf32, #tpu.memory_space<vmem>> -> memref<1x32x128xf32, #tpu.memory_space<vmem>>
        %dma_start3A_1147 = tpu.memref_squeeze %dma_start3A_1146 : memref<1x32x128xf32, #tpu.memory_space<vmem>> -> memref<32x128xf32, #tpu.memory_space<vmem>>
        %dma_start3A_1148 = arith.constant 0 : i32
        %dma_start3A_1149 = tpu.memref_slice %arg2[%dma_start3A_1148, %multiple_of3A_1136] : memref<32x1000000xf32, #tpu.memory_space<hbm>> -> memref<32x128xf32, #tpu.memory_space<hbm>>
        tpu.enqueue_dma source(%dma_start3A_1149 : memref<32x128xf32, #tpu.memory_space<hbm>>) target(%dma_start3A_1147 : memref<32x128xf32, #tpu.memory_space<vmem>>) target_semaphore(%arg24 : memref<!tpu.dma_semaphore, #tpu.memory_space<semaphore_mem>>)
      } else {
      }
      %jit3A_610 = arith.constant 2 : i32
      %eq3A_611 = arith.constant 0 : i32
      %eq3A_612 = arith.cmpi eq, %jit3A_610, %eq3A_611 : i32
      %jit3A_613 = arith.constant 1 : i32
      %select_n3A_614 = arith.select %eq3A_612, %jit3A_613, %jit3A_610 : i32
      %rem3A_615 = arith.remsi %scan3A_205, %select_n3A_614 : i32
      %ne3A_616 = arith.constant 0 : i32
      %ne3A_617 = arith.cmpi ne, %rem3A_615, %ne3A_616 : i32
      %lt3A_618 = arith.constant 0 : i32
      %lt3A_619 = arith.cmpi slt, %rem3A_615, %lt3A_618 : i32
      %lt3A_620 = arith.constant 0 : i32
      %lt3A_621 = arith.cmpi slt, %select_n3A_614, %lt3A_620 : i32
      %ne3A_622 = arith.xori %lt3A_619, %lt3A_621 : i1
      %and3A_623 = arith.andi %ne3A_622, %ne3A_617 : i1
      %add3A_624 = arith.addi %rem3A_615, %select_n3A_614 : i32
      %select_n3A_625 = arith.select %and3A_623, %add3A_624, %rem3A_615 : i32
      %broadcast_in_dim3A_626 = vector.broadcast %select_n3A_625 : i32 to vector<16xi32>
      %mul3A_627 = arith.constant 8 : i32
      %mul3A_628 = arith.muli %scan3A_205, %mul3A_627 : i32
      %add3A_629 = vector.broadcast %mul3A_628 : i32 to vector<16xi32>
      %add3A_630 = arith.addi %add3A_629, %select_n3A_17 : vector<16xi32>
      %gather3A_631 = tpu.vector_load_idx %arg17[%add3A_630] : memref<512xi32, #tpu.memory_space<vmem>>[vector<16xi32>], vector<16xi32>,
      %add3A_632 = arith.constant 0 : i32
      %add3A_633 = vector.broadcast %add3A_632 : i32 to vector<16xi32>
      %add3A_634 = arith.addi %select_n3A_45, %add3A_633 : vector<16xi32>
      %gather3A_635 = tpu.vector_load_idx %arg21[%add3A_634, %gather3A_631] : memref<8x256xf32, #tpu.memory_space<vmem>>[vector<16xi32>, vector<16xi32>], vector<16xf32>,
      %add3A_636 = arith.constant 64 : i32
      %add3A_637 = vector.broadcast %add3A_636 : i32 to vector<16xi32>
      %add3A_638 = arith.addi %select_n3A_45, %add3A_637 : vector<16xi32>
      tpu.vector_store_idx %arg23[%broadcast_in_dim3A_626, %select_n3A_17, %add3A_638], %gather3A_635 : memref<2x8x128xf32, #tpu.memory_space<vmem>>[vector<16xi32>, vector<16xi32>, vector<16xi32>], vector<16xf32>,
      %add3A_639 = arith.constant 2 : i32
      %add3A_640 = vector.broadcast %add3A_639 : i32 to vector<16xi32>
      %add3A_641 = arith.addi %select_n3A_45, %add3A_640 : vector<16xi32>
      %gather3A_642 = tpu.vector_load_idx %arg21[%add3A_641, %gather3A_631] : memref<8x256xf32, #tpu.memory_space<vmem>>[vector<16xi32>, vector<16xi32>], vector<16xf32>,
      %add3A_643 = arith.constant 66 : i32
      %add3A_644 = vector.broadcast %add3A_643 : i32 to vector<16xi32>
      %add3A_645 = arith.addi %select_n3A_45, %add3A_644 : vector<16xi32>
      tpu.vector_store_idx %arg23[%broadcast_in_dim3A_626, %select_n3A_17, %add3A_645], %gather3A_642 : memref<2x8x128xf32, #tpu.memory_space<vmem>>[vector<16xi32>, vector<16xi32>, vector<16xi32>], vector<16xf32>,
      %add3A_646 = arith.constant 4 : i32
      %add3A_647 = vector.broadcast %add3A_646 : i32 to vector<16xi32>
      %add3A_648 = arith.addi %select_n3A_45, %add3A_647 : vector<16xi32>
      %gather3A_649 = tpu.vector_load_idx %arg21[%add3A_648, %gather3A_631] : memref<8x256xf32, #tpu.memory_space<vmem>>[vector<16xi32>, vector<16xi32>], vector<16xf32>,
      %add3A_650 = arith.constant 68 : i32
      %add3A_651 = vector.broadcast %add3A_650 : i32 to vector<16xi32>
      %add3A_652 = arith.addi %select_n3A_45, %add3A_651 : vector<16xi32>
      tpu.vector_store_idx %arg23[%broadcast_in_dim3A_626, %select_n3A_17, %add3A_652], %gather3A_649 : memref<2x8x128xf32, #tpu.memory_space<vmem>>[vector<16xi32>, vector<16xi32>, vector<16xi32>], vector<16xf32>,
      %add3A_653 = arith.constant 6 : i32
      %add3A_654 = vector.broadcast %add3A_653 : i32 to vector<16xi32>
      %add3A_655 = arith.addi %select_n3A_45, %add3A_654 : vector<16xi32>
      %gather3A_656 = tpu.vector_load_idx %arg21[%add3A_655, %gather3A_631] : memref<8x256xf32, #tpu.memory_space<vmem>>[vector<16xi32>, vector<16xi32>], vector<16xf32>,
      %add3A_657 = arith.constant 70 : i32
      %add3A_658 = vector.broadcast %add3A_657 : i32 to vector<16xi32>
      %add3A_659 = arith.addi %select_n3A_45, %add3A_658 : vector<16xi32>
      tpu.vector_store_idx %arg23[%broadcast_in_dim3A_626, %select_n3A_17, %add3A_659], %gather3A_656 : memref<2x8x128xf32, #tpu.memory_space<vmem>>[vector<16xi32>, vector<16xi32>, vector<16xi32>], vector<16xf32>,
      %jit3A_660 = arith.constant 2 : i32
      %eq3A_661 = arith.constant 0 : i32
      %eq3A_662 = arith.cmpi eq, %jit3A_660, %eq3A_661 : i32
      %jit3A_663 = arith.constant 1 : i32
      %select_n3A_664 = arith.select %eq3A_662, %jit3A_663, %jit3A_660 : i32
      %rem3A_665 = arith.remsi %scan3A_205, %select_n3A_664 : i32
      %ne3A_666 = arith.constant 0 : i32
      %ne3A_667 = arith.cmpi ne, %rem3A_665, %ne3A_666 : i32
      %lt3A_668 = arith.constant 0 : i32
      %lt3A_669 = arith.cmpi slt, %rem3A_665, %lt3A_668 : i32
      %lt3A_670 = arith.constant 0 : i32
      %lt3A_671 = arith.cmpi slt, %select_n3A_664, %lt3A_670 : i32
      %ne3A_672 = arith.xori %lt3A_669, %lt3A_671 : i1
      %and3A_673 = arith.andi %ne3A_672, %ne3A_667 : i1
      %add3A_674 = arith.addi %rem3A_665, %select_n3A_664 : i32
      %select_n3A_675 = arith.select %and3A_673, %add3A_674, %rem3A_665 : i32
      %broadcast_in_dim3A_676 = vector.broadcast %select_n3A_675 : i32 to vector<16xi32>
      %mul3A_677 = arith.constant 8 : i32
      %mul3A_678 = arith.muli %scan3A_205, %mul3A_677 : i32
      %add3A_679 = vector.broadcast %mul3A_678 : i32 to vector<16xi32>
      %add3A_680 = arith.addi %add3A_679, %select_n3A_17 : vector<16xi32>
      %gather3A_681 = tpu.vector_load_idx %arg18[%add3A_680] : memref<512xi32, #tpu.memory_space<vmem>>[vector<16xi32>], vector<16xi32>,
      %add3A_682 = arith.constant 0 : i32
      %add3A_683 = vector.broadcast %add3A_682 : i32 to vector<16xi32>
      %add3A_684 = arith.addi %select_n3A_45, %add3A_683 : vector<16xi32>
      %gather3A_685 = tpu.vector_load_idx %arg22[%add3A_684, %gather3A_681] : memref<8x1024xf32, #tpu.memory_space<vmem>>[vector<16xi32>, vector<16xi32>], vector<16xf32>,
      %add3A_686 = arith.constant 72 : i32
      %add3A_687 = vector.broadcast %add3A_686 : i32 to vector<16xi32>
      %add3A_688 = arith.addi %select_n3A_45, %add3A_687 : vector<16xi32>
      tpu.vector_store_idx %arg23[%broadcast_in_dim3A_676, %select_n3A_17, %add3A_688], %gather3A_685 : memref<2x8x128xf32, #tpu.memory_space<vmem>>[vector<16xi32>, vector<16xi32>, vector<16xi32>], vector<16xf32>,
      %add3A_689 = arith.constant 2 : i32
      %add3A_690 = vector.broadcast %add3A_689 : i32 to vector<16xi32>
      %add3A_691 = arith.addi %select_n3A_45, %add3A_690 : vector<16xi32>
      %gather3A_692 = tpu.vector_load_idx %arg22[%add3A_691, %gather3A_681] : memref<8x1024xf32, #tpu.memory_space<vmem>>[vector<16xi32>, vector<16xi32>], vector<16xf32>,
      %add3A_693 = arith.constant 74 : i32
      %add3A_694 = vector.broadcast %add3A_693 : i32 to vector<16xi32>
      %add3A_695 = arith.addi %select_n3A_45, %add3A_694 : vector<16xi32>
      tpu.vector_store_idx %arg23[%broadcast_in_dim3A_676, %select_n3A_17, %add3A_695], %gather3A_692 : memref<2x8x128xf32, #tpu.memory_space<vmem>>[vector<16xi32>, vector<16xi32>, vector<16xi32>], vector<16xf32>,
      %add3A_696 = arith.constant 4 : i32
      %add3A_697 = vector.broadcast %add3A_696 : i32 to vector<16xi32>
      %add3A_698 = arith.addi %select_n3A_45, %add3A_697 : vector<16xi32>
      %gather3A_699 = tpu.vector_load_idx %arg22[%add3A_698, %gather3A_681] : memref<8x1024xf32, #tpu.memory_space<vmem>>[vector<16xi32>, vector<16xi32>], vector<16xf32>,
      %add3A_700 = arith.constant 76 : i32
      %add3A_701 = vector.broadcast %add3A_700 : i32 to vector<16xi32>
      %add3A_702 = arith.addi %select_n3A_45, %add3A_701 : vector<16xi32>
      tpu.vector_store_idx %arg23[%broadcast_in_dim3A_676, %select_n3A_17, %add3A_702], %gather3A_699 : memref<2x8x128xf32, #tpu.memory_space<vmem>>[vector<16xi32>, vector<16xi32>, vector<16xi32>], vector<16xf32>,
      %add3A_703 = arith.constant 6 : i32
      %add3A_704 = vector.broadcast %add3A_703 : i32 to vector<16xi32>
      %add3A_705 = arith.addi %select_n3A_45, %add3A_704 : vector<16xi32>
      %gather3A_706 = tpu.vector_load_idx %arg22[%add3A_705, %gather3A_681] : memref<8x1024xf32, #tpu.memory_space<vmem>>[vector<16xi32>, vector<16xi32>], vector<16xf32>,
      %add3A_707 = arith.constant 78 : i32
      %add3A_708 = vector.broadcast %add3A_707 : i32 to vector<16xi32>
      %add3A_709 = arith.addi %select_n3A_45, %add3A_708 : vector<16xi32>
      tpu.vector_store_idx %arg23[%broadcast_in_dim3A_676, %select_n3A_17, %add3A_709], %gather3A_706 : memref<2x8x128xf32, #tpu.memory_space<vmem>>[vector<16xi32>, vector<16xi32>, vector<16xi32>], vector<16xf32>,
      %gt3A = arith.constant 0 : i32
      %gt3A_710 = arith.cmpi sgt, %scan3A_205, %gt3A : i32
      %convert_element_type3A_711 = arith.extui %gt3A_710 : i1 to i32
      %cond3A_712 = arith.constant 0 : i32
      %cond3A_713 = arith.cmpi ne, %convert_element_type3A_711, %cond3A_712 : i32
      scf.if %cond3A_713 {
        %dma_wait3A_1000 = arith.constant 0 : i32
        %dma_wait3A_1001 = arith.constant 0 : i32
        %dma_wait3A_1002 = arith.constant 0 : i32
        %dma_wait3A_1003 = tpu.memref_slice %arg23[%dma_wait3A_1000, %dma_wait3A_1001, %dma_wait3A_1002] : memref<2x8x128xf32, #tpu.memory_space<vmem>> -> memref<1x8x128xf32, #tpu.memory_space<vmem>>
        %dma_wait3A_1004 = tpu.memref_squeeze %dma_wait3A_1003 : memref<1x8x128xf32, #tpu.memory_space<vmem>> -> memref<8x128xf32, #tpu.memory_space<vmem>>
        %dma_wait3A_1005 = arith.constant 0 : i32
        %dma_wait3A_1006 = tpu.memref_slice %arg12[%mul3A_2, %dma_wait3A_1005] : memref<16384x128xf32, #tpu.memory_space<hbm>> -> memref<8x128xf32, #tpu.memory_space<hbm>>
        %dma_wait3A_1007 = arith.constant 0 : i32
        %dma_wait3A_1008 = tpu.memref_slice %arg12[%mul3A_2, %dma_wait3A_1007] : memref<16384x128xf32, #tpu.memory_space<hbm>> -> memref<8x128xf32, #tpu.memory_space<hbm>>
        %dma_wait3A_1009 = arith.constant 0 : i32
        %dma_wait3A_1010 = arith.constant 0 : i32
        %dma_wait3A_1011 = tpu.memref_slice %arg23[%dma_wait3A_1000, %dma_wait3A_1009, %dma_wait3A_1010] : memref<2x8x128xf32, #tpu.memory_space<vmem>> -> memref<1x8x128xf32, #tpu.memory_space<vmem>>
        %dma_wait3A_1012 = tpu.memref_squeeze %dma_wait3A_1011 : memref<1x8x128xf32, #tpu.memory_space<vmem>> -> memref<8x128xf32, #tpu.memory_space<vmem>>
        tpu.wait_dma2 semaphore(%arg26 : memref<!tpu.dma_semaphore, #tpu.memory_space<semaphore_mem>>) src(%dma_wait3A_1012 : memref<8x128xf32, #tpu.memory_space<vmem>>) dst(%dma_wait3A_1008 : memref<8x128xf32, #tpu.memory_space<hbm>>)
      } else {
      }
      %dma_wait3A_714 = arith.constant 0 : i32
      %dma_wait3A_715 = arith.constant 0 : i32
      %dma_wait3A_716 = arith.constant 0 : i32
      %dma_wait3A_717 = tpu.memref_slice %arg20[%dma_wait3A_714, %dma_wait3A_715, %dma_wait3A_716] : memref<8x32x128xf32, #tpu.memory_space<vmem>> -> memref<1x32x128xf32, #tpu.memory_space<vmem>>
      %dma_wait3A_718 = tpu.memref_squeeze %dma_wait3A_717 : memref<1x32x128xf32, #tpu.memory_space<vmem>> -> memref<32x128xf32, #tpu.memory_space<vmem>>
      %dma_wait3A_719 = arith.constant 0 : i32
      %dma_wait3A_720 = arith.constant 0 : i32
      %dma_wait3A_721 = tpu.memref_slice %arg3[%dma_wait3A_719, %dma_wait3A_720] : memref<32x100000xf32, #tpu.memory_space<hbm>> -> memref<32x128xf32, #tpu.memory_space<hbm>>
      %dma_wait3A_722 = arith.constant 0 : i32
      %dma_wait3A_723 = arith.constant 0 : i32
      %dma_wait3A_724 = tpu.memref_slice %arg20[%dma_wait3A_714, %dma_wait3A_722, %dma_wait3A_723] : memref<8x32x128xf32, #tpu.memory_space<vmem>> -> memref<1x32x128xf32, #tpu.memory_space<vmem>>
      %dma_wait3A_725 = tpu.memref_squeeze %dma_wait3A_724 : memref<1x32x128xf32, #tpu.memory_space<vmem>> -> memref<32x128xf32, #tpu.memory_space<vmem>>
      %dma_wait3A_726 = arith.constant 0 : i32
      %dma_wait3A_727 = arith.constant 0 : i32
      %dma_wait3A_728 = tpu.memref_slice %arg3[%dma_wait3A_726, %dma_wait3A_727] : memref<32x100000xf32, #tpu.memory_space<hbm>> -> memref<32x128xf32, #tpu.memory_space<hbm>>
      tpu.wait_dma2 semaphore(%arg25 : memref<!tpu.dma_semaphore, #tpu.memory_space<semaphore_mem>>) src(%dma_wait3A_728 : memref<32x128xf32, #tpu.memory_space<hbm>>) dst(%dma_wait3A_725 : memref<32x128xf32, #tpu.memory_space<vmem>>)
      %dma_wait3A_729 = arith.constant 1 : i32
      %dma_wait3A_730 = arith.constant 0 : i32
      %dma_wait3A_731 = arith.constant 0 : i32
      %dma_wait3A_732 = tpu.memref_slice %arg20[%dma_wait3A_729, %dma_wait3A_730, %dma_wait3A_731] : memref<8x32x128xf32, #tpu.memory_space<vmem>> -> memref<1x32x128xf32, #tpu.memory_space<vmem>>
      %dma_wait3A_733 = tpu.memref_squeeze %dma_wait3A_732 : memref<1x32x128xf32, #tpu.memory_space<vmem>> -> memref<32x128xf32, #tpu.memory_space<vmem>>
      %dma_wait3A_734 = arith.constant 0 : i32
      %dma_wait3A_735 = arith.constant 0 : i32
      %dma_wait3A_736 = tpu.memref_slice %arg3[%dma_wait3A_734, %dma_wait3A_735] : memref<32x100000xf32, #tpu.memory_space<hbm>> -> memref<32x128xf32, #tpu.memory_space<hbm>>
      %dma_wait3A_737 = arith.constant 0 : i32
      %dma_wait3A_738 = arith.constant 0 : i32
      %dma_wait3A_739 = tpu.memref_slice %arg20[%dma_wait3A_729, %dma_wait3A_737, %dma_wait3A_738] : memref<8x32x128xf32, #tpu.memory_space<vmem>> -> memref<1x32x128xf32, #tpu.memory_space<vmem>>
      %dma_wait3A_740 = tpu.memref_squeeze %dma_wait3A_739 : memref<1x32x128xf32, #tpu.memory_space<vmem>> -> memref<32x128xf32, #tpu.memory_space<vmem>>
      %dma_wait3A_741 = arith.constant 0 : i32
      %dma_wait3A_742 = arith.constant 0 : i32
      %dma_wait3A_743 = tpu.memref_slice %arg3[%dma_wait3A_741, %dma_wait3A_742] : memref<32x100000xf32, #tpu.memory_space<hbm>> -> memref<32x128xf32, #tpu.memory_space<hbm>>
      tpu.wait_dma2 semaphore(%arg25 : memref<!tpu.dma_semaphore, #tpu.memory_space<semaphore_mem>>) src(%dma_wait3A_743 : memref<32x128xf32, #tpu.memory_space<hbm>>) dst(%dma_wait3A_740 : memref<32x128xf32, #tpu.memory_space<vmem>>)
      %dma_wait3A_744 = arith.constant 2 : i32
      %dma_wait3A_745 = arith.constant 0 : i32
      %dma_wait3A_746 = arith.constant 0 : i32
      %dma_wait3A_747 = tpu.memref_slice %arg20[%dma_wait3A_744, %dma_wait3A_745, %dma_wait3A_746] : memref<8x32x128xf32, #tpu.memory_space<vmem>> -> memref<1x32x128xf32, #tpu.memory_space<vmem>>
      %dma_wait3A_748 = tpu.memref_squeeze %dma_wait3A_747 : memref<1x32x128xf32, #tpu.memory_space<vmem>> -> memref<32x128xf32, #tpu.memory_space<vmem>>
      %dma_wait3A_749 = arith.constant 0 : i32
      %dma_wait3A_750 = arith.constant 0 : i32
      %dma_wait3A_751 = tpu.memref_slice %arg3[%dma_wait3A_749, %dma_wait3A_750] : memref<32x100000xf32, #tpu.memory_space<hbm>> -> memref<32x128xf32, #tpu.memory_space<hbm>>
      %dma_wait3A_752 = arith.constant 0 : i32
      %dma_wait3A_753 = arith.constant 0 : i32
      %dma_wait3A_754 = tpu.memref_slice %arg20[%dma_wait3A_744, %dma_wait3A_752, %dma_wait3A_753] : memref<8x32x128xf32, #tpu.memory_space<vmem>> -> memref<1x32x128xf32, #tpu.memory_space<vmem>>
      %dma_wait3A_755 = tpu.memref_squeeze %dma_wait3A_754 : memref<1x32x128xf32, #tpu.memory_space<vmem>> -> memref<32x128xf32, #tpu.memory_space<vmem>>
      %dma_wait3A_756 = arith.constant 0 : i32
      %dma_wait3A_757 = arith.constant 0 : i32
      %dma_wait3A_758 = tpu.memref_slice %arg3[%dma_wait3A_756, %dma_wait3A_757] : memref<32x100000xf32, #tpu.memory_space<hbm>> -> memref<32x128xf32, #tpu.memory_space<hbm>>
      tpu.wait_dma2 semaphore(%arg25 : memref<!tpu.dma_semaphore, #tpu.memory_space<semaphore_mem>>) src(%dma_wait3A_758 : memref<32x128xf32, #tpu.memory_space<hbm>>) dst(%dma_wait3A_755 : memref<32x128xf32, #tpu.memory_space<vmem>>)
      %dma_wait3A_759 = arith.constant 3 : i32
      %dma_wait3A_760 = arith.constant 0 : i32
      %dma_wait3A_761 = arith.constant 0 : i32
      %dma_wait3A_762 = tpu.memref_slice %arg20[%dma_wait3A_759, %dma_wait3A_760, %dma_wait3A_761] : memref<8x32x128xf32, #tpu.memory_space<vmem>> -> memref<1x32x128xf32, #tpu.memory_space<vmem>>
      %dma_wait3A_763 = tpu.memref_squeeze %dma_wait3A_762 : memref<1x32x128xf32, #tpu.memory_space<vmem>> -> memref<32x128xf32, #tpu.memory_space<vmem>>
      %dma_wait3A_764 = arith.constant 0 : i32
      %dma_wait3A_765 = arith.constant 0 : i32
      %dma_wait3A_766 = tpu.memref_slice %arg3[%dma_wait3A_764, %dma_wait3A_765] : memref<32x100000xf32, #tpu.memory_space<hbm>> -> memref<32x128xf32, #tpu.memory_space<hbm>>
      %dma_wait3A_767 = arith.constant 0 : i32
      %dma_wait3A_768 = arith.constant 0 : i32
      %dma_wait3A_769 = tpu.memref_slice %arg20[%dma_wait3A_759, %dma_wait3A_767, %dma_wait3A_768] : memref<8x32x128xf32, #tpu.memory_space<vmem>> -> memref<1x32x128xf32, #tpu.memory_space<vmem>>
      %dma_wait3A_770 = tpu.memref_squeeze %dma_wait3A_769 : memref<1x32x128xf32, #tpu.memory_space<vmem>> -> memref<32x128xf32, #tpu.memory_space<vmem>>
      %dma_wait3A_771 = arith.constant 0 : i32
      %dma_wait3A_772 = arith.constant 0 : i32
      %dma_wait3A_773 = tpu.memref_slice %arg3[%dma_wait3A_771, %dma_wait3A_772] : memref<32x100000xf32, #tpu.memory_space<hbm>> -> memref<32x128xf32, #tpu.memory_space<hbm>>
      tpu.wait_dma2 semaphore(%arg25 : memref<!tpu.dma_semaphore, #tpu.memory_space<semaphore_mem>>) src(%dma_wait3A_773 : memref<32x128xf32, #tpu.memory_space<hbm>>) dst(%dma_wait3A_770 : memref<32x128xf32, #tpu.memory_space<vmem>>)
      %dma_wait3A_774 = arith.constant 4 : i32
      %dma_wait3A_775 = arith.constant 0 : i32
      %dma_wait3A_776 = arith.constant 0 : i32
      %dma_wait3A_777 = tpu.memref_slice %arg20[%dma_wait3A_774, %dma_wait3A_775, %dma_wait3A_776] : memref<8x32x128xf32, #tpu.memory_space<vmem>> -> memref<1x32x128xf32, #tpu.memory_space<vmem>>
      %dma_wait3A_778 = tpu.memref_squeeze %dma_wait3A_777 : memref<1x32x128xf32, #tpu.memory_space<vmem>> -> memref<32x128xf32, #tpu.memory_space<vmem>>
      %dma_wait3A_779 = arith.constant 0 : i32
      %dma_wait3A_780 = arith.constant 0 : i32
      %dma_wait3A_781 = tpu.memref_slice %arg3[%dma_wait3A_779, %dma_wait3A_780] : memref<32x100000xf32, #tpu.memory_space<hbm>> -> memref<32x128xf32, #tpu.memory_space<hbm>>
      %dma_wait3A_782 = arith.constant 0 : i32
      %dma_wait3A_783 = arith.constant 0 : i32
      %dma_wait3A_784 = tpu.memref_slice %arg20[%dma_wait3A_774, %dma_wait3A_782, %dma_wait3A_783] : memref<8x32x128xf32, #tpu.memory_space<vmem>> -> memref<1x32x128xf32, #tpu.memory_space<vmem>>
      %dma_wait3A_785 = tpu.memref_squeeze %dma_wait3A_784 : memref<1x32x128xf32, #tpu.memory_space<vmem>> -> memref<32x128xf32, #tpu.memory_space<vmem>>
      %dma_wait3A_786 = arith.constant 0 : i32
      %dma_wait3A_787 = arith.constant 0 : i32
      %dma_wait3A_788 = tpu.memref_slice %arg3[%dma_wait3A_786, %dma_wait3A_787] : memref<32x100000xf32, #tpu.memory_space<hbm>> -> memref<32x128xf32, #tpu.memory_space<hbm>>
      tpu.wait_dma2 semaphore(%arg25 : memref<!tpu.dma_semaphore, #tpu.memory_space<semaphore_mem>>) src(%dma_wait3A_788 : memref<32x128xf32, #tpu.memory_space<hbm>>) dst(%dma_wait3A_785 : memref<32x128xf32, #tpu.memory_space<vmem>>)
      %dma_wait3A_789 = arith.constant 5 : i32
      %dma_wait3A_790 = arith.constant 0 : i32
      %dma_wait3A_791 = arith.constant 0 : i32
      %dma_wait3A_792 = tpu.memref_slice %arg20[%dma_wait3A_789, %dma_wait3A_790, %dma_wait3A_791] : memref<8x32x128xf32, #tpu.memory_space<vmem>> -> memref<1x32x128xf32, #tpu.memory_space<vmem>>
      %dma_wait3A_793 = tpu.memref_squeeze %dma_wait3A_792 : memref<1x32x128xf32, #tpu.memory_space<vmem>> -> memref<32x128xf32, #tpu.memory_space<vmem>>
      %dma_wait3A_794 = arith.constant 0 : i32
      %dma_wait3A_795 = arith.constant 0 : i32
      %dma_wait3A_796 = tpu.memref_slice %arg3[%dma_wait3A_794, %dma_wait3A_795] : memref<32x100000xf32, #tpu.memory_space<hbm>> -> memref<32x128xf32, #tpu.memory_space<hbm>>
      %dma_wait3A_797 = arith.constant 0 : i32
      %dma_wait3A_798 = arith.constant 0 : i32
      %dma_wait3A_799 = tpu.memref_slice %arg20[%dma_wait3A_789, %dma_wait3A_797, %dma_wait3A_798] : memref<8x32x128xf32, #tpu.memory_space<vmem>> -> memref<1x32x128xf32, #tpu.memory_space<vmem>>
      %dma_wait3A_800 = tpu.memref_squeeze %dma_wait3A_799 : memref<1x32x128xf32, #tpu.memory_space<vmem>> -> memref<32x128xf32, #tpu.memory_space<vmem>>
      %dma_wait3A_801 = arith.constant 0 : i32
      %dma_wait3A_802 = arith.constant 0 : i32
      %dma_wait3A_803 = tpu.memref_slice %arg3[%dma_wait3A_801, %dma_wait3A_802] : memref<32x100000xf32, #tpu.memory_space<hbm>> -> memref<32x128xf32, #tpu.memory_space<hbm>>
      tpu.wait_dma2 semaphore(%arg25 : memref<!tpu.dma_semaphore, #tpu.memory_space<semaphore_mem>>) src(%dma_wait3A_803 : memref<32x128xf32, #tpu.memory_space<hbm>>) dst(%dma_wait3A_800 : memref<32x128xf32, #tpu.memory_space<vmem>>)
      %dma_wait3A_804 = arith.constant 6 : i32
      %dma_wait3A_805 = arith.constant 0 : i32
      %dma_wait3A_806 = arith.constant 0 : i32
      %dma_wait3A_807 = tpu.memref_slice %arg20[%dma_wait3A_804, %dma_wait3A_805, %dma_wait3A_806] : memref<8x32x128xf32, #tpu.memory_space<vmem>> -> memref<1x32x128xf32, #tpu.memory_space<vmem>>
      %dma_wait3A_808 = tpu.memref_squeeze %dma_wait3A_807 : memref<1x32x128xf32, #tpu.memory_space<vmem>> -> memref<32x128xf32, #tpu.memory_space<vmem>>
      %dma_wait3A_809 = arith.constant 0 : i32
      %dma_wait3A_810 = arith.constant 0 : i32
      %dma_wait3A_811 = tpu.memref_slice %arg3[%dma_wait3A_809, %dma_wait3A_810] : memref<32x100000xf32, #tpu.memory_space<hbm>> -> memref<32x128xf32, #tpu.memory_space<hbm>>
      %dma_wait3A_812 = arith.constant 0 : i32
      %dma_wait3A_813 = arith.constant 0 : i32
      %dma_wait3A_814 = tpu.memref_slice %arg20[%dma_wait3A_804, %dma_wait3A_812, %dma_wait3A_813] : memref<8x32x128xf32, #tpu.memory_space<vmem>> -> memref<1x32x128xf32, #tpu.memory_space<vmem>>
      %dma_wait3A_815 = tpu.memref_squeeze %dma_wait3A_814 : memref<1x32x128xf32, #tpu.memory_space<vmem>> -> memref<32x128xf32, #tpu.memory_space<vmem>>
      %dma_wait3A_816 = arith.constant 0 : i32
      %dma_wait3A_817 = arith.constant 0 : i32
      %dma_wait3A_818 = tpu.memref_slice %arg3[%dma_wait3A_816, %dma_wait3A_817] : memref<32x100000xf32, #tpu.memory_space<hbm>> -> memref<32x128xf32, #tpu.memory_space<hbm>>
      tpu.wait_dma2 semaphore(%arg25 : memref<!tpu.dma_semaphore, #tpu.memory_space<semaphore_mem>>) src(%dma_wait3A_818 : memref<32x128xf32, #tpu.memory_space<hbm>>) dst(%dma_wait3A_815 : memref<32x128xf32, #tpu.memory_space<vmem>>)
      %dma_wait3A_819 = arith.constant 7 : i32
      %dma_wait3A_820 = arith.constant 0 : i32
      %dma_wait3A_821 = arith.constant 0 : i32
      %dma_wait3A_822 = tpu.memref_slice %arg20[%dma_wait3A_819, %dma_wait3A_820, %dma_wait3A_821] : memref<8x32x128xf32, #tpu.memory_space<vmem>> -> memref<1x32x128xf32, #tpu.memory_space<vmem>>
      %dma_wait3A_823 = tpu.memref_squeeze %dma_wait3A_822 : memref<1x32x128xf32, #tpu.memory_space<vmem>> -> memref<32x128xf32, #tpu.memory_space<vmem>>
      %dma_wait3A_824 = arith.constant 0 : i32
      %dma_wait3A_825 = arith.constant 0 : i32
      %dma_wait3A_826 = tpu.memref_slice %arg3[%dma_wait3A_824, %dma_wait3A_825] : memref<32x100000xf32, #tpu.memory_space<hbm>> -> memref<32x128xf32, #tpu.memory_space<hbm>>
      %dma_wait3A_827 = arith.constant 0 : i32
      %dma_wait3A_828 = arith.constant 0 : i32
      %dma_wait3A_829 = tpu.memref_slice %arg20[%dma_wait3A_819, %dma_wait3A_827, %dma_wait3A_828] : memref<8x32x128xf32, #tpu.memory_space<vmem>> -> memref<1x32x128xf32, #tpu.memory_space<vmem>>
      %dma_wait3A_830 = tpu.memref_squeeze %dma_wait3A_829 : memref<1x32x128xf32, #tpu.memory_space<vmem>> -> memref<32x128xf32, #tpu.memory_space<vmem>>
      %dma_wait3A_831 = arith.constant 0 : i32
      %dma_wait3A_832 = arith.constant 0 : i32
      %dma_wait3A_833 = tpu.memref_slice %arg3[%dma_wait3A_831, %dma_wait3A_832] : memref<32x100000xf32, #tpu.memory_space<hbm>> -> memref<32x128xf32, #tpu.memory_space<hbm>>
      tpu.wait_dma2 semaphore(%arg25 : memref<!tpu.dma_semaphore, #tpu.memory_space<semaphore_mem>>) src(%dma_wait3A_833 : memref<32x128xf32, #tpu.memory_space<hbm>>) dst(%dma_wait3A_830 : memref<32x128xf32, #tpu.memory_space<vmem>>)
      %jit3A_834 = arith.constant 2 : i32
      %eq3A_835 = arith.constant 0 : i32
      %eq3A_836 = arith.cmpi eq, %jit3A_834, %eq3A_835 : i32
      %jit3A_837 = arith.constant 1 : i32
      %select_n3A_838 = arith.select %eq3A_836, %jit3A_837, %jit3A_834 : i32
      %rem3A_839 = arith.remsi %scan3A_205, %select_n3A_838 : i32
      %ne3A_840 = arith.constant 0 : i32
      %ne3A_841 = arith.cmpi ne, %rem3A_839, %ne3A_840 : i32
      %lt3A_842 = arith.constant 0 : i32
      %lt3A_843 = arith.cmpi slt, %rem3A_839, %lt3A_842 : i32
      %lt3A_844 = arith.constant 0 : i32
      %lt3A_845 = arith.cmpi slt, %select_n3A_838, %lt3A_844 : i32
      %ne3A_846 = arith.xori %lt3A_843, %lt3A_845 : i1
      %and3A_847 = arith.andi %ne3A_846, %ne3A_841 : i1
      %add3A_848 = arith.addi %rem3A_839, %select_n3A_838 : i32
      %select_n3A_849 = arith.select %and3A_847, %add3A_848, %rem3A_839 : i32
      %broadcast_in_dim3A_850 = vector.broadcast %select_n3A_849 : i32 to vector<16xi32>
      %mul3A_851 = arith.constant 8 : i32
      %mul3A_852 = arith.muli %scan3A_205, %mul3A_851 : i32
      %add3A_853 = vector.broadcast %mul3A_852 : i32 to vector<16xi32>
      %add3A_854 = arith.addi %add3A_853, %select_n3A_17 : vector<16xi32>
      %gather3A_855 = tpu.vector_load_idx %arg16[%add3A_854] : memref<512xi32, #tpu.memory_space<vmem>>[vector<16xi32>], vector<16xi32>,
      %add3A_856 = arith.constant 0 : i32
      %add3A_857 = vector.broadcast %add3A_856 : i32 to vector<16xi32>
      %add3A_858 = arith.addi %select_n3A_45, %add3A_857 : vector<16xi32>
      %gather3A_859 = tpu.vector_load_idx %arg20[%select_n3A_17, %add3A_858, %gather3A_855] : memref<8x32x128xf32, #tpu.memory_space<vmem>>[vector<16xi32>, vector<16xi32>, vector<16xi32>], vector<16xf32>,
      %add3A_860 = arith.constant 32 : i32
      %add3A_861 = vector.broadcast %add3A_860 : i32 to vector<16xi32>
      %add3A_862 = arith.addi %select_n3A_45, %add3A_861 : vector<16xi32>
      tpu.vector_store_idx %arg23[%broadcast_in_dim3A_850, %select_n3A_17, %add3A_862], %gather3A_859 : memref<2x8x128xf32, #tpu.memory_space<vmem>>[vector<16xi32>, vector<16xi32>, vector<16xi32>], vector<16xf32>,
      %add3A_863 = arith.constant 2 : i32
      %add3A_864 = vector.broadcast %add3A_863 : i32 to vector<16xi32>
      %add3A_865 = arith.addi %select_n3A_45, %add3A_864 : vector<16xi32>
      %gather3A_866 = tpu.vector_load_idx %arg20[%select_n3A_17, %add3A_865, %gather3A_855] : memref<8x32x128xf32, #tpu.memory_space<vmem>>[vector<16xi32>, vector<16xi32>, vector<16xi32>], vector<16xf32>,
      %add3A_867 = arith.constant 34 : i32
      %add3A_868 = vector.broadcast %add3A_867 : i32 to vector<16xi32>
      %add3A_869 = arith.addi %select_n3A_45, %add3A_868 : vector<16xi32>
      tpu.vector_store_idx %arg23[%broadcast_in_dim3A_850, %select_n3A_17, %add3A_869], %gather3A_866 : memref<2x8x128xf32, #tpu.memory_space<vmem>>[vector<16xi32>, vector<16xi32>, vector<16xi32>], vector<16xf32>,
      %add3A_870 = arith.constant 4 : i32
      %add3A_871 = vector.broadcast %add3A_870 : i32 to vector<16xi32>
      %add3A_872 = arith.addi %select_n3A_45, %add3A_871 : vector<16xi32>
      %gather3A_873 = tpu.vector_load_idx %arg20[%select_n3A_17, %add3A_872, %gather3A_855] : memref<8x32x128xf32, #tpu.memory_space<vmem>>[vector<16xi32>, vector<16xi32>, vector<16xi32>], vector<16xf32>,
      %add3A_874 = arith.constant 36 : i32
      %add3A_875 = vector.broadcast %add3A_874 : i32 to vector<16xi32>
      %add3A_876 = arith.addi %select_n3A_45, %add3A_875 : vector<16xi32>
      tpu.vector_store_idx %arg23[%broadcast_in_dim3A_850, %select_n3A_17, %add3A_876], %gather3A_873 : memref<2x8x128xf32, #tpu.memory_space<vmem>>[vector<16xi32>, vector<16xi32>, vector<16xi32>], vector<16xf32>,
      %add3A_877 = arith.constant 6 : i32
      %add3A_878 = vector.broadcast %add3A_877 : i32 to vector<16xi32>
      %add3A_879 = arith.addi %select_n3A_45, %add3A_878 : vector<16xi32>
      %gather3A_880 = tpu.vector_load_idx %arg20[%select_n3A_17, %add3A_879, %gather3A_855] : memref<8x32x128xf32, #tpu.memory_space<vmem>>[vector<16xi32>, vector<16xi32>, vector<16xi32>], vector<16xf32>,
      %add3A_881 = arith.constant 38 : i32
      %add3A_882 = vector.broadcast %add3A_881 : i32 to vector<16xi32>
      %add3A_883 = arith.addi %select_n3A_45, %add3A_882 : vector<16xi32>
      tpu.vector_store_idx %arg23[%broadcast_in_dim3A_850, %select_n3A_17, %add3A_883], %gather3A_880 : memref<2x8x128xf32, #tpu.memory_space<vmem>>[vector<16xi32>, vector<16xi32>, vector<16xi32>], vector<16xf32>,
      %add3A_884 = arith.constant 8 : i32
      %add3A_885 = vector.broadcast %add3A_884 : i32 to vector<16xi32>
      %add3A_886 = arith.addi %select_n3A_45, %add3A_885 : vector<16xi32>
      %gather3A_887 = tpu.vector_load_idx %arg20[%select_n3A_17, %add3A_886, %gather3A_855] : memref<8x32x128xf32, #tpu.memory_space<vmem>>[vector<16xi32>, vector<16xi32>, vector<16xi32>], vector<16xf32>,
      %add3A_888 = arith.constant 40 : i32
      %add3A_889 = vector.broadcast %add3A_888 : i32 to vector<16xi32>
      %add3A_890 = arith.addi %select_n3A_45, %add3A_889 : vector<16xi32>
      tpu.vector_store_idx %arg23[%broadcast_in_dim3A_850, %select_n3A_17, %add3A_890], %gather3A_887 : memref<2x8x128xf32, #tpu.memory_space<vmem>>[vector<16xi32>, vector<16xi32>, vector<16xi32>], vector<16xf32>,
      %add3A_891 = arith.constant 10 : i32
      %add3A_892 = vector.broadcast %add3A_891 : i32 to vector<16xi32>
      %add3A_893 = arith.addi %select_n3A_45, %add3A_892 : vector<16xi32>
      %gather3A_894 = tpu.vector_load_idx %arg20[%select_n3A_17, %add3A_893, %gather3A_855] : memref<8x32x128xf32, #tpu.memory_space<vmem>>[vector<16xi32>, vector<16xi32>, vector<16xi32>], vector<16xf32>,
      %add3A_895 = arith.constant 42 : i32
      %add3A_896 = vector.broadcast %add3A_895 : i32 to vector<16xi32>
      %add3A_897 = arith.addi %select_n3A_45, %add3A_896 : vector<16xi32>
      tpu.vector_store_idx %arg23[%broadcast_in_dim3A_850, %select_n3A_17, %add3A_897], %gather3A_894 : memref<2x8x128xf32, #tpu.memory_space<vmem>>[vector<16xi32>, vector<16xi32>, vector<16xi32>], vector<16xf32>,
      %add3A_898 = arith.constant 12 : i32
      %add3A_899 = vector.broadcast %add3A_898 : i32 to vector<16xi32>
      %add3A_900 = arith.addi %select_n3A_45, %add3A_899 : vector<16xi32>
      %gather3A_901 = tpu.vector_load_idx %arg20[%select_n3A_17, %add3A_900, %gather3A_855] : memref<8x32x128xf32, #tpu.memory_space<vmem>>[vector<16xi32>, vector<16xi32>, vector<16xi32>], vector<16xf32>,
      %add3A_902 = arith.constant 44 : i32
      %add3A_903 = vector.broadcast %add3A_902 : i32 to vector<16xi32>
      %add3A_904 = arith.addi %select_n3A_45, %add3A_903 : vector<16xi32>
      tpu.vector_store_idx %arg23[%broadcast_in_dim3A_850, %select_n3A_17, %add3A_904], %gather3A_901 : memref<2x8x128xf32, #tpu.memory_space<vmem>>[vector<16xi32>, vector<16xi32>, vector<16xi32>], vector<16xf32>,
      %add3A_905 = arith.constant 14 : i32
      %add3A_906 = vector.broadcast %add3A_905 : i32 to vector<16xi32>
      %add3A_907 = arith.addi %select_n3A_45, %add3A_906 : vector<16xi32>
      %gather3A_908 = tpu.vector_load_idx %arg20[%select_n3A_17, %add3A_907, %gather3A_855] : memref<8x32x128xf32, #tpu.memory_space<vmem>>[vector<16xi32>, vector<16xi32>, vector<16xi32>], vector<16xf32>,
      %add3A_909 = arith.constant 46 : i32
      %add3A_910 = vector.broadcast %add3A_909 : i32 to vector<16xi32>
      %add3A_911 = arith.addi %select_n3A_45, %add3A_910 : vector<16xi32>
      tpu.vector_store_idx %arg23[%broadcast_in_dim3A_850, %select_n3A_17, %add3A_911], %gather3A_908 : memref<2x8x128xf32, #tpu.memory_space<vmem>>[vector<16xi32>, vector<16xi32>, vector<16xi32>], vector<16xf32>,
      %add3A_912 = arith.constant 16 : i32
      %add3A_913 = vector.broadcast %add3A_912 : i32 to vector<16xi32>
      %add3A_914 = arith.addi %select_n3A_45, %add3A_913 : vector<16xi32>
      %gather3A_915 = tpu.vector_load_idx %arg20[%select_n3A_17, %add3A_914, %gather3A_855] : memref<8x32x128xf32, #tpu.memory_space<vmem>>[vector<16xi32>, vector<16xi32>, vector<16xi32>], vector<16xf32>,
      %add3A_916 = arith.constant 48 : i32
      %add3A_917 = vector.broadcast %add3A_916 : i32 to vector<16xi32>
      %add3A_918 = arith.addi %select_n3A_45, %add3A_917 : vector<16xi32>
      tpu.vector_store_idx %arg23[%broadcast_in_dim3A_850, %select_n3A_17, %add3A_918], %gather3A_915 : memref<2x8x128xf32, #tpu.memory_space<vmem>>[vector<16xi32>, vector<16xi32>, vector<16xi32>], vector<16xf32>,
      %add3A_919 = arith.constant 18 : i32
      %add3A_920 = vector.broadcast %add3A_919 : i32 to vector<16xi32>
      %add3A_921 = arith.addi %select_n3A_45, %add3A_920 : vector<16xi32>
      %gather3A_922 = tpu.vector_load_idx %arg20[%select_n3A_17, %add3A_921, %gather3A_855] : memref<8x32x128xf32, #tpu.memory_space<vmem>>[vector<16xi32>, vector<16xi32>, vector<16xi32>], vector<16xf32>,
      %add3A_923 = arith.constant 50 : i32
      %add3A_924 = vector.broadcast %add3A_923 : i32 to vector<16xi32>
      %add3A_925 = arith.addi %select_n3A_45, %add3A_924 : vector<16xi32>
      tpu.vector_store_idx %arg23[%broadcast_in_dim3A_850, %select_n3A_17, %add3A_925], %gather3A_922 : memref<2x8x128xf32, #tpu.memory_space<vmem>>[vector<16xi32>, vector<16xi32>, vector<16xi32>], vector<16xf32>,
      %add3A_926 = arith.constant 20 : i32
      %add3A_927 = vector.broadcast %add3A_926 : i32 to vector<16xi32>
      %add3A_928 = arith.addi %select_n3A_45, %add3A_927 : vector<16xi32>
      %gather3A_929 = tpu.vector_load_idx %arg20[%select_n3A_17, %add3A_928, %gather3A_855] : memref<8x32x128xf32, #tpu.memory_space<vmem>>[vector<16xi32>, vector<16xi32>, vector<16xi32>], vector<16xf32>,
      %add3A_930 = arith.constant 52 : i32
      %add3A_931 = vector.broadcast %add3A_930 : i32 to vector<16xi32>
      %add3A_932 = arith.addi %select_n3A_45, %add3A_931 : vector<16xi32>
      tpu.vector_store_idx %arg23[%broadcast_in_dim3A_850, %select_n3A_17, %add3A_932], %gather3A_929 : memref<2x8x128xf32, #tpu.memory_space<vmem>>[vector<16xi32>, vector<16xi32>, vector<16xi32>], vector<16xf32>,
      %add3A_933 = arith.constant 22 : i32
      %add3A_934 = vector.broadcast %add3A_933 : i32 to vector<16xi32>
      %add3A_935 = arith.addi %select_n3A_45, %add3A_934 : vector<16xi32>
      %gather3A_936 = tpu.vector_load_idx %arg20[%select_n3A_17, %add3A_935, %gather3A_855] : memref<8x32x128xf32, #tpu.memory_space<vmem>>[vector<16xi32>, vector<16xi32>, vector<16xi32>], vector<16xf32>,
      %add3A_937 = arith.constant 54 : i32
      %add3A_938 = vector.broadcast %add3A_937 : i32 to vector<16xi32>
      %add3A_939 = arith.addi %select_n3A_45, %add3A_938 : vector<16xi32>
      tpu.vector_store_idx %arg23[%broadcast_in_dim3A_850, %select_n3A_17, %add3A_939], %gather3A_936 : memref<2x8x128xf32, #tpu.memory_space<vmem>>[vector<16xi32>, vector<16xi32>, vector<16xi32>], vector<16xf32>,
      %add3A_940 = arith.constant 24 : i32
      %add3A_941 = vector.broadcast %add3A_940 : i32 to vector<16xi32>
      %add3A_942 = arith.addi %select_n3A_45, %add3A_941 : vector<16xi32>
      %gather3A_943 = tpu.vector_load_idx %arg20[%select_n3A_17, %add3A_942, %gather3A_855] : memref<8x32x128xf32, #tpu.memory_space<vmem>>[vector<16xi32>, vector<16xi32>, vector<16xi32>], vector<16xf32>,
      %add3A_944 = arith.constant 56 : i32
      %add3A_945 = vector.broadcast %add3A_944 : i32 to vector<16xi32>
      %add3A_946 = arith.addi %select_n3A_45, %add3A_945 : vector<16xi32>
      tpu.vector_store_idx %arg23[%broadcast_in_dim3A_850, %select_n3A_17, %add3A_946], %gather3A_943 : memref<2x8x128xf32, #tpu.memory_space<vmem>>[vector<16xi32>, vector<16xi32>, vector<16xi32>], vector<16xf32>,
      %add3A_947 = arith.constant 26 : i32
      %add3A_948 = vector.broadcast %add3A_947 : i32 to vector<16xi32>
      %add3A_949 = arith.addi %select_n3A_45, %add3A_948 : vector<16xi32>
      %gather3A_950 = tpu.vector_load_idx %arg20[%select_n3A_17, %add3A_949, %gather3A_855] : memref<8x32x128xf32, #tpu.memory_space<vmem>>[vector<16xi32>, vector<16xi32>, vector<16xi32>], vector<16xf32>,
      %add3A_951 = arith.constant 58 : i32
      %add3A_952 = vector.broadcast %add3A_951 : i32 to vector<16xi32>
      %add3A_953 = arith.addi %select_n3A_45, %add3A_952 : vector<16xi32>
      tpu.vector_store_idx %arg23[%broadcast_in_dim3A_850, %select_n3A_17, %add3A_953], %gather3A_950 : memref<2x8x128xf32, #tpu.memory_space<vmem>>[vector<16xi32>, vector<16xi32>, vector<16xi32>], vector<16xf32>,
      %add3A_954 = arith.constant 28 : i32
      %add3A_955 = vector.broadcast %add3A_954 : i32 to vector<16xi32>
      %add3A_956 = arith.addi %select_n3A_45, %add3A_955 : vector<16xi32>
      %gather3A_957 = tpu.vector_load_idx %arg20[%select_n3A_17, %add3A_956, %gather3A_855] : memref<8x32x128xf32, #tpu.memory_space<vmem>>[vector<16xi32>, vector<16xi32>, vector<16xi32>], vector<16xf32>,
      %add3A_958 = arith.constant 60 : i32
      %add3A_959 = vector.broadcast %add3A_958 : i32 to vector<16xi32>
      %add3A_960 = arith.addi %select_n3A_45, %add3A_959 : vector<16xi32>
      tpu.vector_store_idx %arg23[%broadcast_in_dim3A_850, %select_n3A_17, %add3A_960], %gather3A_957 : memref<2x8x128xf32, #tpu.memory_space<vmem>>[vector<16xi32>, vector<16xi32>, vector<16xi32>], vector<16xf32>,
      %add3A_961 = arith.constant 30 : i32
      %add3A_962 = vector.broadcast %add3A_961 : i32 to vector<16xi32>
      %add3A_963 = arith.addi %select_n3A_45, %add3A_962 : vector<16xi32>
      %gather3A_964 = tpu.vector_load_idx %arg20[%select_n3A_17, %add3A_963, %gather3A_855] : memref<8x32x128xf32, #tpu.memory_space<vmem>>[vector<16xi32>, vector<16xi32>, vector<16xi32>], vector<16xf32>,
      %add3A_965 = arith.constant 62 : i32
      %add3A_966 = vector.broadcast %add3A_965 : i32 to vector<16xi32>
      %add3A_967 = arith.addi %select_n3A_45, %add3A_966 : vector<16xi32>
      tpu.vector_store_idx %arg23[%broadcast_in_dim3A_850, %select_n3A_17, %add3A_967], %gather3A_964 : memref<2x8x128xf32, #tpu.memory_space<vmem>>[vector<16xi32>, vector<16xi32>, vector<16xi32>], vector<16xf32>,
      %jit3A_968 = arith.constant 2 : i32
      %eq3A_969 = arith.constant 0 : i32
      %eq3A_970 = arith.cmpi eq, %jit3A_968, %eq3A_969 : i32
      %jit3A_971 = arith.constant 1 : i32
      %select_n3A_972 = arith.select %eq3A_970, %jit3A_971, %jit3A_968 : i32
      %rem3A_973 = arith.remsi %scan3A_205, %select_n3A_972 : i32
      %ne3A_974 = arith.constant 0 : i32
      %ne3A_975 = arith.cmpi ne, %rem3A_973, %ne3A_974 : i32
      %lt3A_976 = arith.constant 0 : i32
      %lt3A_977 = arith.cmpi slt, %rem3A_973, %lt3A_976 : i32
      %lt3A_978 = arith.constant 0 : i32
      %lt3A_979 = arith.cmpi slt, %select_n3A_972, %lt3A_978 : i32
      %ne3A_980 = arith.xori %lt3A_977, %lt3A_979 : i1
      %and3A_981 = arith.andi %ne3A_980, %ne3A_975 : i1
      %add3A_982 = arith.addi %rem3A_973, %select_n3A_972 : i32
      %select_n3A_983 = arith.select %and3A_981, %add3A_982, %rem3A_973 : i32
      %mul3A_984 = arith.constant 8 : i32
      %mul3A_985 = arith.muli %scan3A_205, %mul3A_984 : i32
      %add3A_986 = arith.addi %mul3A_2, %mul3A_985 : i32
      %dma_start3A_987 = arith.constant 0 : i32
      %dma_start3A_988 = arith.constant 0 : i32
      %dma_start3A_989 = tpu.memref_slice %arg23[%select_n3A_983, %dma_start3A_987, %dma_start3A_988] : memref<2x8x128xf32, #tpu.memory_space<vmem>> -> memref<1x8x128xf32, #tpu.memory_space<vmem>>
      %dma_start3A_990 = tpu.memref_squeeze %dma_start3A_989 : memref<1x8x128xf32, #tpu.memory_space<vmem>> -> memref<8x128xf32, #tpu.memory_space<vmem>>
      %dma_start3A_991 = arith.constant 0 : i32
      %dma_start3A_992 = tpu.memref_slice %arg12[%add3A_986, %dma_start3A_991] : memref<16384x128xf32, #tpu.memory_space<hbm>> -> memref<8x128xf32, #tpu.memory_space<hbm>>
      %dma_start3A_993 = arith.constant 0 : i32
      %dma_start3A_994 = tpu.memref_slice %arg12[%add3A_986, %dma_start3A_993] : memref<16384x128xf32, #tpu.memory_space<hbm>> -> memref<8x128xf32, #tpu.memory_space<hbm>>
      %dma_start3A_995 = arith.constant 0 : i32
      %dma_start3A_996 = arith.constant 0 : i32
      %dma_start3A_997 = tpu.memref_slice %arg23[%select_n3A_983, %dma_start3A_995, %dma_start3A_996] : memref<2x8x128xf32, #tpu.memory_space<vmem>> -> memref<1x8x128xf32, #tpu.memory_space<vmem>>
      %dma_start3A_998 = tpu.memref_squeeze %dma_start3A_997 : memref<1x8x128xf32, #tpu.memory_space<vmem>> -> memref<8x128xf32, #tpu.memory_space<vmem>>
      tpu.enqueue_dma source(%dma_start3A_998 : memref<8x128xf32, #tpu.memory_space<vmem>>) target(%dma_start3A_994 : memref<8x128xf32, #tpu.memory_space<hbm>>) target_semaphore(%arg26 : memref<!tpu.dma_semaphore, #tpu.memory_space<semaphore_mem>>)
      %scan3A_999 = arith.constant 0 : i32
      scf.yield %scan3A_999 : i32
    }
    %scan3A_192 = arith.constant 64 : i32
    %dma_wait3A = arith.constant 0 : i32
    %dma_wait3A_193 = arith.constant 0 : i32
    %dma_wait3A_194 = arith.constant 0 : i32
    %dma_wait3A_195 = tpu.memref_slice %arg23[%dma_wait3A, %dma_wait3A_193, %dma_wait3A_194] : memref<2x8x128xf32, #tpu.memory_space<vmem>> -> memref<1x8x128xf32, #tpu.memory_space<vmem>>
    %dma_wait3A_196 = tpu.memref_squeeze %dma_wait3A_195 : memref<1x8x128xf32, #tpu.memory_space<vmem>> -> memref<8x128xf32, #tpu.memory_space<vmem>>
    %dma_wait3A_197 = arith.constant 0 : i32
    %dma_wait3A_198 = tpu.memref_slice %arg12[%mul3A_2, %dma_wait3A_197] : memref<16384x128xf32, #tpu.memory_space<hbm>> -> memref<8x128xf32, #tpu.memory_space<hbm>>
    %dma_wait3A_199 = arith.constant 0 : i32
    %dma_wait3A_200 = tpu.memref_slice %arg12[%mul3A_2, %dma_wait3A_199] : memref<16384x128xf32, #tpu.memory_space<hbm>> -> memref<8x128xf32, #tpu.memory_space<hbm>>
    %dma_wait3A_201 = arith.constant 0 : i32
    %dma_wait3A_202 = arith.constant 0 : i32
    %dma_wait3A_203 = tpu.memref_slice %arg23[%dma_wait3A, %dma_wait3A_201, %dma_wait3A_202] : memref<2x8x128xf32, #tpu.memory_space<vmem>> -> memref<1x8x128xf32, #tpu.memory_space<vmem>>
    %dma_wait3A_204 = tpu.memref_squeeze %dma_wait3A_203 : memref<1x8x128xf32, #tpu.memory_space<vmem>> -> memref<8x128xf32, #tpu.memory_space<vmem>>
    tpu.wait_dma2 semaphore(%arg26 : memref<!tpu.dma_semaphore, #tpu.memory_space<semaphore_mem>>) src(%dma_wait3A_204 : memref<8x128xf32, #tpu.memory_space<vmem>>) dst(%dma_wait3A_200 : memref<8x128xf32, #tpu.memory_space<hbm>>)
    return
  }
}

module attributes {stable_mosaic.version = 14 : i64} {
  func.func @_mlp_body(%arg0: i32, %arg1: memref<32x4096xf32, #tpu.memory_space<vmem>>, %arg2: memref<4096x128xf32, #tpu.memory_space<vmem>>, %arg3: memref<32x256xf32, #tpu.memory_space<vmem>>, %arg4: memref<80x256xf32, #tpu.memory_space<vmem>>, %arg5: memref<1x256xf32, #tpu.memory_space<vmem>>, %arg6: memref<256x128xf32, #tpu.memory_space<vmem>>, %arg7: memref<1x128xf32, #tpu.memory_space<vmem>>, %arg8: memref<128x1xf32, #tpu.memory_space<vmem>>, %arg9: memref<1x1xf32, #tpu.memory_space<vmem>>, %arg10: memref<4096xf32, #tpu.memory_space<vmem>>) attributes {dimension_semantics = [#tpu.dimension_semantics<arbitrary>], iteration_bounds = array<i64: 4>, scalar_prefetch = 0 : i64, scratch_operands = 0 : i64, tpu.core_type = #tpu.core_type<tc>, window_params = [{transform_indices = @transform_0, window_bounds = array<i64: 32, 4096>}, {transform_indices = @transform_1, window_bounds = array<i64: 4096, 128>}, {pipeline_mode = #tpu.pipeline_mode<synchronous>, transform_indices = @transform_2, window_bounds = array<i64: 32, 256>}, {pipeline_mode = #tpu.pipeline_mode<synchronous>, transform_indices = @transform_3, window_bounds = array<i64: 80, 256>}, {pipeline_mode = #tpu.pipeline_mode<synchronous>, transform_indices = @transform_4, window_bounds = array<i64: 1, 256>}, {pipeline_mode = #tpu.pipeline_mode<synchronous>, transform_indices = @transform_5, window_bounds = array<i64: 256, 128>}, {pipeline_mode = #tpu.pipeline_mode<synchronous>, transform_indices = @transform_6, window_bounds = array<i64: 1, 128>}, {pipeline_mode = #tpu.pipeline_mode<synchronous>, transform_indices = @transform_7, window_bounds = array<i64: 128, 1>}, {pipeline_mode = #tpu.pipeline_mode<synchronous>, transform_indices = @transform_8, window_bounds = array<i64: 1, 1>}, {transform_indices = @transform_9, window_bounds = array<i64: 4096>}]} {
    %get3A = arith.constant 0 : index
    %get3A_0 = arith.constant 0 : index
    %get3A_1 = vector.load %arg1[%get3A, %get3A_0] : memref<32x4096xf32, #tpu.memory_space<vmem>>, vector<32x4096xf32>
    %get3A_2 = arith.constant 0 : index
    %get3A_3 = arith.constant 0 : index
    %get3A_4 = vector.load %arg3[%get3A_2, %get3A_3] : memref<32x256xf32, #tpu.memory_space<vmem>>, vector<32x256xf32>
    %dot_general3A = arith.constant dense<0.000000e+00> : vector<4096x256xf32>
    %dot_general3A_5 = tpu.matmul %get3A_1, %get3A_4, %dot_general3A {dimension_numbers = #tpu.dot_dimension_numbers<[0], [0], [1], [1], [0, 1, 1, 1], [], []>, transpose_lhs_hint = false} : vector<32x4096xf32>, vector<32x256xf32>, vector<4096x256xf32> -> vector<4096x256xf32>
    %get3A_6 = arith.constant 0 : index
    %get3A_7 = arith.constant 0 : index
    %get3A_8 = vector.load %arg2[%get3A_6, %get3A_7] : memref<4096x128xf32, #tpu.memory_space<vmem>>, vector<4096x80xf32>
    %get3A_9 = arith.constant 0 : index
    %get3A_10 = arith.constant 0 : index
    %get3A_11 = vector.load %arg4[%get3A_9, %get3A_10] : memref<80x256xf32, #tpu.memory_space<vmem>>, vector<80x256xf32>
    %dot_general3A_12 = arith.constant dense<0.000000e+00> : vector<4096x256xf32>
    %dot_general3A_13 = tpu.matmul %get3A_8, %get3A_11, %dot_general3A_12 {dimension_numbers = #tpu.dot_dimension_numbers<[1], [0], [0], [1], [0, 0, 1, 1], [], []>, transpose_lhs_hint = false} : vector<4096x80xf32>, vector<80x256xf32>, vector<4096x256xf32> -> vector<4096x256xf32>
    %add3A = arith.addf %dot_general3A_5, %dot_general3A_13 : vector<4096x256xf32>
    %get3A_14 = arith.constant 0 : index
    %get3A_15 = arith.constant 0 : index
    %get3A_16 = vector.load %arg5[%get3A_14, %get3A_15] : memref<1x256xf32, #tpu.memory_space<vmem>>, vector<1x256xf32>
    %add3A_17 = vector.broadcast %get3A_16 : vector<1x256xf32> to vector<4096x256xf32>
    %add3A_18 = arith.addf %add3A, %add3A_17 : vector<4096x256xf32>
    %max3A = arith.constant 0.000000e+00 : f32
    %max3A_19 = vector.broadcast %max3A : f32 to vector<4096x256xf32>
    %max3A_20 = arith.maximumf %add3A_18, %max3A_19 : vector<4096x256xf32>
    %get3A_21 = arith.constant 0 : index
    %get3A_22 = arith.constant 0 : index
    %get3A_23 = vector.load %arg6[%get3A_21, %get3A_22] : memref<256x128xf32, #tpu.memory_space<vmem>>, vector<256x128xf32>
    %dot_general3A_24 = arith.constant dense<0.000000e+00> : vector<4096x128xf32>
    %dot_general3A_25 = tpu.matmul %max3A_20, %get3A_23, %dot_general3A_24 {dimension_numbers = #tpu.dot_dimension_numbers<[1], [0], [0], [1], [0, 0, 1, 1], [], []>, transpose_lhs_hint = false} : vector<4096x256xf32>, vector<256x128xf32>, vector<4096x128xf32> -> vector<4096x128xf32>
    %get3A_26 = arith.constant 0 : index
    %get3A_27 = arith.constant 0 : index
    %get3A_28 = vector.load %arg7[%get3A_26, %get3A_27] : memref<1x128xf32, #tpu.memory_space<vmem>>, vector<1x128xf32>
    %add3A_29 = vector.broadcast %get3A_28 : vector<1x128xf32> to vector<4096x128xf32>
    %add3A_30 = arith.addf %dot_general3A_25, %add3A_29 : vector<4096x128xf32>
    %max3A_31 = arith.constant 0.000000e+00 : f32
    %max3A_32 = vector.broadcast %max3A_31 : f32 to vector<4096x128xf32>
    %max3A_33 = arith.maximumf %add3A_30, %max3A_32 : vector<4096x128xf32>
    %get3A_34 = arith.constant 0 : index
    %get3A_35 = arith.constant 0 : index
    %get3A_36 = vector.load %arg8[%get3A_34, %get3A_35] : memref<128x1xf32, #tpu.memory_space<vmem>>, vector<128x1xf32>
    %dot_general3A_37 = arith.constant dense<0.000000e+00> : vector<4096x1xf32>
    %dot_general3A_38 = tpu.matmul %max3A_33, %get3A_36, %dot_general3A_37 {dimension_numbers = #tpu.dot_dimension_numbers<[1], [0], [0], [1], [0, 0, 1, 1], [], []>, transpose_lhs_hint = false} : vector<4096x128xf32>, vector<128x1xf32>, vector<4096x1xf32> -> vector<4096x1xf32>
    %get3A_39 = arith.constant 0 : index
    %get3A_40 = arith.constant 0 : index
    %get3A_41 = vector.load %arg9[%get3A_39, %get3A_40] : memref<1x1xf32, #tpu.memory_space<vmem>>, vector<1x1xf32>
    %add3A_42 = vector.broadcast %get3A_41 : vector<1x1xf32> to vector<4096x1xf32>
    %add3A_43 = arith.addf %dot_general3A_38, %add3A_42 : vector<4096x1xf32>
    %logistic3A = arith.negf %add3A_43 : vector<4096x1xf32>
    %logistic3A_44 = math.exp %logistic3A : vector<4096x1xf32>
    %logistic3A_45 = arith.constant 1.000000e+00 : f32
    %logistic3A_46 = vector.broadcast %logistic3A_45 : f32 to vector<4096x1xf32>
    %logistic3A_47 = arith.addf %logistic3A_46, %logistic3A_44 : vector<4096x1xf32>
    %logistic3A_48 = arith.divf %logistic3A_46, %logistic3A_47 : vector<4096x1xf32>
    %squeeze3A = vector.shape_cast %logistic3A_48 : vector<4096x1xf32> to vector<4096xf32>
    %swap3A = arith.constant 0 : index
    %swap3A_49 = vector.load %arg10[%swap3A] : memref<4096xf32, #tpu.memory_space<vmem>>, vector<4096xf32>
    tpu.vector_store %arg10[%swap3A], %squeeze3A {strides = array<i32>} : memref<4096xf32, #tpu.memory_space<vmem>>, vector<4096xf32>,
    return
  }
  func.func @transform_0(%arg0: i32) -> (i32, i32) {
    %c0_i32 = arith.constant 0 : i32
    %c0_i32_0 = arith.constant 0 : i32
    return %c0_i32, %arg0 : i32, i32
  }
  func.func @transform_1(%arg0: i32) -> (i32, i32) {
    %c0_i32 = arith.constant 0 : i32
    %c0_i32_0 = arith.constant 0 : i32
    return %arg0, %c0_i32 : i32, i32
  }
  func.func @transform_2(%arg0: i32) -> (i32, i32) {
    %c0_i32 = arith.constant 0 : i32
    %c0_i32_0 = arith.constant 0 : i32
    %c0_i32_1 = arith.constant 0 : i32
    return %c0_i32, %c0_i32_0 : i32, i32
  }
  func.func @transform_3(%arg0: i32) -> (i32, i32) {
    %c0_i32 = arith.constant 0 : i32
    %c0_i32_0 = arith.constant 0 : i32
    %c0_i32_1 = arith.constant 0 : i32
    return %c0_i32, %c0_i32_0 : i32, i32
  }
  func.func @transform_4(%arg0: i32) -> (i32, i32) {
    %c0_i32 = arith.constant 0 : i32
    %c0_i32_0 = arith.constant 0 : i32
    %c0_i32_1 = arith.constant 0 : i32
    return %c0_i32, %c0_i32_0 : i32, i32
  }
  func.func @transform_5(%arg0: i32) -> (i32, i32) {
    %c0_i32 = arith.constant 0 : i32
    %c0_i32_0 = arith.constant 0 : i32
    %c0_i32_1 = arith.constant 0 : i32
    return %c0_i32, %c0_i32_0 : i32, i32
  }
  func.func @transform_6(%arg0: i32) -> (i32, i32) {
    %c0_i32 = arith.constant 0 : i32
    %c0_i32_0 = arith.constant 0 : i32
    %c0_i32_1 = arith.constant 0 : i32
    return %c0_i32, %c0_i32_0 : i32, i32
  }
  func.func @transform_7(%arg0: i32) -> (i32, i32) {
    %c0_i32 = arith.constant 0 : i32
    %c0_i32_0 = arith.constant 0 : i32
    %c0_i32_1 = arith.constant 0 : i32
    return %c0_i32, %c0_i32_0 : i32, i32
  }
  func.func @transform_8(%arg0: i32) -> (i32, i32) {
    %c0_i32 = arith.constant 0 : i32
    %c0_i32_0 = arith.constant 0 : i32
    %c0_i32_1 = arith.constant 0 : i32
    return %c0_i32, %c0_i32_0 : i32, i32
  }
  func.func @transform_9(%arg0: i32) -> i32 {
    %c0_i32 = arith.constant 0 : i32
    return %arg0 : i32
  }
}

</mosaic_0001>

<sc_bundles>
// kernel: kernel.4.cloned.1.call-start
scs
__scs_entry_jumppad:
0x0: {  	(pc) =	sbr.rel $0x88, $3  }
0x1: {  	(tag) =	ssettag $0x0;
	lr =	simm.s32 $0x1  }
0x2: {  	[smem:$0x3F92] =	sst lr;
	_ =	strace $0xD0000000  }
0x3: {  	_ = 	snop  }
0x4: {  	_ = 	snop  }
0x5: {  	_ = 	snop  }
0x6: {  	_ = 	snop  }
0x7: {  	_ = 	snop  }
__scs_overlays_trampoline_lowered:
0x8: {  	[smem:$0x3FA1] =	sst s0  }
0x9: {  	[smem:$0x3FA2] =	sst s1  }
0xa: {  	[smem:$0x3FA3] =	sst s2  }
0xb: {  	[smem:$0x3FA4] =	sst s3  }
0xc: {  	[smem:$0x3FA5] =	sst s4  }
0xd: {  	[smem:$0x3FA6] =	sst s5  }
0xe: {  	[smem:$0x3FA7] =	sst s6  }
0xf: {  	[smem:$0x3FA8] =	sst s7  }
0x10: {  	[smem:$0x3FA9] =	sst s8  }
0x11: {  	[smem:$0x3FAA] =	sst s9;
	s0 =	simm.s32 @!p0 $0x0  }
0x12: {  	s1 =	sld [smem:$0x3F90];
	s0 =	simm.s32 @p0 $0x1  }
0x13: {  	[smem:$0x3FAB] =	sst s0;
	s0 =	simm.s32 @!p1 $0x0  }
0x14: {  	s2 =	sld [smem:$0x3F8F];
	s0 =	simm.s32 @p1 $0x1  }
0x15: {  	[smem:$0x3FAC] =	sst s0;
	s0 =	simm.s32 @!p2 $0x0  }
0x16: {  	s3 =	sld [smem:$0x3FDB];
	s0 =	simm.s32 @p2 $0x1  }
0x17: {  	s4 =	simm.s32 $0x1BF5;
	[smem:$0x3FAE] =	sst s0  }
0x18: {  	s0 =	sld [smem:$0x3F91];
	_ =	swait.ge [sflag:s4], $0x0  }
0x19: {  	s7 =	sld [smem:$0x3F92]  }
0x1a: {  	s8 =	sadd.s32 $0xFFFFE003, lr  }
0x1b: {  	s9 =	sadd.s32 $0xFFFFFEF7, lr;
	s5 =	simm.s32 $0xFFFFFFFF;
	p2 =	slt.u32 s8, $0xFFFFF086  }
0x1c: {  	p1 =	slt.u32 s9, $0xF7A;
	s5 =	simm.s32 @!p2 $0x0  }
0x1d: {  	s5 =	simm.s32 @p1 $0x1;
	p0 =	seq.s32 s7, s2  }
0x1e: {  	s7 =	smul.u32 @!p0 $0xF7A, s2;
	p2 =	seq.s32 @!p0 s5, $0x0  }
0x1f: {  	s9 =	smul.u32 $0xF7A, s1;
	s8 =	simm.s32 @!p0 $0x1BF5;
	p2 =	por !p2, p0  }
0x20: {  	[sflag:s8] =	ssyncset.s32 @!p0 $0xFFFFF086;
	s6 =	sadd.s32 @!p0 s3, s7;
	s7 =	simm.s32 @!p0 $0x108  }
0x21: {  	s3 =	sadd.s32 s3, s9;
	s6 =	sadd.s32 @!p0 $0x88, s6;
	s7 =	simm.s32 @p2 $0x1082  }
0x22: {  	[simem:s7], [sflag:s8] =	dma.local @!p0 [hbm:s6], $0xF7A  }
0x23: {  	s9 =	sor.u32 $0xD0000000, s2;
	s6 =	simm.s32 $0x108;
	_ =	swait.ge @!p0 [sflag:s8], $0x0  }
0x24: {  	s3 =	sadd.s32 $0x88, s3;
	s6 =	simm.s32 @!p1 $0x1082;
	[sflag:s4] =	ssyncset.s32 $0xFFFFF086  }
0x25: {  	[simem:s6], [sflag:s4] =	dma.local [hbm:s3], $0xF7A  }
0x26: {  	[smem:$0x3F92] =	sst s1;
	(tag) =	ssettag s2;
	_ =	strace s9  }
0x27: {  	s1 =	sld [smem:$0x3FA2]  }
0x28: {  	s2 =	sld [smem:$0x3FA3]  }
0x29: {  	s4 =	sld [smem:$0x3FA5]  }
0x2a: {  	p0 =	seq.s32 s5, $0x0;
	s5 =	sld [smem:$0x3FA6]  }
0x2b: {  	s6 =	sld [smem:$0x3FA7]  }
0x2c: {  	s7 =	sld [smem:$0x3FA8]  }
0x2d: {  	s3 =	simm.s32 $0x108;
	s8 =	sld [smem:$0x3FA9]  }
0x2e: {  	s3 =	simm.s32 @!p0 $0x1082;
	s9 =	sld [smem:$0x3FAA]  }
0x2f: {  	lr =	sadd.s32 s0, s3;
	s0 =	sld [smem:$0x3FA1]  }
0x30: {  	s3 =	sld [smem:$0x3FA4]  }
0x31: {  	[smem:$0x3FAD] =	sst s10  }
0x32: {  	s10 =	sld [smem:$0x3FAB];
	_ =	sdelay $0x3  }
0x33: {  	p0 =	seq.s32 s10, $0x1;
	s10 =	sld [smem:$0x3FAD];
	_ =	sdelay $0x3  }
0x34: {  	[smem:$0x3FAD] =	sst s10  }
0x35: {  	s10 =	sld [smem:$0x3FAC];
	_ =	sdelay $0x3  }
0x36: {  	p1 =	seq.s32 s10, $0x1;
	s10 =	sld [smem:$0x3FAD];
	_ =	sdelay $0x3  }
0x37: {  	[smem:$0x3FAD] =	sst s10  }
0x38: {  	s10 =	sld [smem:$0x3FAE]  }
0x39: {  	_ = 	snop;
	(pc) =	sbr.ind lr, $3  }
0x3a: {  	_ = 	snop  }
0x3b: {  	_ = 	snop  }
0x3c: {  	p2 =	seq.s32 s10, $0x1;
	s10 =	sld [smem:$0x3FAD]  }
0x3d: {  	_ =	shalt  }
0x3e: {  	_ =	shalt  }
0x3f: {  	_ =	shalt  }
0x40: {  	_ =	shalt  }
0x41: {  	_ =	shalt  }
0x42: {  	_ =	shalt  }
0x43: {  	_ =	shalt  }
0x44: {  	_ =	shalt  }
0x45: {  	_ =	shalt  }
0x46: {  	_ =	shalt  }
0x47: {  	_ =	shalt  }
0x48: {  	_ =	shalt  }
0x49: {  	_ =	shalt  }
0x4a: {  	_ =	shalt  }
0x4b: {  	_ =	shalt  }
0x4c: {  	_ =	shalt  }
0x4d: {  	_ =	shalt  }
0x4e: {  	_ =	shalt  }
0x4f: {  	_ =	shalt  }
0x50: {  	_ =	shalt  }
0x51: {  	_ =	shalt  }
0x52: {  	_ =	shalt  }
0x53: {  	_ =	shalt  }
0x54: {  	_ =	shalt  }
0x55: {  	_ =	shalt  }
0x56: {  	_ =	shalt  }
0x57: {  	_ =	shalt  }
0x58: {  	_ =	shalt  }
0x59: {  	_ =	shalt  }
0x5a: {  	_ =	shalt  }
0x5b: {  	_ =	shalt  }
0x5c: {  	_ =	shalt  }
0x5d: {  	_ =	shalt  }
0x5e: {  	_ =	shalt  }
0x5f: {  	_ =	shalt  }
0x60: {  	_ =	shalt  }
0x61: {  	_ =	shalt  }
0x62: {  	_ =	shalt  }
0x63: {  	_ =	shalt  }
0x64: {  	_ =	shalt  }
0x65: {  	_ =	shalt  }
0x66: {  	_ =	shalt  }
0x67: {  	_ =	shalt  }
0x68: {  	_ =	shalt  }
0x69: {  	_ =	shalt  }
0x6a: {  	_ =	shalt  }
0x6b: {  	_ =	shalt  }
0x6c: {  	_ =	shalt  }
0x6d: {  	_ =	shalt  }
0x6e: {  	_ =	shalt  }
0x6f: {  	_ =	shalt  }
0x70: {  	_ =	shalt  }
0x71: {  	_ =	shalt  }
0x72: {  	_ =	shalt  }
0x73: {  	_ =	shalt  }
0x74: {  	_ =	shalt  }
0x75: {  	_ =	shalt  }
0x76: {  	_ =	shalt  }
0x77: {  	_ =	shalt  }
0x78: {  	_ =	shalt  }
0x79: {  	_ =	shalt  }
0x7a: {  	_ =	shalt  }
0x7b: {  	_ =	shalt  }
0x7c: {  	_ =	shalt  }
0x7d: {  	_ =	shalt  }
0x7e: {  	_ =	shalt  }
0x7f: {  	_ =	shalt  }
0x80: {  	_ =	shalt  }
0x81: {  	_ =	shalt  }
0x82: {  	_ =	shalt  }
0x83: {  	_ =	shalt  }
0x84: {  	_ =	shalt  }
0x85: {  	_ =	shalt  }
0x86: {  	_ =	shalt  }
0x87: {  	_ =	shalt  }
.Lfunc_end0:
.L_simem_size_0:
called_computation_lowered:
.L_overlay_start_0:
0x88: {  	s2 =	sld [smem:$0x3FD9]  }
0x89: {  	s3 =	sld [smem:$0x3FFE];
	_ =	sdelay $0x1  }
0x8a: {  	s1 =	srdreg.scid  }
0x8b: {  	s0 =	sand.u32 $0x1, s1  }
0x8c: {  	s17 =	sshll.u32 s0, $0xA;
	s2 =	sadd.s32 s3, s2  }
0x8d: {  	s2 =	sadd.s32 s2, s17  }
0x8e: {  	[smem:$0x3FB9] =	sst s2  }
0x8f: {  	_ = 	snop  }
0x90: {  	s2 =	sld [smem:$0x3FC6]  }
0x91: {  	s18 =	sld [smem:$0x3FC5]  }
0x92: {  	s4 =	sld [smem:$0x3FC4]  }
0x93: {  	s5 =	sld [smem:$0x3FC3]  }
0x94: {  	s6 =	sld [smem:$0x3FD0];
	(tm) =	ssettm $0x1  }
0x95: {  	s7 =	sld [smem:$0x3FFB];
	_ =	sdelay $0x3  }
0x96: {  	_ =	strace s7  }
0x97: {  	s7 =	sld [smem:$0x3FFC];
	_ =	sdelay $0x3  }
0x98: {  	_ =	strace s7  }
0x99: {  	s7 =	sld [smem:$0x3FFD];
	_ =	sdelay $0x3  }
0x9a: {  	_ =	strace s7  }
0x9b: {  	_ =	strace $0x8FFFFFFF  }
0x9c: {  	s19 =	sld [smem:$0x3FDB];
	_ =	sdelay $0x1  }
0x9d: {  	s8 =	simm.s32 $_scs_section_size  }
0x9e: {  	s9 =	simm.s32 $_size__tile_overlayer_lowered;
	s10 =	simm.s32 $_tile_overlayer_lowered  }
0x9f: {  	s22 =	simm.s32 $0x1BFF;
	s21 =	sshll.u32 s10, $0x1;
	s7 =	sadd.s32 s8, s19  }
0xa0: {  	s11 =	simm.s32 $0x0;
	s20 =	sshll.u32 s9, $0x1;
	s9 =	sadd.s32 s21, s7  }
0xa1: {  	[timem:s11], [sflag:s22] =	dma.local [hbm:s9], s20  }
0xa2: {  	_ =	swait.ge [sflag:s22], s20  }
0xa3: {  	s8 =	ssub.s32 $0x0, s20;
	[sflag:s22] =	ssyncset.done $0x0  }
0xa4: {  	[sflag:s22] =	ssyncadd.s32 s8;
	_ =	sdelay $0x1  }
0xa5: {  	s23 =	simm.s32 $0x1B8B  }
0xa6: {  	_ =	swait.ge [sflag:s23], $0x1  }
0xa7: {  	[sflag:s23] =	ssyncset.done $0x0  }
0xa8: {  	s25 =	simm.s32 $0x1B8E;
	s24 =	sld [smem:$0x3FFE];
	[sflag:s23] =	ssyncadd.s32 $0xFFFFFFFF  }
0xa9: {  	s26 =	simm.s32 $execute0_lowered;
	[smem:$0x3FD2] =	sst s25  }
0xaa: {  	s9 =	sshll.u32 s26, $0x1;
	_ =	strace $0x80000046;
	[dreg:$0x1] =	wrdreg $0xFFFFFFFF  }
0xab: {  	s28 =	simm.s32 $_size_execute0_lowered;
	s7 =	sadd.s32 s7, s9;
	[dreg:$0x0] =	wrdreg $0x0  }
0xac: {  	s9 =	sshll.u32 s28, $0x1;
	[dreg:$0x2] =	wrdreg s7  }
0xad: {  	[dreg:$0x3] =	wrdreg s9  }
0xae: {  	[dreg:$0x4] =	wrdreg $0xC0  }
0xaf: {  	_ =	task [dreg:s11], $0x5FFFF  }
0xb0: {  	[dreg:$0x1] =	wrdreg $0xFFFFFFFF  }
0xb1: {  	[dreg:$0x0] =	wrdreg $0x60  }
0xb2: {  	[dreg:$0x2] =	wrdreg s4  }
0xb3: {  	[dreg:$0x3] =	wrdreg s5  }
0xb4: {  	[dreg:$0x4] =	wrdreg s24  }
0xb5: {  	[dreg:$0x5] =	wrdreg s6  }
0xb6: {  	[dreg:$0x6] =	wrdreg s2  }
0xb7: {  	[dreg:$0x7] =	wrdreg s18  }
0xb8: {  	[dreg:$0x8] =	wrdreg $0x9  }
0xb9: {  	_ =	task.clear_ibuf [dreg:s11], $0x9FFFF;
	_ =	strace $0x90000046  }
0xba: {  	s29 =	simm.s32 $0x9;
	_ =	strace $0x80000048  }
0xbb: {  	_ =	swait.ge [sflag:s29], $0x1  }
0xbc: {  	[sflag:s29] =	ssyncadd.s32 $0xFFFFFFFF  }
0xbd: {  	_ =	strace $0x90000048  }
0xbe: {  	_ =	sfence  }
0xbf: {  	s30 =	sld [smem:$0x0];
	_ =	sdelay $0x2  }
0xc0: {  	s31 =	sshll.u32 s1, $0xD;
	s1 =	sshrl.u32 s1, $0x2  }
0xc1: {  	s3 =	sand.u32 $0x4000, s31;
	s1 =	sadd.s32 s1, s30  }
0xc2: {  	s0 =	sor.u32 s3, s0;
	s1 =	sshll.u32 s1, $0x11  }
0xc3: {  	s0 =	sor.u32 s1, s0  }
0xc4: {  	s0 =	sadd.s32 $0x8F2B, s0  }
0xc5: {  	[sflag:s0] =	ssyncadd.remote.s32 $0x1  }
0xc6: {  	_ =	sfence.sel $0xFFFF  }
0xc7: {  	[dreg:$0x0] =	wrdreg $0xFFFFFFFF;
	(pc) =	sbr.abs _section_cstart, $3  }
0xc8: {  	[dreg:$0x1] =	wrdreg $0xFFFFFFFF  }
0xc9: {  	_ =	task.clear_ibuf [dreg:s11], $0x2FFFF;
	_ =	strace $0x9FFFFFFF  }
0xca: {  	(tm) =	ssettm $0x7FFFFFFF  }
0xcb: {  	_ =	shalt  }
tec
execute0_lowered:
.L_overlay_start_1:
0x0: {  	(tag) =	ssettag $0x1  }
0x1: {  	v33 =	vlaneseq.u32;
	v0 =	vimm.s32 $0x7080;
	vm14 =	vcmask $0x300  }
0x2: {  	vm13 =	vcmask $0x704;
	v1 =	vimm.s32 $0x381;
	vm12 =	vcmask $0xB08  }
0x3: {  	vm11 =	vcmask $0xF0C;
	vm10 =	vcmask $0x1310;
	vm9 =	vcmask $0x1714  }
0x4: {  	vm8 =	vcmask $0x1B18;
	vm7 =	vcmask $0x1F1C;
	vm6 =	vcmask $0x2320  }
0x5: {  	vm5 =	vcmask $0x2724;
	vm4 =	vcmask $0x2B28;
	vm3 =	vcmask $0x2F2C  }
0x6: {  	vm2 =	vcmask $0x3330;
	vm1 =	vcmask $0x3734;
	vm0 =	vcmask $0x3B38  }
0x7: {  	v4 =	vimm.s32 $0x383;
	v5 =	vimm.s32 $0x7280;
	v6 =	vimm.s32 $0x385  }
0x8: {  	v7 =	vimm.s32 $0x7380;
	v8 =	vimm.s32 $0x387;
	v9 =	vimm.s32 $0x7480  }
0x9: {  	v10 =	vimm.s32 $0x389;
	v11 =	vimm.s32 $0x7580;
	v12 =	vimm.s32 $0x38B  }
0xa: {  	v13 =	vimm.s32 $0x7680;
	v14 =	vimm.s32 $0x38D;
	v15 =	vimm.s32 $0x7780  }
0xb: {  	v16 =	vimm.s32 $0x38F;
	v17 =	vimm.s32 $0x7880;
	v18 =	vimm.s32 $0x391  }
0xc: {  	v19 =	vimm.s32 $0x7980;
	v20 =	vimm.s32 $0x393;
	v21 =	vimm.s32 $0x7A80  }
0xd: {  	v22 =	vimm.s32 $0x395;
	v23 =	vimm.s32 $0x7B80;
	v24 =	vimm.s32 $0x397  }
0xe: {  	v25 =	vimm.s32 $0x7C80;
	v26 =	vimm.s32 $0x399;
	v27 =	vimm.s32 $0x7D80  }
0xf: {  	v28 =	vimm.s32 $0x39B;
	v29 =	vimm.s32 $0x7E80;
	v30 =	vimm.s32 $0x39D  }
0x10: {  	v31 =	vimm.s32 $0x7F80;
	v32 =	vimm.s32 $0x39F;
	v34 =	vimm.s32 $0x3C1  }
0x11: {  	v35 =	vimm.s32 $0x3C3;
	v36 =	vimm.s32 $0x3C5;
	v40 =	vimm.s32 $0x3C7  }
0x12: {  	v41 =	vimm.s32 $0x3C9;
	v42 =	vimm.s32 $0x3CB;
	v43 =	vimm.s32 $0x3CD  }
0x13: {  	v44 =	vimm.s32 $0x3CF;
	v45 =	vimm.s32 $0x3A1;
	v46 =	vimm.s32 $0x3A3  }
0x14: {  	v47 =	vimm.s32 $0x3A5;
	v48 =	vimm.s32 $0x3A7;
	v49 =	vimm.s32 $0x3A9  }
0x15: {  	v50 =	vimm.s32 $0x3AB;
	v51 =	vimm.s32 $0x3AD;
	v52 =	vimm.s32 $0x3AF  }
0x16: {  	v53 =	vimm.s32 $0x3B1;
	v54 =	vimm.s32 $0x3B3;
	v55 =	vimm.s32 $0x3B5  }
0x17: {  	v56 =	vimm.s32 $0x3B7;
	v57 =	vimm.s32 $0x3B9;
	v58 =	vimm.s32 $0x3BB  }
0x18: {  	v59 =	vimm.s32 $0x3BD;
	v60 =	vimm.s32 $0x3BF;
	v0 =	vsel vm14, $0x0, v0  }
0x19: {  	v1 =	vsel vm14, $0x0, v1;
	v4 =	vsel vm14, $0x2, v4;
	v5 =	vsel vm14, $0x200, v5  }
0x1a: {  	v6 =	vsel vm14, $0x4, v6;
	v7 =	vsel vm14, $0x300, v7;
	v8 =	vsel vm14, $0x6, v8  }
0x1b: {  	v9 =	vsel vm14, $0x400, v9;
	v10 =	vsel vm14, $0x8, v10;
	v11 =	vsel vm14, $0x500, v11  }
0x1c: {  	v12 =	vsel vm14, $0xA, v12;
	v13 =	vsel vm14, $0x600, v13;
	v14 =	vsel vm14, $0xC, v14  }
0x1d: {  	v15 =	vsel vm14, $0x700, v15;
	v16 =	vsel vm14, $0xE, v16;
	v17 =	vsel vm14, $0x800, v17  }
0x1e: {  	v18 =	vsel vm14, $0x10, v18;
	v19 =	vsel vm14, $0x900, v19;
	v20 =	vsel vm14, $0x12, v20  }
0x1f: {  	v21 =	vsel vm14, $0xA00, v21;
	v22 =	vsel vm14, $0x14, v22;
	v23 =	vsel vm14, $0xB00, v23  }
0x20: {  	v24 =	vsel vm14, $0x16, v24;
	v25 =	vsel vm14, $0xC00, v25;
	v26 =	vsel vm14, $0x18, v26  }
0x21: {  	v27 =	vsel vm14, $0xD00, v27;
	v28 =	vsel vm14, $0x1A, v28;
	v29 =	vsel vm14, $0xE00, v29  }
0x22: {  	v30 =	vsel vm14, $0x1C, v30;
	v31 =	vsel vm14, $0xF00, v31;
	v32 =	vsel vm14, $0x1E, v32  }
0x23: {  	v34 =	vsel vm14, $0x40, v34;
	v35 =	vsel vm14, $0x42, v35;
	v36 =	vsel vm14, $0x44, v36  }
0x24: {  	v40 =	vsel vm14, $0x46, v40;
	v41 =	vsel vm14, $0x48, v41;
	v42 =	vsel vm14, $0x4A, v42  }
0x25: {  	v43 =	vsel vm14, $0x4C, v43;
	v44 =	vsel vm14, $0x4E, v44;
	v45 =	vsel vm14, $0x20, v45  }
0x26: {  	v46 =	vsel vm14, $0x22, v46;
	v47 =	vsel vm14, $0x24, v47;
	v48 =	vsel vm14, $0x26, v48  }
0x27: {  	v49 =	vsel vm14, $0x28, v49;
	v50 =	vsel vm14, $0x2A, v50;
	v51 =	vsel vm14, $0x2C, v51  }
0x28: {  	v52 =	vsel vm14, $0x2E, v52;
	v53 =	vsel vm14, $0x30, v53;
	v54 =	vsel vm14, $0x32, v54  }
0x29: {  	v55 =	vsel vm14, $0x34, v55;
	v56 =	vsel vm14, $0x36, v56;
	v57 =	vsel vm14, $0x38, v57  }
0x2a: {  	v58 =	vsel vm14, $0x3A, v58;
	v59 =	vsel vm14, $0x3C, v59;
	v60 =	vsel vm14, $0x3E, v60  }
0x2b: {  	v0 =	vsel vm13, $0x1000, v0;
	v1 =	vsel vm13, $0x80, v1;
	v4 =	vsel vm13, $0x82, v4  }
0x2c: {  	v5 =	vsel vm13, $0x1200, v5;
	v6 =	vsel vm13, $0x84, v6;
	v7 =	vsel vm13, $0x1300, v7  }
0x2d: {  	v8 =	vsel vm13, $0x86, v8;
	v9 =	vsel vm13, $0x1400, v9;
	v10 =	vsel vm13, $0x88, v10  }
0x2e: {  	v11 =	vsel vm13, $0x1500, v11;
	v12 =	vsel vm13, $0x8A, v12;
	v13 =	vsel vm13, $0x1600, v13  }
0x2f: {  	v14 =	vsel vm13, $0x8C, v14;
	v15 =	vsel vm13, $0x1700, v15;
	v16 =	vsel vm13, $0x8E, v16  }
0x30: {  	v17 =	vsel vm13, $0x1800, v17;
	v18 =	vsel vm13, $0x90, v18;
	v19 =	vsel vm13, $0x1900, v19  }
0x31: {  	v20 =	vsel vm13, $0x92, v20;
	v21 =	vsel vm13, $0x1A00, v21;
	v22 =	vsel vm13, $0x94, v22  }
0x32: {  	v23 =	vsel vm13, $0x1B00, v23;
	v24 =	vsel vm13, $0x96, v24;
	v25 =	vsel vm13, $0x1C00, v25  }
0x33: {  	v26 =	vsel vm13, $0x98, v26;
	v27 =	vsel vm13, $0x1D00, v27;
	v28 =	vsel vm13, $0x9A, v28  }
0x34: {  	v29 =	vsel vm13, $0x1E00, v29;
	v30 =	vsel vm13, $0x9C, v30;
	v31 =	vsel vm13, $0x1F00, v31  }
0x35: {  	v32 =	vsel vm13, $0x9E, v32;
	v34 =	vsel vm13, $0xC0, v34;
	v35 =	vsel vm13, $0xC2, v35  }
0x36: {  	v36 =	vsel vm13, $0xC4, v36;
	v40 =	vsel vm13, $0xC6, v40;
	v41 =	vsel vm13, $0xC8, v41  }
0x37: {  	v42 =	vsel vm13, $0xCA, v42;
	v43 =	vsel vm13, $0xCC, v43;
	v44 =	vsel vm13, $0xCE, v44  }
0x38: {  	v45 =	vsel vm13, $0xA0, v45;
	v46 =	vsel vm13, $0xA2, v46;
	v47 =	vsel vm13, $0xA4, v47  }
0x39: {  	v48 =	vsel vm13, $0xA6, v48;
	v49 =	vsel vm13, $0xA8, v49;
	v50 =	vsel vm13, $0xAA, v50  }
0x3a: {  	v51 =	vsel vm13, $0xAC, v51;
	v52 =	vsel vm13, $0xAE, v52;
	v53 =	vsel vm13, $0xB0, v53  }
0x3b: {  	v54 =	vsel vm13, $0xB2, v54;
	v55 =	vsel vm13, $0xB4, v55;
	v56 =	vsel vm13, $0xB6, v56  }
0x3c: {  	v57 =	vsel vm13, $0xB8, v57;
	v58 =	vsel vm13, $0xBA, v58;
	v59 =	vsel vm13, $0xBC, v59  }
0x3d: {  	v60 =	vsel vm13, $0xBE, v60;
	v0 =	vsel vm12, $0x2000, v0;
	v1 =	vsel vm12, $0x100, v1  }
0x3e: {  	v4 =	vsel vm12, $0x102, v4;
	v5 =	vsel vm12, $0x2200, v5;
	v6 =	vsel vm12, $0x104, v6  }
0x3f: {  	v7 =	vsel vm12, $0x2300, v7;
	v8 =	vsel vm12, $0x106, v8;
	v9 =	vsel vm12, $0x2400, v9  }
0x40: {  	v10 =	vsel vm12, $0x108, v10;
	v11 =	vsel vm12, $0x2500, v11;
	v12 =	vsel vm12, $0x10A, v12  }
0x41: {  	v13 =	vsel vm12, $0x2600, v13;
	v14 =	vsel vm12, $0x10C, v14;
	v15 =	vsel vm12, $0x2700, v15  }
0x42: {  	v16 =	vsel vm12, $0x10E, v16;
	v17 =	vsel vm12, $0x2800, v17;
	v18 =	vsel vm12, $0x110, v18  }
0x43: {  	v19 =	vsel vm12, $0x2900, v19;
	v20 =	vsel vm12, $0x112, v20;
	v21 =	vsel vm12, $0x2A00, v21  }
0x44: {  	v22 =	vsel vm12, $0x114, v22;
	v23 =	vsel vm12, $0x2B00, v23;
	v24 =	vsel vm12, $0x116, v24  }
0x45: {  	v25 =	vsel vm12, $0x2C00, v25;
	v26 =	vsel vm12, $0x118, v26;
	v27 =	vsel vm12, $0x2D00, v27  }
0x46: {  	v28 =	vsel vm12, $0x11A, v28;
	v29 =	vsel vm12, $0x2E00, v29;
	v30 =	vsel vm12, $0x11C, v30  }
0x47: {  	v31 =	vsel vm12, $0x2F00, v31;
	v32 =	vsel vm12, $0x11E, v32;
	v34 =	vsel vm12, $0x140, v34  }
0x48: {  	v35 =	vsel vm12, $0x142, v35;
	v36 =	vsel vm12, $0x144, v36;
	v40 =	vsel vm12, $0x146, v40  }
0x49: {  	v41 =	vsel vm12, $0x148, v41;
	v42 =	vsel vm12, $0x14A, v42;
	v43 =	vsel vm12, $0x14C, v43  }
0x4a: {  	v44 =	vsel vm12, $0x14E, v44;
	v45 =	vsel vm12, $0x120, v45;
	v46 =	vsel vm12, $0x122, v46  }
0x4b: {  	v47 =	vsel vm12, $0x124, v47;
	v48 =	vsel vm12, $0x126, v48;
	v49 =	vsel vm12, $0x128, v49  }
0x4c: {  	v50 =	vsel vm12, $0x12A, v50;
	v51 =	vsel vm12, $0x12C, v51;
	v52 =	vsel vm12, $0x12E, v52  }
0x4d: {  	v53 =	vsel vm12, $0x130, v53;
	v54 =	vsel vm12, $0x132, v54;
	v55 =	vsel vm12, $0x134, v55  }
0x4e: {  	v56 =	vsel vm12, $0x136, v56;
	v57 =	vsel vm12, $0x138, v57;
	v58 =	vsel vm12, $0x13A, v58  }
0x4f: {  	v59 =	vsel vm12, $0x13C, v59;
	v60 =	vsel vm12, $0x13E, v60;
	v0 =	vsel vm11, $0x3000, v0  }
0x50: {  	v1 =	vsel vm11, $0x180, v1;
	v4 =	vsel vm11, $0x182, v4;
	v5 =	vsel vm11, $0x3200, v5  }
0x51: {  	v6 =	vsel vm11, $0x184, v6;
	v7 =	vsel vm11, $0x3300, v7;
	v8 =	vsel vm11, $0x186, v8  }
0x52: {  	v9 =	vsel vm11, $0x3400, v9;
	v10 =	vsel vm11, $0x188, v10;
	v11 =	vsel vm11, $0x3500, v11  }
0x53: {  	v12 =	vsel vm11, $0x18A, v12;
	v13 =	vsel vm11, $0x3600, v13;
	v14 =	vsel vm11, $0x18C, v14  }
0x54: {  	v15 =	vsel vm11, $0x3700, v15;
	v16 =	vsel vm11, $0x18E, v16;
	v17 =	vsel vm11, $0x3800, v17  }
0x55: {  	v18 =	vsel vm11, $0x190, v18;
	v19 =	vsel vm11, $0x3900, v19;
	v20 =	vsel vm11, $0x192, v20  }
0x56: {  	v21 =	vsel vm11, $0x3A00, v21;
	v22 =	vsel vm11, $0x194, v22;
	v23 =	vsel vm11, $0x3B00, v23  }
0x57: {  	v24 =	vsel vm11, $0x196, v24;
	v25 =	vsel vm11, $0x3C00, v25;
	v26 =	vsel vm11, $0x198, v26  }
0x58: {  	v27 =	vsel vm11, $0x3D00, v27;
	v28 =	vsel vm11, $0x19A, v28;
	v29 =	vsel vm11, $0x3E00, v29  }
0x59: {  	v30 =	vsel vm11, $0x19C, v30;
	v31 =	vsel vm11, $0x3F00, v31;
	v32 =	vsel vm11, $0x19E, v32  }
0x5a: {  	v34 =	vsel vm11, $0x1C0, v34;
	v35 =	vsel vm11, $0x1C2, v35;
	v36 =	vsel vm11, $0x1C4, v36  }
0x5b: {  	v40 =	vsel vm11, $0x1C6, v40;
	v41 =	vsel vm11, $0x1C8, v41;
	v42 =	vsel vm11, $0x1CA, v42  }
0x5c: {  	v43 =	vsel vm11, $0x1CC, v43;
	v44 =	vsel vm11, $0x1CE, v44;
	v45 =	vsel vm11, $0x1A0, v45  }
0x5d: {  	v46 =	vsel vm11, $0x1A2, v46;
	v47 =	vsel vm11, $0x1A4, v47;
	v48 =	vsel vm11, $0x1A6, v48  }
0x5e: {  	v49 =	vsel vm11, $0x1A8, v49;
	v50 =	vsel vm11, $0x1AA, v50;
	v51 =	vsel vm11, $0x1AC, v51  }
0x5f: {  	v52 =	vsel vm11, $0x1AE, v52;
	v53 =	vsel vm11, $0x1B0, v53;
	v54 =	vsel vm11, $0x1B2, v54  }
0x60: {  	v55 =	vsel vm11, $0x1B4, v55;
	v56 =	vsel vm11, $0x1B6, v56;
	v57 =	vsel vm11, $0x1B8, v57  }
0x61: {  	v58 =	vsel vm11, $0x1BA, v58;
	v59 =	vsel vm11, $0x1BC, v59;
	v60 =	vsel vm11, $0x1BE, v60  }
0x62: {  	v0 =	vsel vm10, $0x4000, v0;
	v1 =	vsel vm10, $0x200, v1;
	v4 =	vsel vm10, $0x202, v4  }
0x63: {  	v5 =	vsel vm10, $0x4200, v5;
	v6 =	vsel vm10, $0x204, v6;
	v7 =	vsel vm10, $0x4300, v7  }
0x64: {  	v8 =	vsel vm10, $0x206, v8;
	v9 =	vsel vm10, $0x4400, v9;
	v10 =	vsel vm10, $0x208, v10  }
0x65: {  	v11 =	vsel vm10, $0x4500, v11;
	v12 =	vsel vm10, $0x20A, v12;
	v13 =	vsel vm10, $0x4600, v13  }
0x66: {  	v14 =	vsel vm10, $0x20C, v14;
	v15 =	vsel vm10, $0x4700, v15;
	v16 =	vsel vm10, $0x20E, v16  }
0x67: {  	v17 =	vsel vm10, $0x4800, v17;
	v18 =	vsel vm10, $0x210, v18;
	v19 =	vsel vm10, $0x4900, v19  }
0x68: {  	v20 =	vsel vm10, $0x212, v20;
	v21 =	vsel vm10, $0x4A00, v21;
	v22 =	vsel vm10, $0x214, v22  }
0x69: {  	v23 =	vsel vm10, $0x4B00, v23;
	v24 =	vsel vm10, $0x216, v24;
	v25 =	vsel vm10, $0x4C00, v25  }
0x6a: {  	v26 =	vsel vm10, $0x218, v26;
	v27 =	vsel vm10, $0x4D00, v27;
	v28 =	vsel vm10, $0x21A, v28  }
0x6b: {  	v29 =	vsel vm10, $0x4E00, v29;
	v30 =	vsel vm10, $0x21C, v30;
	v31 =	vsel vm10, $0x4F00, v31  }
0x6c: {  	v32 =	vsel vm10, $0x21E, v32;
	v34 =	vsel vm10, $0x240, v34;
	v35 =	vsel vm10, $0x242, v35  }
0x6d: {  	v36 =	vsel vm10, $0x244, v36;
	v40 =	vsel vm10, $0x246, v40;
	v41 =	vsel vm10, $0x248, v41  }
0x6e: {  	v42 =	vsel vm10, $0x24A, v42;
	v43 =	vsel vm10, $0x24C, v43;
	v44 =	vsel vm10, $0x24E, v44  }
0x6f: {  	v45 =	vsel vm10, $0x220, v45;
	v46 =	vsel vm10, $0x222, v46;
	v47 =	vsel vm10, $0x224, v47  }
0x70: {  	v48 =	vsel vm10, $0x226, v48;
	v49 =	vsel vm10, $0x228, v49;
	v50 =	vsel vm10, $0x22A, v50  }
0x71: {  	v51 =	vsel vm10, $0x22C, v51;
	v52 =	vsel vm10, $0x22E, v52;
	v53 =	vsel vm10, $0x230, v53  }
0x72: {  	v54 =	vsel vm10, $0x232, v54;
	v55 =	vsel vm10, $0x234, v55;
	v56 =	vsel vm10, $0x236, v56  }
0x73: {  	v57 =	vsel vm10, $0x238, v57;
	v58 =	vsel vm10, $0x23A, v58;
	v59 =	vsel vm10, $0x23C, v59  }
0x74: {  	v60 =	vsel vm10, $0x23E, v60;
	v0 =	vsel vm9, $0x5000, v0;
	v1 =	vsel vm9, $0x280, v1  }
0x75: {  	v4 =	vsel vm9, $0x282, v4;
	v5 =	vsel vm9, $0x5200, v5;
	v6 =	vsel vm9, $0x284, v6  }
0x76: {  	v7 =	vsel vm9, $0x5300, v7;
	v8 =	vsel vm9, $0x286, v8;
	v9 =	vsel vm9, $0x5400, v9  }
0x77: {  	v10 =	vsel vm9, $0x288, v10;
	v11 =	vsel vm9, $0x5500, v11;
	v12 =	vsel vm9, $0x28A, v12  }
0x78: {  	v13 =	vsel vm9, $0x5600, v13;
	v14 =	vsel vm9, $0x28C, v14;
	v15 =	vsel vm9, $0x5700, v15  }
0x79: {  	v16 =	vsel vm9, $0x28E, v16;
	v17 =	vsel vm9, $0x5800, v17;
	v18 =	vsel vm9, $0x290, v18  }
0x7a: {  	v19 =	vsel vm9, $0x5900, v19;
	v20 =	vsel vm9, $0x292, v20;
	v21 =	vsel vm9, $0x5A00, v21  }
0x7b: {  	v22 =	vsel vm9, $0x294, v22;
	v23 =	vsel vm9, $0x5B00, v23;
	v24 =	vsel vm9, $0x296, v24  }
0x7c: {  	v25 =	vsel vm9, $0x5C00, v25;
	v26 =	vsel vm9, $0x298, v26;
	v27 =	vsel vm9, $0x5D00, v27  }
0x7d: {  	v28 =	vsel vm9, $0x29A, v28;
	v29 =	vsel vm9, $0x5E00, v29;
	v30 =	vsel vm9, $0x29C, v30  }
0x7e: {  	v31 =	vsel vm9, $0x5F00, v31;
	v32 =	vsel vm9, $0x29E, v32;
	v34 =	vsel vm9, $0x2C0, v34  }
0x7f: {  	v35 =	vsel vm9, $0x2C2, v35;
	v36 =	vsel vm9, $0x2C4, v36;
	v40 =	vsel vm9, $0x2C6, v40  }
0x80: {  	v41 =	vsel vm9, $0x2C8, v41;
	v42 =	vsel vm9, $0x2CA, v42;
	v43 =	vsel vm9, $0x2CC, v43  }
0x81: {  	v44 =	vsel vm9, $0x2CE, v44;
	v45 =	vsel vm9, $0x2A0, v45;
	v46 =	vsel vm9, $0x2A2, v46  }
0x82: {  	v47 =	vsel vm9, $0x2A4, v47;
	v48 =	vsel vm9, $0x2A6, v48;
	v49 =	vsel vm9, $0x2A8, v49  }
0x83: {  	v50 =	vsel vm9, $0x2AA, v50;
	v51 =	vsel vm9, $0x2AC, v51;
	v52 =	vsel vm9, $0x2AE, v52  }
0x84: {  	v53 =	vsel vm9, $0x2B0, v53;
	v54 =	vsel vm9, $0x2B2, v54;
	v55 =	vsel vm9, $0x2B4, v55  }
0x85: {  	v56 =	vsel vm9, $0x2B6, v56;
	v57 =	vsel vm9, $0x2B8, v57;
	v58 =	vsel vm9, $0x2BA, v58  }
0x86: {  	v59 =	vsel vm9, $0x2BC, v59;
	v60 =	vsel vm9, $0x2BE, v60;
	v0 =	vsel vm8, $0x6000, v0  }
0x87: {  	v1 =	vsel vm8, $0x300, v1;
	v4 =	vsel vm8, $0x302, v4;
	v5 =	vsel vm8, $0x6200, v5  }
0x88: {  	v6 =	vsel vm8, $0x304, v6;
	v7 =	vsel vm8, $0x6300, v7;
	v8 =	vsel vm8, $0x306, v8  }
0x89: {  	v9 =	vsel vm8, $0x6400, v9;
	v10 =	vsel vm8, $0x308, v10;
	v11 =	vsel vm8, $0x6500, v11  }
0x8a: {  	v12 =	vsel vm8, $0x30A, v12;
	v13 =	vsel vm8, $0x6600, v13;
	v14 =	vsel vm8, $0x30C, v14  }
0x8b: {  	v15 =	vsel vm8, $0x6700, v15;
	v16 =	vsel vm8, $0x30E, v16;
	v17 =	vsel vm8, $0x6800, v17  }
0x8c: {  	v18 =	vsel vm8, $0x310, v18;
	v19 =	vsel vm8, $0x6900, v19;
	v20 =	vsel vm8, $0x312, v20  }
0x8d: {  	v21 =	vsel vm8, $0x6A00, v21;
	v22 =	vsel vm8, $0x314, v22;
	v23 =	vsel vm8, $0x6B00, v23  }
0x8e: {  	v24 =	vsel vm8, $0x316, v24;
	v25 =	vsel vm8, $0x6C00, v25;
	v26 =	vsel vm8, $0x318, v26  }
0x8f: {  	v27 =	vsel vm8, $0x6D00, v27;
	v28 =	vsel vm8, $0x31A, v28;
	v29 =	vsel vm8, $0x6E00, v29  }
0x90: {  	v30 =	vsel vm8, $0x31C, v30;
	v31 =	vsel vm8, $0x6F00, v31;
	v32 =	vsel vm8, $0x31E, v32  }
0x91: {  	v34 =	vsel vm8, $0x340, v34;
	v35 =	vsel vm8, $0x342, v35;
	v36 =	vsel vm8, $0x344, v36  }
0x92: {  	v40 =	vsel vm8, $0x346, v40;
	v41 =	vsel vm8, $0x348, v41;
	v42 =	vsel vm8, $0x34A, v42  }
0x93: {  	v43 =	vsel vm8, $0x34C, v43;
	v44 =	vsel vm8, $0x34E, v44;
	v45 =	vsel vm8, $0x320, v45  }
0x94: {  	v46 =	vsel vm8, $0x322, v46;
	v47 =	vsel vm8, $0x324, v47;
	v48 =	vsel vm8, $0x326, v48  }
0x95: {  	v49 =	vsel vm8, $0x328, v49;
	v50 =	vsel vm8, $0x32A, v50;
	v51 =	vsel vm8, $0x32C, v51  }
0x96: {  	v52 =	vsel vm8, $0x32E, v52;
	v53 =	vsel vm8, $0x330, v53;
	v54 =	vsel vm8, $0x332, v54  }
0x97: {  	v55 =	vsel vm8, $0x334, v55;
	v56 =	vsel vm8, $0x336, v56;
	v57 =	vsel vm8, $0x338, v57  }
0x98: {  	v58 =	vsel vm8, $0x33A, v58;
	v59 =	vsel vm8, $0x33C, v59;
	v60 =	vsel vm8, $0x33E, v60  }
0x99: {  	v0 =	vsel vm7, $0x7000, v0;
	v1 =	vsel vm7, $0x380, v1;
	v4 =	vsel vm7, $0x382, v4  }
0x9a: {  	v5 =	vsel vm7, $0x7200, v5;
	v6 =	vsel vm7, $0x384, v6;
	v7 =	vsel vm7, $0x7300, v7  }
0x9b: {  	v8 =	vsel vm7, $0x386, v8;
	v9 =	vsel vm7, $0x7400, v9;
	v10 =	vsel vm7, $0x388, v10  }
0x9c: {  	v11 =	vsel vm7, $0x7500, v11;
	v12 =	vsel vm7, $0x38A, v12;
	v13 =	vsel vm7, $0x7600, v13  }
0x9d: {  	v14 =	vsel vm7, $0x38C, v14;
	v15 =	vsel vm7, $0x7700, v15;
	v16 =	vsel vm7, $0x38E, v16  }
0x9e: {  	v17 =	vsel vm7, $0x7800, v17;
	v18 =	vsel vm7, $0x390, v18;
	v19 =	vsel vm7, $0x7900, v19  }
0x9f: {  	v20 =	vsel vm7, $0x392, v20;
	v21 =	vsel vm7, $0x7A00, v21;
	v22 =	vsel vm7, $0x394, v22  }
0xa0: {  	v23 =	vsel vm7, $0x7B00, v23;
	v24 =	vsel vm7, $0x396, v24;
	v25 =	vsel vm7, $0x7C00, v25  }
0xa1: {  	v26 =	vsel vm7, $0x398, v26;
	v27 =	vsel vm7, $0x7D00, v27;
	v28 =	vsel vm7, $0x39A, v28  }
0xa2: {  	v29 =	vsel vm7, $0x7E00, v29;
	v30 =	vsel vm7, $0x39C, v30;
	v31 =	vsel vm7, $0x7F00, v31  }
0xa3: {  	v32 =	vsel vm7, $0x39E, v32;
	v34 =	vsel vm7, $0x3C0, v34;
	v35 =	vsel vm7, $0x3C2, v35  }
0xa4: {  	v36 =	vsel vm7, $0x3C4, v36;
	v40 =	vsel vm7, $0x3C6, v40;
	v41 =	vsel vm7, $0x3C8, v41  }
0xa5: {  	v42 =	vsel vm7, $0x3CA, v42;
	v43 =	vsel vm7, $0x3CC, v43;
	v44 =	vsel vm7, $0x3CE, v44  }
0xa6: {  	v45 =	vsel vm7, $0x3A0, v45;
	v46 =	vsel vm7, $0x3A2, v46;
	v47 =	vsel vm7, $0x3A4, v47  }
0xa7: {  	v48 =	vsel vm7, $0x3A6, v48;
	v49 =	vsel vm7, $0x3A8, v49;
	v50 =	vsel vm7, $0x3AA, v50  }
0xa8: {  	v51 =	vsel vm7, $0x3AC, v51;
	v52 =	vsel vm7, $0x3AE, v52;
	v53 =	vsel vm7, $0x3B0, v53  }
0xa9: {  	v54 =	vsel vm7, $0x3B2, v54;
	v55 =	vsel vm7, $0x3B4, v55;
	v56 =	vsel vm7, $0x3B6, v56  }
0xaa: {  	v57 =	vsel vm7, $0x3B8, v57;
	v58 =	vsel vm7, $0x3BA, v58;
	v59 =	vsel vm7, $0x3BC, v59  }
0xab: {  	v60 =	vsel vm7, $0x3BE, v60;
	v0 =	vsel vm6, $0x80, v0;
	v1 =	vsel vm6, $0x1, v1  }
0xac: {  	v4 =	vsel vm6, $0x3, v4;
	v5 =	vsel vm6, $0x280, v5;
	v6 =	vsel vm6, $0x5, v6  }
0xad: {  	v7 =	vsel vm6, $0x380, v7;
	v8 =	vsel vm6, $0x7, v8;
	v9 =	vsel vm6, $0x480, v9  }
0xae: {  	v10 =	vsel vm6, $0x9, v10;
	v11 =	vsel vm6, $0x580, v11;
	v12 =	vsel vm6, $0xB, v12  }
0xaf: {  	v13 =	vsel vm6, $0x680, v13;
	v14 =	vsel vm6, $0xD, v14;
	v15 =	vsel vm6, $0x780, v15  }
0xb0: {  	v16 =	vsel vm6, $0xF, v16;
	v17 =	vsel vm6, $0x880, v17;
	v18 =	vsel vm6, $0x11, v18  }
0xb1: {  	v19 =	vsel vm6, $0x980, v19;
	v20 =	vsel vm6, $0x13, v20;
	v21 =	vsel vm6, $0xA80, v21  }
0xb2: {  	v22 =	vsel vm6, $0x15, v22;
	v23 =	vsel vm6, $0xB80, v23;
	v24 =	vsel vm6, $0x17, v24  }
0xb3: {  	v25 =	vsel vm6, $0xC80, v25;
	v26 =	vsel vm6, $0x19, v26;
	v27 =	vsel vm6, $0xD80, v27  }
0xb4: {  	v28 =	vsel vm6, $0x1B, v28;
	v29 =	vsel vm6, $0xE80, v29;
	v30 =	vsel vm6, $0x1D, v30  }
0xb5: {  	v31 =	vsel vm6, $0xF80, v31;
	v32 =	vsel vm6, $0x1F, v32;
	v34 =	vsel vm6, $0x41, v34  }
0xb6: {  	v35 =	vsel vm6, $0x43, v35;
	v36 =	vsel vm6, $0x45, v36;
	v40 =	vsel vm6, $0x47, v40  }
0xb7: {  	v41 =	vsel vm6, $0x49, v41;
	v42 =	vsel vm6, $0x4B, v42;
	v43 =	vsel vm6, $0x4D, v43  }
0xb8: {  	v44 =	vsel vm6, $0x4F, v44;
	v45 =	vsel vm6, $0x21, v45;
	v46 =	vsel vm6, $0x23, v46  }
0xb9: {  	v47 =	vsel vm6, $0x25, v47;
	v48 =	vsel vm6, $0x27, v48;
	v49 =	vsel vm6, $0x29, v49  }
0xba: {  	v50 =	vsel vm6, $0x2B, v50;
	v51 =	vsel vm6, $0x2D, v51;
	v52 =	vsel vm6, $0x2F, v52  }
0xbb: {  	v53 =	vsel vm6, $0x31, v53;
	v54 =	vsel vm6, $0x33, v54;
	v55 =	vsel vm6, $0x35, v55  }
0xbc: {  	v56 =	vsel vm6, $0x37, v56;
	v57 =	vsel vm6, $0x39, v57;
	v58 =	vsel vm6, $0x3B, v58  }
0xbd: {  	v59 =	vsel vm6, $0x3D, v59;
	v60 =	vsel vm6, $0x3F, v60;
	v0 =	vsel vm5, $0x1080, v0  }
0xbe: {  	v1 =	vsel vm5, $0x81, v1;
	v4 =	vsel vm5, $0x83, v4;
	v5 =	vsel vm5, $0x1280, v5  }
0xbf: {  	v6 =	vsel vm5, $0x85, v6;
	v7 =	vsel vm5, $0x1380, v7;
	v8 =	vsel vm5, $0x87, v8  }
0xc0: {  	v9 =	vsel vm5, $0x1480, v9;
	v10 =	vsel vm5, $0x89, v10;
	v11 =	vsel vm5, $0x1580, v11  }
0xc1: {  	v12 =	vsel vm5, $0x8B, v12;
	v13 =	vsel vm5, $0x1680, v13;
	v14 =	vsel vm5, $0x8D, v14  }
0xc2: {  	v15 =	vsel vm5, $0x1780, v15;
	v16 =	vsel vm5, $0x8F, v16;
	v17 =	vsel vm5, $0x1880, v17  }
0xc3: {  	v18 =	vsel vm5, $0x91, v18;
	v19 =	vsel vm5, $0x1980, v19;
	v20 =	vsel vm5, $0x93, v20  }
0xc4: {  	v21 =	vsel vm5, $0x1A80, v21;
	v22 =	vsel vm5, $0x95, v22;
	v23 =	vsel vm5, $0x1B80, v23  }
0xc5: {  	v24 =	vsel vm5, $0x97, v24;
	v25 =	vsel vm5, $0x1C80, v25;
	v26 =	vsel vm5, $0x99, v26  }
0xc6: {  	v27 =	vsel vm5, $0x1D80, v27;
	v28 =	vsel vm5, $0x9B, v28;
	v29 =	vsel vm5, $0x1E80, v29  }
0xc7: {  	v30 =	vsel vm5, $0x9D, v30;
	v31 =	vsel vm5, $0x1F80, v31;
	v32 =	vsel vm5, $0x9F, v32  }
0xc8: {  	v34 =	vsel vm5, $0xC1, v34;
	v35 =	vsel vm5, $0xC3, v35;
	v36 =	vsel vm5, $0xC5, v36  }
0xc9: {  	v40 =	vsel vm5, $0xC7, v40;
	v41 =	vsel vm5, $0xC9, v41;
	v42 =	vsel vm5, $0xCB, v42  }
0xca: {  	v43 =	vsel vm5, $0xCD, v43;
	v44 =	vsel vm5, $0xCF, v44;
	v45 =	vsel vm5, $0xA1, v45  }
0xcb: {  	v46 =	vsel vm5, $0xA3, v46;
	v47 =	vsel vm5, $0xA5, v47;
	v48 =	vsel vm5, $0xA7, v48  }
0xcc: {  	v49 =	vsel vm5, $0xA9, v49;
	v50 =	vsel vm5, $0xAB, v50;
	v51 =	vsel vm5, $0xAD, v51  }
0xcd: {  	v52 =	vsel vm5, $0xAF, v52;
	v53 =	vsel vm5, $0xB1, v53;
	v54 =	vsel vm5, $0xB3, v54  }
0xce: {  	v55 =	vsel vm5, $0xB5, v55;
	v56 =	vsel vm5, $0xB7, v56;
	v57 =	vsel vm5, $0xB9, v57  }
0xcf: {  	v58 =	vsel vm5, $0xBB, v58;
	v59 =	vsel vm5, $0xBD, v59;
	v60 =	vsel vm5, $0xBF, v60  }
0xd0: {  	v0 =	vsel vm4, $0x2080, v0;
	v1 =	vsel vm4, $0x101, v1;
	v4 =	vsel vm4, $0x103, v4  }
0xd1: {  	v5 =	vsel vm4, $0x2280, v5;
	v6 =	vsel vm4, $0x105, v6;
	v7 =	vsel vm4, $0x2380, v7  }
0xd2: {  	v8 =	vsel vm4, $0x107, v8;
	v9 =	vsel vm4, $0x2480, v9;
	v10 =	vsel vm4, $0x109, v10  }
0xd3: {  	v11 =	vsel vm4, $0x2580, v11;
	v12 =	vsel vm4, $0x10B, v12;
	v13 =	vsel vm4, $0x2680, v13  }
0xd4: {  	v14 =	vsel vm4, $0x10D, v14;
	v15 =	vsel vm4, $0x2780, v15;
	v16 =	vsel vm4, $0x10F, v16  }
0xd5: {  	v17 =	vsel vm4, $0x2880, v17;
	v18 =	vsel vm4, $0x111, v18;
	v19 =	vsel vm4, $0x2980, v19  }
0xd6: {  	v20 =	vsel vm4, $0x113, v20;
	v21 =	vsel vm4, $0x2A80, v21;
	v22 =	vsel vm4, $0x115, v22  }
0xd7: {  	v23 =	vsel vm4, $0x2B80, v23;
	v24 =	vsel vm4, $0x117, v24;
	v25 =	vsel vm4, $0x2C80, v25  }
0xd8: {  	v26 =	vsel vm4, $0x119, v26;
	v27 =	vsel vm4, $0x2D80, v27;
	v28 =	vsel vm4, $0x11B, v28  }
0xd9: {  	v29 =	vsel vm4, $0x2E80, v29;
	v30 =	vsel vm4, $0x11D, v30;
	v31 =	vsel vm4, $0x2F80, v31  }
0xda: {  	v32 =	vsel vm4, $0x11F, v32;
	v34 =	vsel vm4, $0x141, v34;
	v35 =	vsel vm4, $0x143, v35  }
0xdb: {  	v36 =	vsel vm4, $0x145, v36;
	v40 =	vsel vm4, $0x147, v40;
	v41 =	vsel vm4, $0x149, v41  }
0xdc: {  	v42 =	vsel vm4, $0x14B, v42;
	v43 =	vsel vm4, $0x14D, v43;
	v44 =	vsel vm4, $0x14F, v44  }
0xdd: {  	v45 =	vsel vm4, $0x121, v45;
	v46 =	vsel vm4, $0x123, v46;
	v47 =	vsel vm4, $0x125, v47  }
0xde: {  	v48 =	vsel vm4, $0x127, v48;
	v49 =	vsel vm4, $0x129, v49;
	v50 =	vsel vm4, $0x12B, v50  }
0xdf: {  	v51 =	vsel vm4, $0x12D, v51;
	v52 =	vsel vm4, $0x12F, v52;
	v53 =	vsel vm4, $0x131, v53  }
0xe0: {  	v54 =	vsel vm4, $0x133, v54;
	v55 =	vsel vm4, $0x135, v55;
	v56 =	vsel vm4, $0x137, v56  }
0xe1: {  	v57 =	vsel vm4, $0x139, v57;
	v58 =	vsel vm4, $0x13B, v58;
	v59 =	vsel vm4, $0x13D, v59  }
0xe2: {  	v60 =	vsel vm4, $0x13F, v60;
	v0 =	vsel vm3, $0x3080, v0;
	v1 =	vsel vm3, $0x181, v1  }
0xe3: {  	v4 =	vsel vm3, $0x183, v4;
	v5 =	vsel vm3, $0x3280, v5;
	v6 =	vsel vm3, $0x185, v6  }
0xe4: {  	v7 =	vsel vm3, $0x3380, v7;
	v8 =	vsel vm3, $0x187, v8;
	v9 =	vsel vm3, $0x3480, v9  }
0xe5: {  	v10 =	vsel vm3, $0x189, v10;
	v11 =	vsel vm3, $0x3580, v11;
	v12 =	vsel vm3, $0x18B, v12  }
0xe6: {  	v13 =	vsel vm3, $0x3680, v13;
	v14 =	vsel vm3, $0x18D, v14;
	v15 =	vsel vm3, $0x3780, v15  }
0xe7: {  	v16 =	vsel vm3, $0x18F, v16;
	v17 =	vsel vm3, $0x3880, v17;
	v18 =	vsel vm3, $0x191, v18  }
0xe8: {  	v19 =	vsel vm3, $0x3980, v19;
	v20 =	vsel vm3, $0x193, v20;
	v21 =	vsel vm3, $0x3A80, v21  }
0xe9: {  	v22 =	vsel vm3, $0x195, v22;
	v23 =	vsel vm3, $0x3B80, v23;
	v24 =	vsel vm3, $0x197, v24  }
0xea: {  	v25 =	vsel vm3, $0x3C80, v25;
	v26 =	vsel vm3, $0x199, v26;
	v27 =	vsel vm3, $0x3D80, v27  }
0xeb: {  	v28 =	vsel vm3, $0x19B, v28;
	v29 =	vsel vm3, $0x3E80, v29;
	v30 =	vsel vm3, $0x19D, v30  }
0xec: {  	v31 =	vsel vm3, $0x3F80, v31;
	v32 =	vsel vm3, $0x19F, v32;
	v34 =	vsel vm3, $0x1C1, v34  }
0xed: {  	v35 =	vsel vm3, $0x1C3, v35;
	v36 =	vsel vm3, $0x1C5, v36;
	v40 =	vsel vm3, $0x1C7, v40  }
0xee: {  	v41 =	vsel vm3, $0x1C9, v41;
	v42 =	vsel vm3, $0x1CB, v42;
	v43 =	vsel vm3, $0x1CD, v43  }
0xef: {  	v44 =	vsel vm3, $0x1CF, v44;
	v45 =	vsel vm3, $0x1A1, v45;
	v46 =	vsel vm3, $0x1A3, v46  }
0xf0: {  	v47 =	vsel vm3, $0x1A5, v47;
	v48 =	vsel vm3, $0x1A7, v48;
	v49 =	vsel vm3, $0x1A9, v49  }
0xf1: {  	v50 =	vsel vm3, $0x1AB, v50;
	v51 =	vsel vm3, $0x1AD, v51;
	v52 =	vsel vm3, $0x1AF, v52  }
0xf2: {  	v53 =	vsel vm3, $0x1B1, v53;
	v54 =	vsel vm3, $0x1B3, v54;
	v55 =	vsel vm3, $0x1B5, v55  }
0xf3: {  	v56 =	vsel vm3, $0x1B7, v56;
	v57 =	vsel vm3, $0x1B9, v57;
	v58 =	vsel vm3, $0x1BB, v58  }
0xf4: {  	v59 =	vsel vm3, $0x1BD, v59;
	v60 =	vsel vm3, $0x1BF, v60;
	v0 =	vsel vm2, $0x4080, v0  }
0xf5: {  	v3 =	vsel vm2, $0x201, v1;
	v4 =	vsel vm2, $0x203, v4;
	v5 =	vsel vm2, $0x4280, v5  }
0xf6: {  	v6 =	vsel vm2, $0x205, v6;
	v7 =	vsel vm2, $0x4380, v7;
	v8 =	vsel vm2, $0x207, v8  }
0xf7: {  	v9 =	vsel vm2, $0x4480, v9;
	v10 =	vsel vm2, $0x209, v10;
	v11 =	vsel vm2, $0x4580, v11  }
0xf8: {  	v12 =	vsel vm2, $0x20B, v12;
	v13 =	vsel vm2, $0x4680, v13;
	v14 =	vsel vm2, $0x20D, v14  }
0xf9: {  	v15 =	vsel vm2, $0x4780, v15;
	v16 =	vsel vm2, $0x20F, v16;
	v17 =	vsel vm2, $0x4880, v17  }
0xfa: {  	v18 =	vsel vm2, $0x211, v18;
	v19 =	vsel vm2, $0x4980, v19;
	v20 =	vsel vm2, $0x213, v20  }
0xfb: {  	v21 =	vsel vm2, $0x4A80, v21;
	v22 =	vsel vm2, $0x215, v22;
	v23 =	vsel vm2, $0x4B80, v23  }
0xfc: {  	v24 =	vsel vm2, $0x217, v24;
	v25 =	vsel vm2, $0x4C80, v25;
	v26 =	vsel vm2, $0x219, v26  }
0xfd: {  	v27 =	vsel vm2, $0x4D80, v27;
	v28 =	vsel vm2, $0x21B, v28;
	v29 =	vsel vm2, $0x4E80, v29  }
0xfe: {  	v30 =	vsel vm2, $0x21D, v30;
	v31 =	vsel vm2, $0x4F80, v31;
	v32 =	vsel vm2, $0x21F, v32  }
0xff: {  	v34 =	vsel vm2, $0x241, v34;
	v35 =	vsel vm2, $0x243, v35;
	v38 =	vsel vm2, $0x245, v36  }
0x100: {  	v40 =	vsel vm2, $0x247, v40;
	v41 =	vsel vm2, $0x249, v41;
	v42 =	vsel vm2, $0x24B, v42  }
0x101: {  	v43 =	vsel vm2, $0x24D, v43;
	v44 =	vsel vm2, $0x24F, v44;
	v45 =	vsel vm2, $0x221, v45  }
0x102: {  	v46 =	vsel vm2, $0x223, v46;
	v47 =	vsel vm2, $0x225, v47;
	v48 =	vsel vm2, $0x227, v48  }
0x103: {  	v49 =	vsel vm2, $0x229, v49;
	v50 =	vsel vm2, $0x22B, v50;
	v51 =	vsel vm2, $0x22D, v51  }
0x104: {  	v52 =	vsel vm2, $0x22F, v52;
	v53 =	vsel vm2, $0x231, v53;
	v5 =	vsel vm1, $0x5280, v5  }
0x105: {  	v54 =	vsel vm2, $0x233, v54;
	v6 =	vsel vm1, $0x285, v6;
	v5 =	vsel vm0, $0x6280, v5  }
0x106: {  	v55 =	vsel vm2, $0x235, v55;
	v8 =	vsel vm1, $0x287, v8;
	v6 =	vsel vm0, $0x305, v6;
	[tilespmem:$0x1FE10] =	vst v5  }
0x107: {  	v56 =	vsel vm2, $0x237, v56;
	v11 =	vsel vm1, $0x5580, v11;
	[tilespmem:$0x1FE20] =	vst v6;
	v6 =	vsel vm0, $0x307, v8  }
0x108: {  	v57 =	vsel vm2, $0x239, v57;
	v12 =	vsel vm1, $0x28B, v12;
	v5 =	vsel vm0, $0x6580, v11;
	[tilespmem:$0x1FE30] =	vst v6  }
0x109: {  	v2 =	vsel vm1, $0x5080, v0;
	v31 =	vsel vm1, $0x5F80, v31;
	[tilespmem:$0x1FE40] =	vst v5;
	v6 =	vsel vm0, $0x30B, v12  }
0x10a: {  	v0 =	vand.u32 $0x7, v33;
	v14 =	vsel vm1, $0x28D, v14;
	v5 =	vsel vm0, $0x6F80, v31;
	[tilespmem:$0x1FE50] =	vst v6  }
0x10b: {  	v18 =	vsel vm1, $0x291, v18;
	v33 =	vshrl.u32 v33, $0x3;
	v6 =	vsel vm0, $0x30D, v14;
	[tilespmem:$0x1FEC0] =	vst v5  }
0x10c: {  	v58 =	vsel vm2, $0x23B, v58;
	v5 =	vmul.u32 $0x80, v33;
	[tilespmem:$0x1FE60] =	vst v6;
	v6 =	vsel vm0, $0x311, v18  }
0x10d: {  	v59 =	vsel vm2, $0x23D, v59;
	v60 =	vsel vm2, $0x23F, v60;
	v20 =	vsel vm1, $0x293, v20;
	[tilespmem:$0x1FE70] =	vst v6  }
0x10e: {  	v4 =	vsel vm1, $0x283, v4;
	v24 =	vsel vm1, $0x297, v24;
	v6 =	vsel vm0, $0x313, v20;
	[tilespmem:$0x1FF20] =	vst v5  }
0x10f: {  	v7 =	vsel vm1, $0x5380, v7;
	v26 =	vsel vm1, $0x299, v26;
	[tilespmem:$0x1FE80] =	vst v6;
	v6 =	vsel vm0, $0x317, v24  }
0x110: {  	v9 =	vsel vm1, $0x5480, v9;
	v30 =	vsel vm1, $0x29D, v30;
	[tilespmem:$0x1FE90] =	vst v6;
	v6 =	vsel vm0, $0x319, v26  }
0x111: {  	v10 =	vsel vm1, $0x289, v10;
	v32 =	vsel vm1, $0x29F, v32;
	[tilespmem:$0x1FEA0] =	vst v6;
	v6 =	vsel vm0, $0x31D, v30  }
0x112: {  	v13 =	vsel vm1, $0x5680, v13;
	v15 =	vsel vm1, $0x5780, v15;
	[tilespmem:$0x1FEB0] =	vst v6;
	v6 =	vsel vm0, $0x31F, v32  }
0x113: {  	v16 =	vsel vm1, $0x28F, v16;
	v37 =	vsel vm1, $0x2C3, v35;
	[tilespmem:$0x1FED0] =	vst v6;
	v6 =	vor.u32 $0x100, v5  }
0x114: {  	v17 =	vsel vm1, $0x5880, v17;
	v19 =	vsel vm1, $0x5980, v19;
	[tilespmem:$0x1FEE0] =	vst v6;
	v6 =	vsel vm0, $0x343, v37  }
0x115: {  	v21 =	vsel vm1, $0x5A80, v21;
	v47 =	vsel vm1, $0x2A5, v47;
	[tilespmem:$0x1FEF0] =	vst v6;
	v6 =	vor.u32 $0x200, v5  }
0x116: {  	v38 =	vsel vm1, $0x2C5, v38;
	v33 =	vor.u32 $0x300, v5;
	v5 =	vsel vm0, $0x325, v47;
	[tilespmem:$0x1FF00] =	vst v6  }
0x117: {  	s0 =	rddreg [dreg:$0x0];
	v22 =	vsel vm1, $0x295, v22;
	v48 =	vsel vm1, $0x2A7, v48;
	v6 =	vsel vm0, $0x345, v38;
	[tilespmem:$0x1FF80] =	vst v5  }
0x118: {  	s1 =	rddreg [dreg:$0x1];
	v23 =	vsel vm1, $0x5B80, v23;
	v40 =	vsel vm1, $0x2C7, v40;
	v5 =	vsel vm0, $0x327, v48;
	[tilespmem:$0x1FF10] =	vst v6  }
0x119: {  	s2 =	rddreg [dreg:$0x2];
	v25 =	vsel vm1, $0x5C80, v25;
	v50 =	vsel vm1, $0x2AB, v50;
	v6 =	vsel vm0, $0x347, v40;
	[tilespmem:$0x1FF90] =	vst v5  }
0x11a: {  	s3 =	rddreg [dreg:$0x3];
	v27 =	vsel vm1, $0x5D80, v27;
	v41 =	vsel vm1, $0x2C9, v41;
	v5 =	vsel vm0, $0x32B, v50;
	[tilespmem:$0x1FF30] =	vst v6  }
0x11b: {  	s5 =	rddreg [dreg:$0x4];
	v28 =	vsel vm1, $0x29B, v28;
	v51 =	vsel vm1, $0x2AD, v51;
	v6 =	vsel vm0, $0x349, v41;
	[tilespmem:$0x1FFA0] =	vst v5  }
0x11c: {  	s6 =	rddreg [dreg:$0x5];
	s20 =	simm.s32 $0x9D00;
	v29 =	vsel vm1, $0x5E80, v29;
	v42 =	vsel vm1, $0x2CB, v42;
	v5 =	vsel vm0, $0x32D, v51;
	[tilespmem:$0x1FF40] =	vst v6  }
0x11d: {  	s7 =	srdreg.scid;
	s21 =	simm.s32 $0xAD00;
	s22 =	simm.s32 $0xBD00;
	v34 =	vsel vm1, $0x2C1, v34;
	v53 =	vsel vm1, $0x2B1, v53;
	v6 =	vsel vm0, $0x34B, v42;
	[tilespmem:$0x1FFB0] =	vst v5  }
0x11e: {  	s11 =	stileid.u32;
	s23 =	simm.s32 $0xCD00;
	s24 =	simm.s32 $0xDD00;
	v43 =	vsel vm1, $0x2CD, v43;
	v44 =	vsel vm1, $0x2CF, v44;
	v5 =	vsel vm0, $0x331, v53;
	[tilespmem:$0x1FF50] =	vst v6  }
0x11f: {  	s25 =	simm.s32 $0xED00;
	s26 =	simm.s32 $0xFD00;
	s7 =	sand.u32 $0x1, s7;
	v45 =	vsel vm1, $0x2A1, v45;
	v54 =	vsel vm1, $0x2B3, v54;
	v6 =	vsel vm0, $0x34F, v44;
	[tilespmem:$0x1FFC0] =	vst v5  }
0x120: {  	s4 =	simm.s32 $0x0;
	s8 =	sshll.u32 s11, $0xA;
	s9 =	sshll.u32 s7, $0x9;
	v46 =	vsel vm1, $0x2A3, v46;
	v49 =	vsel vm1, $0x2A9, v49;
	v5 =	vsel vm0, $0x333, v54;
	[tilespmem:$0x1FF60] =	vst v6  }
0x121: {  	s28 =	simm.s32 $0x1;
	[smem:$0x7FF] =	sst s4;
	s8 =	sor.u32 s9, s8;
	v52 =	vsel vm1, $0x2AF, v52;
	v55 =	vsel vm1, $0x2B5, v55;
	v6 =	vsel vm0, $0x321, v45;
	[tilespmem:$0x1FFD0] =	vst v5  }
0x122: {  	s10 =	sadd.s32 $0x1800, s2;
	s12 =	sadd.s32 $0x1400, s2;
	s8 =	sshrl.u32 s8, $0x3;
	v56 =	vsel vm1, $0x2B7, v56;
	v57 =	vsel vm1, $0x2B9, v57;
	v58 =	vsel vm1, $0x2BB, v58;
	[tilespmem:$0x1FF70] =	vst v6  }
0x123: {  	s14 =	sadd.s32 s8, s2;
	v1 =	vsel vm0, $0x6080, v2;
	v2 =	vsel vm1, $0x281, v3;
	v3 =	vimm.s32 $0x7180;
	_ =	strace $0x80000047;
	[dreg:$0xe] =	wrdreg s10  }
0x124: {  	s29 =	simm.s32 $0x13500;
	s15 =	sadd.s32 $0x2200, s14;
	v59 =	vsel vm1, $0x2BD, v59;
	v60 =	vsel vm1, $0x2BF, v60;
	v3 =	vsel vm14, $0x100, v3;
	[dreg:$0xf] =	wrdreg s12  }
0x125: {  	s30 =	simm.s32 $0x2;
	s16 =	sadd.s32 $0x2A00, s14;
	v4 =	vsel vm0, $0x303, v4;
	v7 =	vsel vm0, $0x6380, v7;
	v3 =	vsel vm13, $0x1100, v3;
	[dreg:$0x10] =	wrdreg s15  }
0x126: {  	s11 =	sshll.u32 s11, $0xE;
	s17 =	sadd.s32 $0x1A00, s14;
	v9 =	vsel vm0, $0x6480, v9;
	v10 =	vsel vm0, $0x309, v10;
	v3 =	vsel vm12, $0x2100, v3;
	[dreg:$0x11] =	wrdreg s16  }
0x127: {  	s13 =	ssub.s32 $0x2, s7;
	s3 =	sadd.s32 s3, s8;
	v13 =	vsel vm0, $0x6680, v13;
	v15 =	vsel vm0, $0x6780, v15;
	v3 =	vsel vm11, $0x3100, v3;
	[dreg:$0x12] =	wrdreg s17  }
0x128: {  	s7 =	sshll.u32 s7, $0xD;
	s18 =	sadd.s32 s5, s8;
	v16 =	vsel vm0, $0x30F, v16;
	v17 =	vsel vm0, $0x6880, v17;
	v3 =	vsel vm10, $0x4100, v3;
	[dreg:$0x13] =	wrdreg s3  }
0x129: {  	s2 =	sadd.s32 s11, s2;
	s19 =	sadd.s32 s6, s8;
	v19 =	vsel vm0, $0x6980, v19;
	v21 =	vsel vm0, $0x6A80, v21;
	v3 =	vsel vm9, $0x5100, v3;
	[dreg:$0x14] =	wrdreg s18  }
0x12a: {  	s31 =	simm.s32 $0x3;
	s2 =	sadd.s32 s7, s2;
	v22 =	vsel vm0, $0x315, v22;
	v23 =	vsel vm0, $0x6B80, v23;
	v3 =	vsel vm8, $0x6100, v3;
	[dreg:$0x15] =	wrdreg s19  }
0x12b: {  	s6 =	sadd.s32 $0x3200, s2;
	s2 =	simm.s32 $0x0;
	v25 =	vsel vm0, $0x6C80, v25;
	v27 =	vsel vm0, $0x6D80, v27;
	v3 =	vsel vm7, $0x7100, v3;
	[dreg:$0x7] =	wrdreg s20  }
0x12c: {  	v28 =	vsel vm0, $0x31B, v28;
	v29 =	vsel vm0, $0x6E80, v29;
	v3 =	vsel vm6, $0x180, v3;
	s12 =	sshrl.u32 s13, $0x1;
	s15 =	simm.s32 $0x4;
	[dreg:$0x8] =	wrdreg s21  }
0x12d: {  	v34 =	vsel vm0, $0x341, v34;
	v63 =	vsel vm0, $0x34D, v43;
	v3 =	vsel vm5, $0x1180, v3;
	s16 =	simm.s32 $0x280;
	s18 =	simm.s32 $0x700;
	[dreg:$0x9] =	wrdreg s22  }
0x12e: {  	v49 =	vsel vm0, $0x329, v49;
	v52 =	vsel vm0, $0x32F, v52;
	v3 =	vsel vm4, $0x2180, v3;
	s19 =	simm.s32 $0x900;
	s20 =	simm.s32 $0xB00;
	[dreg:$0xa] =	wrdreg s23  }
0x12f: {  	v55 =	vsel vm0, $0x335, v55;
	v58 =	vsel vm0, $0x33B, v58;
	v3 =	vsel vm3, $0x3180, v3;
	s21 =	simm.s32 $0x10D00;
	[dreg:$0xb] =	wrdreg s24;
	s22 =	simm.s32 $0x11500  }
0x130: {  	v2 =	vsel vm0, $0x301, v2;
	v3 =	vsel vm2, $0x4180, v3;
	v5 =	vsel vm0, $0x337, v56;
	[dreg:$0xc] =	wrdreg s25;
	s23 =	simm.s32 $0x400;
	s24 =	simm.s32 $0x7A1400  }
0x131: {  	v12 =	vsel vm0, $0x33D, v59;
	v3 =	vsel vm1, $0x5180, v3;
	[tilespmem:$0x1FFE0] =	vst v5;
	v5 =	vsel vm0, $0x339, v57;
	[dreg:$0xd] =	wrdreg s26;
	s25 =	simm.s32 $0xD00;
	s13 =	ssub.s32 s13, s12  }
0x132: {  	v14 =	vsel vm0, $0x33F, v60;
	v18 =	vsel vm0, $0x323, v46;
	v3 =	vsel vm0, $0x6180, v3;
	s17 =	simm.s32 $0xC3800;
	s26 =	simm.s32 $0x8D00;
	[tilespmem:$0x1FFF0] =	vst v5;
	s13 =	smax.u32 s13, $0x1  }
.LBB2_1:
0x133: {  	s3 =	rddreg [dreg:$0x10]  }
0x134: {  	[tilespmem:s4], [sflag:$0x4] =	stream.linear.gather [hbm4b:s3+s4], $0x200, $0x38;
	[tilespmem:$0x13D00] =	vst v63  }
0x135: {  	_ =	swait.ge [sflag:s15], $0x200  }
0x136: {  	[sflag:s15] =	ssyncset.done $0x0  }
0x137: {  	s10 =	rddreg [dreg:$0x11];
	[sflag:s15] =	ssyncadd.s32 $0xFFFFFE00  }
0x138: {  	[tilespmem:s16], [sflag:$0x4] =	stream.linear.gather [hbm4b:s10+s4], $0x200, $0x38;
	[tilespmem:$0x13D00] =	vst v63  }
0x139: {  	_ =	swait.ge [sflag:s15], $0x200  }
0x13a: {  	[sflag:s15] =	ssyncset.done $0x0  }
0x13b: {  	s5 =	simm.s32 $0x480;
	s11 =	rddreg [dreg:$0x12];
	[sflag:s15] =	ssyncadd.s32 $0xFFFFFE00  }
0x13c: {  	[tilespmem:s5], [sflag:$0x4] =	stream.linear.gather [hbm4b:s11+s4], $0x200, $0x38;
	[tilespmem:$0x13D00] =	vst v63  }
0x13d: {  	_ =	swait.ge [sflag:s15], $0x200  }
0x13e: {  	[sflag:s15] =	ssyncset.done $0x0  }
0x13f: {  	s12 =	rddreg [dreg:$0x13];
	[sflag:s15] =	ssyncadd.s32 $0xFFFFFE00  }
0x140: {  	[tilespmem:s18], [sflag:$0x4] =	stream.linear.gather [hbm4b:s12+s4], $0x200, $0x38;
	[tilespmem:$0x13D00] =	vst v63  }
0x141: {  	_ =	swait.ge [sflag:s15], $0x200  }
0x142: {  	[sflag:s15] =	ssyncset.done $0x0  }
0x143: {  	s14 =	rddreg [dreg:$0x14];
	[sflag:s15] =	ssyncadd.s32 $0xFFFFFE00  }
0x144: {  	[tilespmem:s19], [sflag:$0x4] =	stream.linear.gather [hbm4b:s14+s4], $0x200, $0x38;
	[tilespmem:$0x13D00] =	vst v63  }
0x145: {  	_ =	swait.ge [sflag:s15], $0x200  }
0x146: {  	[sflag:s15] =	ssyncset.done $0x0  }
0x147: {  	s5 =	rddreg [dreg:$0x15];
	[sflag:s15] =	ssyncadd.s32 $0xFFFFFE00  }
0x148: {  	[tilespmem:s20], [sflag:$0x4] =	stream.linear.gather [hbm4b:s5+s4], $0x200, $0x38;
	[tilespmem:$0x13D00] =	vst v63  }
0x149: {  	_ =	swait.ge [sflag:s15], $0x200  }
0x14a: {  	[sflag:s15] =	ssyncset.done $0x0  }
0x14b: {  	s7 =	rddreg [dreg:$0xe];
	[sflag:s15] =	ssyncadd.s32 $0xFFFFFE00  }
0x14c: {  	[tilespmem:s21], [sflag:$0x4] =	stream.linear.gather [hbm4b:s7+s4], $0x800, $0x38;
	[tilespmem:$0x13D00] =	vst v63  }
0x14d: {  	_ =	swait.ge [sflag:s15], $0x800  }
0x14e: {  	[sflag:s15] =	ssyncset.done $0x0  }
0x14f: {  	s8 =	rddreg [dreg:$0xf];
	[sflag:s15] =	ssyncadd.s32 $0xFFFFF800  }
0x150: {  	[tilespmem:s22], [sflag:$0x4] =	stream.linear.gather [hbm4b:s8+s4], $0x2000, $0x38;
	[tilespmem:$0x13D00] =	vst v63  }
0x151: {  	_ =	swait.ge [sflag:s15], $0x2000  }
0x152: {  	[sflag:s15] =	ssyncset.done $0x0  }
0x153: {  	[sflag:s15] =	ssyncadd.s32 $0xFFFFE000  }
0x154: {  	v61 =	vld [tilespmem:$0x0];
	_ =	sdelay $0x4  }
0x155: {  	v61 =	vshll.u32 v61, $0x7  }
0x156: {  	(v2sf) =	vpush v61, $0x0  }
0x157: {  	(v2sf) =	vpush v61, $0x1;
	_ =	sdelay $0x1  }
0x158: {  	(v2sf) =	vpush v61, $0x2;
	_ =	sdelay $0x4  }
0x159: {  	(v2sf) =	vpush v61, $0x3  }
0x15a: {  	(v2sf) =	vpush v61, $0x4;
	_ =	sdelay $0x2  }
0x15b: {  	v20 =	vld [tilespmem:$0x1FE60]  }
0x15c: {  	v24 =	vld [tilespmem:$0x1FE70]  }
0x15d: {  	v26 =	vld [tilespmem:$0x1FE80]  }
0x15e: {  	v30 =	vld [tilespmem:$0x1FE90];
	s9 =	spop (v2sf);
	(v2sf) =	vpush v61, $0x5  }
0x15f: {  	v32 =	vld [tilespmem:$0x1FEA0];
	s10 =	spop (v2sf);
	(v2sf) =	vpush v61, $0x6  }
0x160: {  	v36 =	vld [tilespmem:$0x1FEB0];
	s3 =	sand.u32 $0x1FFFFF80, s9  }
0x161: {  	v38 =	vld [tilespmem:$0x1FED0];
	s3 =	sadd.s32 s0, s3;
	s12 =	spop (v2sf)  }
0x162: {  	v41 =	vld [tilespmem:$0x1FEF0];
	(v2sf) =	vpush v61, $0x7;
	[tilespmem:s25], [sflag:$0x1] =	stream.strided.gather [hbm4b:s3+s23], $0x1000, s24, s23, $0x38  }
0x163: {  	v42 =	vld [tilespmem:$0x1FF10];
	s3 =	sand.u32 $0x1FFFFF80, s10  }
0x164: {  	s11 =	simm.s32 $0x1D00;
	v43 =	vld [tilespmem:$0x1FF30];
	s3 =	sadd.s32 s0, s3  }
0x165: {  	v44 =	vld [tilespmem:$0x1FF40];
	[tilespmem:s11], [sflag:$0x1] =	stream.strided.gather [hbm4b:s3+s23], $0x1000, s24, s23, $0x38  }
0x166: {  	s7 =	simm.s32 $0x2D00;
	v45 =	vld [tilespmem:$0x1FF50];
	s14 =	spop (v2sf);
	s3 =	sand.u32 $0x1FFFFF80, s12  }
0x167: {  	v47 =	vld [tilespmem:$0x1FF60];
	s8 =	sand.u32 $0x1FFFFF80, s14;
	s9 =	spop (v2sf);
	s3 =	sadd.s32 s0, s3  }
0x168: {  	v48 =	vld [tilespmem:$0x1FF70];
	[tilespmem:s7], [sflag:$0x1] =	stream.strided.gather [hbm4b:s3+s23], $0x1000, s24, s23, $0x38  }
0x169: {  	v5 =	vld [tilespmem:$0x1FF80];
	s10 =	simm.s32 $0x3D00;
	s11 =	sand.u32 $0x1FFFFF80, s9;
	s3 =	sadd.s32 s0, s8  }
0x16a: {  	v50 =	vld [tilespmem:$0x1FE10];
	[tilespmem:s10], [sflag:$0x1] =	stream.strided.gather [hbm4b:s3+s23], $0x1000, s24, s23, $0x38  }
0x16b: {  	v51 =	vld [tilespmem:$0x1FF90];
	s14 =	simm.s32 $0x4D00;
	s3 =	sadd.s32 s0, s11  }
0x16c: {  	v11 =	vld [tilespmem:$0x1FFA0];
	[tilespmem:s14], [sflag:$0x1] =	stream.strided.gather [hbm4b:s3+s23], $0x1000, s24, s23, $0x38  }
0x16d: {  	v53 =	vld [tilespmem:$0x1FE40];
	s12 =	spop (v2sf)  }
0x16e: {  	v54 =	vld [tilespmem:$0x1FFB0];
	s7 =	sand.u32 $0x1FFFFF80, s12;
	s8 =	spop (v2sf)  }
0x16f: {  	v56 =	vld [tilespmem:$0x1FFC0];
	s9 =	simm.s32 $0x5D00;
	s3 =	sadd.s32 s0, s7;
	s10 =	sand.u32 $0x1FFFFF80, s8  }
0x170: {  	v57 =	vld [tilespmem:$0x1FFD0];
	[tilespmem:s9], [sflag:$0x1] =	stream.strided.gather [hbm4b:s3+s23], $0x1000, s24, s23, $0x38  }
0x171: {  	v31 =	vld [tilespmem:$0x1FFE0];
	s11 =	simm.s32 $0x6D00;
	s12 =	spop (v2sf);
	s3 =	sadd.s32 s0, s10  }
0x172: {  	v59 =	vld [tilespmem:$0x1FEC0];
	[tilespmem:s11], [sflag:$0x1] =	stream.strided.gather [hbm4b:s3+s23], $0x1000, s24, s23, $0x38  }
0x173: {  	v60 =	vld [tilespmem:$0x1FFF0];
	s3 =	sand.u32 $0x1FFFFF80, s12  }
0x174: {  	s5 =	simm.s32 $0x0;
	v35 =	vld [tilespmem:$0x1FF20];
	s14 =	simm.s32 $0x7D00;
	s3 =	sadd.s32 s0, s3  }
0x175: {  	v37 =	vld [tilespmem:$0x1FEE0];
	[tilespmem:s14], [sflag:$0x1] =	stream.strided.gather [hbm4b:s3+s23], $0x1000, s24, s23, $0x38  }
0x176: {  	v39 =	vld [tilespmem:$0x1FF00];
	s7 =	simm.s32 $0x0;
	s3 =	simm.s32 $0x20;
	s14 =	smov.u32 s6  }
.LBB2_2:
0x177: {  	s8 =	sshra.s32 s3, $0x2  }
0x178: {  	v61 =	vld [tilespmem:s8+$0x478];
	_ =	sdelay $0x4  }
0x179: {  	v61 =	vshll.u32 v61, $0x7  }
0x17a: {  	(v2sf) =	vpush v61, $0x0;
	_ =	sdelay $0x1  }
0x17b: {  	(v2sf) =	vpush v61, $0x1;
	_ =	sdelay $0x2  }
0x17c: {  	(v2sf) =	vpush v61, $0x2;
	_ =	sdelay $0x2  }
0x17d: {  	(v2sf) =	vpush v61, $0x3;
	_ =	sdelay $0x6  }
0x17e: {  	s9 =	spop (v2sf);
	(v2sf) =	vpush v61, $0x4;
	_ =	sdelay $0x1  }
0x17f: {  	s8 =	sand.u32 $0x1FFFFF80, s9;
	s10 =	spop (v2sf);
	(v2sf) =	vpush v61, $0x5  }
0x180: {  	s8 =	sadd.s32 s1, s8  }
0x181: {  	[tilespmem:s26], [sflag:$0x2] =	stream.strided.gather [hbm4b:s8+s23], $0x1000, s17, s23, $0x38;
	[tilespmem:$0x13D00] =	vst v63  }
0x182: {  	s11 =	spop (v2sf);
	(v2sf) =	vpush v61, $0x6;
	s8 =	sand.u32 $0x1FFFFF80, s10  }
0x183: {  	s9 =	rddreg [dreg:$0x7];
	s8 =	sadd.s32 s1, s8  }
0x184: {  	[tilespmem:s9], [sflag:$0x2] =	stream.strided.gather [hbm4b:s8+s23], $0x1000, s17, s23, $0x38;
	[tilespmem:$0x13D00] =	vst v63  }
0x185: {  	s9 =	spop (v2sf);
	(v2sf) =	vpush v61, $0x7  }
0x186: {  	s8 =	sand.u32 $0x1FFFFF80, s11  }
0x187: {  	s12 =	rddreg [dreg:$0x8];
	s8 =	sadd.s32 s1, s8  }
0x188: {  	[tilespmem:s12], [sflag:$0x2] =	stream.strided.gather [hbm4b:s8+s23], $0x1000, s17, s23, $0x38;
	[tilespmem:$0x13D00] =	vst v63  }
0x189: {  	s8 =	sand.u32 $0x1FFFFF80, s9  }
0x18a: {  	s10 =	rddreg [dreg:$0x9];
	s8 =	sadd.s32 s1, s8  }
0x18b: {  	[tilespmem:s10], [sflag:$0x2] =	stream.strided.gather [hbm4b:s8+s23], $0x1000, s17, s23, $0x38;
	[tilespmem:$0x13D00] =	vst v63  }
0x18c: {  	s11 =	spop (v2sf)  }
0x18d: {  	s8 =	sand.u32 $0x1FFFFF80, s11  }
0x18e: {  	s12 =	rddreg [dreg:$0xa];
	s9 =	spop (v2sf);
	s8 =	sadd.s32 s1, s8  }
0x18f: {  	[tilespmem:s12], [sflag:$0x2] =	stream.strided.gather [hbm4b:s8+s23], $0x1000, s17, s23, $0x38;
	[tilespmem:$0x13D00] =	vst v63  }
0x190: {  	s8 =	sand.u32 $0x1FFFFF80, s9  }
0x191: {  	s10 =	rddreg [dreg:$0xb];
	s11 =	spop (v2sf);
	s8 =	sadd.s32 s1, s8  }
0x192: {  	[tilespmem:s10], [sflag:$0x2] =	stream.strided.gather [hbm4b:s8+s23], $0x1000, s17, s23, $0x38;
	[tilespmem:$0x13D00] =	vst v63  }
0x193: {  	s8 =	sand.u32 $0x1FFFFF80, s11  }
0x194: {  	s12 =	rddreg [dreg:$0xc];
	s10 =	spop (v2sf);
	s8 =	sadd.s32 s1, s8  }
0x195: {  	[tilespmem:s12], [sflag:$0x2] =	stream.strided.gather [hbm4b:s8+s23], $0x1000, s17, s23, $0x38;
	[tilespmem:$0x13D00] =	vst v63  }
0x196: {  	s8 =	sand.u32 $0x1FFFFF80, s10  }
0x197: {  	s11 =	rddreg [dreg:$0xd];
	s8 =	sadd.s32 s1, s8  }
0x198: {  	[tilespmem:s11], [sflag:$0x2] =	stream.strided.gather [hbm4b:s8+s23], $0x1000, s17, s23, $0x38;
	[tilespmem:$0x13D00] =	vst v63  }
0x199: {  	_ =	swait.ge [sflag:s28], $0x1000  }
0x19a: {  	[sflag:s28] =	ssyncset.done $0x0  }
0x19b: {  	[sflag:s28] =	ssyncadd.s32 $0xFFFFF000  }
0x19c: {  	_ =	swait.ge [sflag:s28], $0x1000  }
0x19d: {  	[sflag:s28] =	ssyncset.done $0x0  }
0x19e: {  	[sflag:s28] =	ssyncadd.s32 $0xFFFFF000  }
0x19f: {  	_ =	swait.ge [sflag:s28], $0x1000  }
0x1a0: {  	[sflag:s28] =	ssyncset.done $0x0  }
0x1a1: {  	[sflag:s28] =	ssyncadd.s32 $0xFFFFF000  }
0x1a2: {  	_ =	swait.ge [sflag:s28], $0x1000  }
0x1a3: {  	[sflag:s28] =	ssyncset.done $0x0  }
0x1a4: {  	[sflag:s28] =	ssyncadd.s32 $0xFFFFF000  }
0x1a5: {  	_ =	swait.ge [sflag:s28], $0x1000  }
0x1a6: {  	[sflag:s28] =	ssyncset.done $0x0  }
0x1a7: {  	[sflag:s28] =	ssyncadd.s32 $0xFFFFF000  }
0x1a8: {  	_ =	swait.ge [sflag:s28], $0x1000  }
0x1a9: {  	[sflag:s28] =	ssyncset.done $0x0  }
0x1aa: {  	[sflag:s28] =	ssyncadd.s32 $0xFFFFF000  }
0x1ab: {  	_ =	swait.ge [sflag:s28], $0x1000  }
0x1ac: {  	v61 =	vor.u32 s5, v0;
	[sflag:s28] =	ssyncset.done $0x0  }
0x1ad: {  	[sflag:s28] =	ssyncadd.s32 $0xFFFFF000  }
0x1ae: {  	_ =	swait.ge [sflag:s28], $0x1000  }
0x1af: {  	[sflag:s28] =	ssyncset.done $0x0  }
0x1b0: {  	[sflag:s28] =	ssyncadd.s32 $0xFFFFF000  }
0x1b1: {  	v62 =	vld.idx.msk [tilespmem:v61+s16+$0x0], $0xffff;
	_ =	sdelay $0x4  }
0x1b2: {  	v40 =	vadd.s32 v1, v62;
	_ =	sdelay $0x2  }
0x1b3: {  	s12 =	sand.u32 $0x1, s7  }
0x1b4: {  	s8 =	sshll.u32 s12, $0xA  }
0x1b5: {  	v46 =	vmov v63;
	v6 =	vmov v0;
	v0 =	vor.u32 s8, v2;
	v63 =	vld.idx.msk [tilespmem:v40+s25+$0x0], $0xffff  }
0x1b6: {  	v8 =	vmov v2;
	v2 =	vadd.s32 v3, v62;
	_ =	sdelay $0x3  }
0x1b7: {  	[tilespmem:v0+s29+$0x0] =	vst.idx.msk $0xffff, v63  }
0x1b8: {  	v0 =	vld.idx.msk [tilespmem:v2+s25+$0x0], $0xffff;
	v2 =	vor.u32 s8, v4;
	_ =	sdelay $0x4  }
0x1b9: {  	v40 =	vadd.s32 v50, v62;
	[tilespmem:v2+s29+$0x0] =	vst.idx.msk $0xffff, v0;
	v2 =	vld [tilespmem:$0x1FE20];
	_ =	sdelay $0x4  }
0x1ba: {  	v0 =	vld.idx.msk [tilespmem:v40+s25+$0x0], $0xffff;
	v2 =	vor.u32 s8, v2;
	_ =	sdelay $0x4  }
0x1bb: {  	v40 =	vadd.s32 v7, v62;
	[tilespmem:v2+s29+$0x0] =	vst.idx.msk $0xffff, v0;
	v2 =	vld [tilespmem:$0x1FE30];
	_ =	sdelay $0x4  }
0x1bc: {  	v0 =	vld.idx.msk [tilespmem:v40+s25+$0x0], $0xffff;
	v2 =	vor.u32 s8, v2  }
0x1bd: {  	v40 =	vadd.s32 v9, v62;
	_ =	sdelay $0x3  }
0x1be: {  	[tilespmem:v2+s29+$0x0] =	vst.idx.msk $0xffff, v0  }
0x1bf: {  	v2 =	vor.u32 s8, v10;
	v0 =	vld.idx.msk [tilespmem:v40+s25+$0x0], $0xffff;
	_ =	sdelay $0x4  }
0x1c0: {  	v40 =	vadd.s32 v53, v62;
	[tilespmem:v2+s29+$0x0] =	vst.idx.msk $0xffff, v0;
	v2 =	vld [tilespmem:$0x1FE50];
	_ =	sdelay $0x4  }
0x1c1: {  	v0 =	vld.idx.msk [tilespmem:v40+s25+$0x0], $0xffff;
	v2 =	vor.u32 s8, v2  }
0x1c2: {  	v40 =	vadd.s32 v13, v62;
	_ =	sdelay $0x3  }
0x1c3: {  	[tilespmem:v2+s29+$0x0] =	vst.idx.msk $0xffff, v0  }
0x1c4: {  	v2 =	vor.u32 s8, v20;
	v0 =	vld.idx.msk [tilespmem:v40+s25+$0x0], $0xffff  }
0x1c5: {  	v40 =	vadd.s32 v15, v62;
	_ =	sdelay $0x3  }
0x1c6: {  	[tilespmem:v2+s29+$0x0] =	vst.idx.msk $0xffff, v0  }
0x1c7: {  	v2 =	vor.u32 s8, v16;
	v0 =	vld.idx.msk [tilespmem:v40+s25+$0x0], $0xffff  }
0x1c8: {  	v40 =	vadd.s32 v17, v62;
	_ =	sdelay $0x3  }
0x1c9: {  	[tilespmem:v2+s29+$0x0] =	vst.idx.msk $0xffff, v0  }
0x1ca: {  	v2 =	vor.u32 s8, v24;
	v0 =	vld.idx.msk [tilespmem:v40+s25+$0x0], $0xffff  }
0x1cb: {  	v40 =	vadd.s32 v19, v62;
	_ =	sdelay $0x3  }
0x1cc: {  	[tilespmem:v2+s29+$0x0] =	vst.idx.msk $0xffff, v0  }
0x1cd: {  	v2 =	vor.u32 s8, v26;
	v0 =	vld.idx.msk [tilespmem:v40+s25+$0x0], $0xffff  }
0x1ce: {  	v40 =	vadd.s32 v21, v62;
	_ =	sdelay $0x3  }
0x1cf: {  	[tilespmem:v2+s29+$0x0] =	vst.idx.msk $0xffff, v0  }
0x1d0: {  	v2 =	vor.u32 s8, v22;
	v0 =	vld.idx.msk [tilespmem:v40+s25+$0x0], $0xffff  }
0x1d1: {  	v40 =	vadd.s32 v23, v62;
	_ =	sdelay $0x3  }
0x1d2: {  	[tilespmem:v2+s29+$0x0] =	vst.idx.msk $0xffff, v0  }
0x1d3: {  	v2 =	vor.u32 s8, v30;
	v0 =	vld.idx.msk [tilespmem:v40+s25+$0x0], $0xffff  }
0x1d4: {  	v40 =	vadd.s32 v25, v62;
	_ =	sdelay $0x3  }
0x1d5: {  	[tilespmem:v2+s29+$0x0] =	vst.idx.msk $0xffff, v0  }
0x1d6: {  	v2 =	vor.u32 s8, v32;
	v0 =	vld.idx.msk [tilespmem:v40+s25+$0x0], $0xffff  }
0x1d7: {  	v40 =	vadd.s32 v27, v62;
	_ =	sdelay $0x3  }
0x1d8: {  	[tilespmem:v2+s29+$0x0] =	vst.idx.msk $0xffff, v0  }
0x1d9: {  	v2 =	vor.u32 s8, v28;
	v0 =	vld.idx.msk [tilespmem:v40+s25+$0x0], $0xffff  }
0x1da: {  	v40 =	vadd.s32 v29, v62;
	_ =	sdelay $0x3  }
0x1db: {  	[tilespmem:v2+s29+$0x0] =	vst.idx.msk $0xffff, v0  }
0x1dc: {  	v2 =	vor.u32 s8, v36;
	v0 =	vld.idx.msk [tilespmem:v40+s25+$0x0], $0xffff  }
0x1dd: {  	v62 =	vadd.s32 v59, v62;
	_ =	sdelay $0x3  }
0x1de: {  	[tilespmem:v2+s29+$0x0] =	vst.idx.msk $0xffff, v0  }
0x1df: {  	v2 =	vor.u32 s8, v38;
	v0 =	vld.idx.msk [tilespmem:v62+s25+$0x0], $0xffff;
	_ =	sdelay $0x3  }
0x1e0: {  	p0 =	seq.s32 s3, $0x800  }
0x1e1: {  	s9 =	sshra.s32 @!p0 s3, $0x2;
	[tilespmem:v2+s29+$0x0] =	vst.idx.msk $0xffff, v0  }
0x1e2: {  	v0 =	vld @!p0 [tilespmem:s9+$0x0];
	_ =	sdelay $0x4  }
0x1e3: {  	v0 =	vshll.u32 @!p0 v0, $0x7  }
0x1e4: {  	(v2sf) =	vpush @!p0 v0, $0x0;
	_ =	sdelay $0x3  }
0x1e5: {  	(v2sf) =	vpush @!p0 v0, $0x1;
	_ =	sdelay $0x3  }
0x1e6: {  	(v2sf) =	vpush @!p0 v0, $0x2;
	_ =	sdelay $0x3  }
0x1e7: {  	(v2sf) =	vpush @!p0 v0, $0x3;
	_ =	sdelay $0x2  }
0x1e8: {  	s9 =	spop @!p0 (v2sf)  }
0x1e9: {  	s10 =	simm.s32 @!p0 $0x400;
	(v2sf) =	vpush @!p0 v0, $0x4;
	s9 =	sand.u32 @!p0 $0x1FFFFF80, s9  }
0x1ea: {  	s11 =	simm.s32 @!p0 $0x7A1400;
	s12 =	simm.s32 @!p0 $0xD00;
	s9 =	sadd.s32 @!p0 s0, s9  }
0x1eb: {  	[tilespmem:s12], [sflag:$0x1] =	stream.strided.gather @!p0 [hbm4b:s9+s10], $0x1000, s11, s10, $0x38;
	[tilespmem:$0x13D00] =	vst v63  }
0x1ec: {  	s9 =	spop @!p0 (v2sf)  }
0x1ed: {  	(v2sf) =	vpush @!p0 v0, $0x5;
	s9 =	sand.u32 @!p0 $0x1FFFFF80, s9  }
0x1ee: {  	s12 =	simm.s32 @!p0 $0x1D00;
	s9 =	sadd.s32 @!p0 s0, s9  }
0x1ef: {  	[tilespmem:s12], [sflag:$0x1] =	stream.strided.gather @!p0 [hbm4b:s9+s10], $0x1000, s11, s10, $0x38;
	[tilespmem:$0x13D00] =	vst v63  }
0x1f0: {  	s9 =	spop @!p0 (v2sf)  }
0x1f1: {  	(v2sf) =	vpush @!p0 v0, $0x6;
	s9 =	sand.u32 @!p0 $0x1FFFFF80, s9  }
0x1f2: {  	s12 =	simm.s32 @!p0 $0x2D00;
	s9 =	sadd.s32 @!p0 s0, s9  }
0x1f3: {  	[tilespmem:s12], [sflag:$0x1] =	stream.strided.gather @!p0 [hbm4b:s9+s10], $0x1000, s11, s10, $0x38;
	[tilespmem:$0x13D00] =	vst v63  }
0x1f4: {  	s9 =	spop @!p0 (v2sf)  }
0x1f5: {  	(v2sf) =	vpush @!p0 v0, $0x7;
	s9 =	sand.u32 @!p0 $0x1FFFFF80, s9  }
0x1f6: {  	s12 =	simm.s32 @!p0 $0x3D00;
	s9 =	sadd.s32 @!p0 s0, s9  }
0x1f7: {  	[tilespmem:s12], [sflag:$0x1] =	stream.strided.gather @!p0 [hbm4b:s9+s10], $0x1000, s11, s10, $0x38;
	[tilespmem:$0x13D00] =	vst v63  }
0x1f8: {  	s9 =	spop @!p0 (v2sf)  }
0x1f9: {  	s9 =	sand.u32 @!p0 $0x1FFFFF80, s9  }
0x1fa: {  	s12 =	simm.s32 @!p0 $0x4D00;
	s9 =	sadd.s32 @!p0 s0, s9  }
0x1fb: {  	[tilespmem:s12], [sflag:$0x1] =	stream.strided.gather @!p0 [hbm4b:s9+s10], $0x1000, s11, s10, $0x38;
	[tilespmem:$0x13D00] =	vst v63  }
0x1fc: {  	s9 =	spop @!p0 (v2sf)  }
0x1fd: {  	s9 =	sand.u32 @!p0 $0x1FFFFF80, s9  }
0x1fe: {  	s12 =	simm.s32 @!p0 $0x5D00;
	s9 =	sadd.s32 @!p0 s0, s9  }
0x1ff: {  	[tilespmem:s12], [sflag:$0x1] =	stream.strided.gather @!p0 [hbm4b:s9+s10], $0x1000, s11, s10, $0x38;
	[tilespmem:$0x13D00] =	vst v63  }
0x200: {  	s9 =	spop @!p0 (v2sf)  }
0x201: {  	s9 =	sand.u32 @!p0 $0x1FFFFF80, s9  }
0x202: {  	s12 =	simm.s32 @!p0 $0x6D00;
	s9 =	sadd.s32 @!p0 s0, s9  }
0x203: {  	[tilespmem:s12], [sflag:$0x1] =	stream.strided.gather @!p0 [hbm4b:s9+s10], $0x1000, s11, s10, $0x38;
	[tilespmem:$0x13D00] =	vst v63  }
0x204: {  	s9 =	spop @!p0 (v2sf)  }
0x205: {  	s9 =	sand.u32 @!p0 $0x1FFFFF80, s9  }
0x206: {  	s12 =	simm.s32 @!p0 $0x7D00;
	s9 =	sadd.s32 @!p0 s0, s9  }
0x207: {  	[tilespmem:s12], [sflag:$0x1] =	stream.strided.gather @!p0 [hbm4b:s9+s10], $0x1000, s11, s10, $0x38;
	[tilespmem:$0x13D00] =	vst v63  }
0x208: {  	v0 =	vld.idx.msk [tilespmem:v61+s19+$0x0], $0xffff;
	_ =	sdelay $0x4  }
0x209: {  	v2 =	vshll.u32 v0, $0x3  }
0x20a: {  	v0 =	vand.u32 $0x7F, v0;
	v2 =	vand.u32 $0xFFFFFC00, v2  }
0x20b: {  	v0 =	vor.u32 v0, v2  }
0x20c: {  	v2 =	vor.u32 v35, v0;
	_ =	sdelay $0x3  }
0x20d: {  	v62 =	vmov s8  }
0x20e: {  	v40 =	vmov v34;
	v63 =	vor.u32 v34, v62;
	v34 =	vmov v28;
	v2 =	vld.idx.msk [tilespmem:v2+s21+$0x0], $0xffff  }
0x20f: {  	v28 =	vmovc v22;
	v22 =	vmovc v16;
	v16 =	vmov v10;
	v10 =	vmov v4;
	v4 =	vor.u32 v37, v0;
	_ =	sdelay $0x3  }
0x210: {  	[tilespmem:v63+s29+$0x0] =	vst.idx.msk $0xffff, v2  }
0x211: {  	v2 =	vld.idx.msk [tilespmem:v4+s21+$0x0], $0xffff;
	v4 =	vor.u32 v41, v62  }
0x212: {  	v63 =	vor.u32 v39, v0;
	_ =	sdelay $0x3  }
0x213: {  	[tilespmem:v4+s29+$0x0] =	vst.idx.msk $0xffff, v2  }
0x214: {  	v4 =	vor.u32 v42, v62;
	v2 =	vld.idx.msk [tilespmem:v63+s21+$0x0], $0xffff  }
0x215: {  	v0 =	vor.u32 v33, v0;
	_ =	sdelay $0x3  }
0x216: {  	[tilespmem:v4+s29+$0x0] =	vst.idx.msk $0xffff, v2  }
0x217: {  	v2 =	vor.u32 v43, v62;
	v0 =	vld.idx.msk [tilespmem:v0+s21+$0x0], $0xffff;
	_ =	sdelay $0x4  }
0x218: {  	[tilespmem:v2+s29+$0x0] =	vst.idx.msk $0xffff, v0  }
0x219: {  	v0 =	vld.idx.msk [tilespmem:v61+s20+$0x0], $0xffff;
	_ =	sdelay $0x4  }
0x21a: {  	v2 =	vshll.u32 v0, $0x3  }
0x21b: {  	v0 =	vand.u32 $0x7F, v0;
	v2 =	vand.u32 $0xFFFFFC00, v2  }
0x21c: {  	v0 =	vor.u32 v0, v2  }
0x21d: {  	v2 =	vor.u32 v35, v0;
	_ =	sdelay $0x4  }
0x21e: {  	v4 =	vor.u32 v44, v62;
	v2 =	vld.idx.msk [tilespmem:v2+s22+$0x0], $0xffff  }
0x21f: {  	v63 =	vor.u32 v37, v0;
	_ =	sdelay $0x3  }
0x220: {  	[tilespmem:v4+s29+$0x0] =	vst.idx.msk $0xffff, v2  }
0x221: {  	v4 =	vor.u32 v45, v62;
	v2 =	vld.idx.msk [tilespmem:v63+s22+$0x0], $0xffff  }
0x222: {  	v63 =	vor.u32 v39, v0;
	_ =	sdelay $0x3  }
0x223: {  	[tilespmem:v4+s29+$0x0] =	vst.idx.msk $0xffff, v2  }
0x224: {  	v4 =	vor.u32 v46, v62;
	v2 =	vld.idx.msk [tilespmem:v63+s22+$0x0], $0xffff  }
0x225: {  	v0 =	vor.u32 v33, v0;
	_ =	sdelay $0x3  }
0x226: {  	[tilespmem:v4+s29+$0x0] =	vst.idx.msk $0xffff, v2  }
0x227: {  	v2 =	vor.u32 v47, v62;
	v0 =	vld.idx.msk [tilespmem:v0+s22+$0x0], $0xffff;
	_ =	sdelay $0x3  }
0x228: {  	p0 =	seq.s32 s3, $0x20  }
0x229: {  	s9 =	simm.s32 @!p0 $0x3;
	[tilespmem:v2+s29+$0x0] =	vst.idx.msk $0xffff, v0  }
0x22a: {  	_ =	swait.ge @!p0 [sflag:s9], $0x400  }
0x22b: {  	[sflag:s9] =	ssyncset.done @!p0 $0x0  }
0x22c: {  	[sflag:s9] =	ssyncadd.s32 @!p0 $0xFFFFFC00  }
0x22d: {  	_ =	swait.ge [sflag:s30], $0x1000  }
0x22e: {  	[sflag:s30] =	ssyncset.done $0x0  }
0x22f: {  	[sflag:s30] =	ssyncadd.s32 $0xFFFFF000  }
0x230: {  	_ =	swait.ge [sflag:s30], $0x1000  }
0x231: {  	[sflag:s30] =	ssyncset.done $0x0  }
0x232: {  	[sflag:s30] =	ssyncadd.s32 $0xFFFFF000  }
0x233: {  	_ =	swait.ge [sflag:s30], $0x1000  }
0x234: {  	[sflag:s30] =	ssyncset.done $0x0  }
0x235: {  	[sflag:s30] =	ssyncadd.s32 $0xFFFFF000  }
0x236: {  	_ =	swait.ge [sflag:s30], $0x1000  }
0x237: {  	[sflag:s30] =	ssyncset.done $0x0  }
0x238: {  	[sflag:s30] =	ssyncadd.s32 $0xFFFFF000  }
0x239: {  	_ =	swait.ge [sflag:s30], $0x1000  }
0x23a: {  	[sflag:s30] =	ssyncset.done $0x0  }
0x23b: {  	[sflag:s30] =	ssyncadd.s32 $0xFFFFF000  }
0x23c: {  	_ =	swait.ge [sflag:s30], $0x1000  }
0x23d: {  	[sflag:s30] =	ssyncset.done $0x0  }
0x23e: {  	[sflag:s30] =	ssyncadd.s32 $0xFFFFF000  }
0x23f: {  	_ =	swait.ge [sflag:s30], $0x1000  }
0x240: {  	[sflag:s30] =	ssyncset.done $0x0  }
0x241: {  	[sflag:s30] =	ssyncadd.s32 $0xFFFFF000  }
0x242: {  	_ =	swait.ge [sflag:s30], $0x1000  }
0x243: {  	[sflag:s30] =	ssyncset.done $0x0  }
0x244: {  	[sflag:s30] =	ssyncadd.s32 $0xFFFFF000  }
0x245: {  	v0 =	vld.idx.msk [tilespmem:v61+s18+$0x0], $0xffff;
	_ =	sdelay $0x4  }
0x246: {  	v2 =	vadd.s32 v1, v0;
	_ =	sdelay $0x4  }
0x247: {  	v4 =	vor.u32 v48, v62;
	v2 =	vld.idx.msk [tilespmem:v2+s26+$0x0], $0xffff  }
0x248: {  	v61 =	vadd.s32 v3, v0;
	_ =	sdelay $0x3  }
0x249: {  	[tilespmem:v4+s29+$0x0] =	vst.idx.msk $0xffff, v2  }
0x24a: {  	v4 =	vor.u32 v18, v62;
	v2 =	vld.idx.msk [tilespmem:v61+s26+$0x0], $0xffff  }
0x24b: {  	v63 =	vmov v46;
	v46 =	vadd.s32 v50, v0;
	_ =	sdelay $0x3  }
0x24c: {  	[tilespmem:v4+s29+$0x0] =	vst.idx.msk $0xffff, v2  }
0x24d: {  	v4 =	vor.u32 v5, v62;
	v2 =	vld.idx.msk [tilespmem:v46+s26+$0x0], $0xffff  }
0x24e: {  	v46 =	vadd.s32 v7, v0;
	_ =	sdelay $0x3  }
0x24f: {  	[tilespmem:v4+s29+$0x0] =	vst.idx.msk $0xffff, v2  }
0x250: {  	v4 =	vor.u32 v51, v62;
	v2 =	vld.idx.msk [tilespmem:v46+s26+$0x0], $0xffff  }
0x251: {  	v46 =	vadd.s32 v9, v0;
	_ =	sdelay $0x3  }
0x252: {  	[tilespmem:v4+s29+$0x0] =	vst.idx.msk $0xffff, v2  }
0x253: {  	v4 =	vor.u32 v49, v62;
	v2 =	vld.idx.msk [tilespmem:v46+s26+$0x0], $0xffff  }
0x254: {  	v46 =	vadd.s32 v53, v0;
	_ =	sdelay $0x3  }
0x255: {  	[tilespmem:v4+s29+$0x0] =	vst.idx.msk $0xffff, v2  }
0x256: {  	v4 =	vor.u32 v11, v62;
	v2 =	vld.idx.msk [tilespmem:v46+s26+$0x0], $0xffff  }
0x257: {  	v46 =	vadd.s32 v13, v0;
	_ =	sdelay $0x3  }
0x258: {  	[tilespmem:v4+s29+$0x0] =	vst.idx.msk $0xffff, v2  }
0x259: {  	v4 =	vor.u32 v54, v62;
	v2 =	vld.idx.msk [tilespmem:v46+s26+$0x0], $0xffff  }
0x25a: {  	v46 =	vadd.s32 v15, v0;
	_ =	sdelay $0x3  }
0x25b: {  	[tilespmem:v4+s29+$0x0] =	vst.idx.msk $0xffff, v2  }
0x25c: {  	v4 =	vor.u32 v52, v62;
	v2 =	vld.idx.msk [tilespmem:v46+s26+$0x0], $0xffff  }
0x25d: {  	v46 =	vadd.s32 v17, v0;
	_ =	sdelay $0x3  }
0x25e: {  	[tilespmem:v4+s29+$0x0] =	vst.idx.msk $0xffff, v2  }
0x25f: {  	v4 =	vor.u32 v56, v62;
	v2 =	vld.idx.msk [tilespmem:v46+s26+$0x0], $0xffff  }
0x260: {  	v46 =	vadd.s32 v19, v0;
	_ =	sdelay $0x3  }
0x261: {  	[tilespmem:v4+s29+$0x0] =	vst.idx.msk $0xffff, v2  }
0x262: {  	v4 =	vor.u32 v57, v62;
	v2 =	vld.idx.msk [tilespmem:v46+s26+$0x0], $0xffff  }
0x263: {  	v46 =	vadd.s32 v21, v0;
	_ =	sdelay $0x3  }
0x264: {  	[tilespmem:v4+s29+$0x0] =	vst.idx.msk $0xffff, v2  }
0x265: {  	v4 =	vor.u32 v55, v62;
	v2 =	vld.idx.msk [tilespmem:v46+s26+$0x0], $0xffff  }
0x266: {  	v46 =	vadd.s32 v23, v0;
	_ =	sdelay $0x3  }
0x267: {  	[tilespmem:v4+s29+$0x0] =	vst.idx.msk $0xffff, v2  }
0x268: {  	v4 =	vor.u32 v31, v62;
	v2 =	vld.idx.msk [tilespmem:v46+s26+$0x0], $0xffff  }
0x269: {  	v46 =	vadd.s32 v25, v0;
	_ =	sdelay $0x3  }
0x26a: {  	[tilespmem:v4+s29+$0x0] =	vst.idx.msk $0xffff, v2  }
0x26b: {  	v4 =	vor.u32 v60, v62;
	v2 =	vld.idx.msk [tilespmem:v46+s26+$0x0], $0xffff  }
0x26c: {  	v46 =	vadd.s32 v27, v0;
	_ =	sdelay $0x3  }
0x26d: {  	[tilespmem:v4+s29+$0x0] =	vst.idx.msk $0xffff, v2  }
0x26e: {  	v4 =	vor.u32 v58, v62;
	v2 =	vld.idx.msk [tilespmem:v46+s26+$0x0], $0xffff  }
0x26f: {  	v46 =	vadd.s32 v29, v0;
	_ =	sdelay $0x3  }
0x270: {  	[tilespmem:v4+s29+$0x0] =	vst.idx.msk $0xffff, v2  }
0x271: {  	v4 =	vor.u32 v12, v62;
	v2 =	vld.idx.msk [tilespmem:v46+s26+$0x0], $0xffff  }
0x272: {  	v0 =	vadd.s32 v59, v0;
	_ =	sdelay $0x3  }
0x273: {  	[tilespmem:v4+s29+$0x0] =	vst.idx.msk $0xffff, v2  }
0x274: {  	v2 =	vor.u32 v14, v62;
	v0 =	vld.idx.msk [tilespmem:v0+s26+$0x0], $0xffff  }
0x275: {  	s3 =	sadd.s32 $0x20, s3  }
0x276: {  	p0 =	sne.s32 s3, $0x820  }
.Ltmp0:
0x277: {  	_ = 	snop;
	(pc) =	sbr.rel @p0 .LBB2_2-.Ltmp0, $4  }
0x278: {  	_ = 	snop  }
0x279: {  	s8 =	sadd.s32 $0x13500, s8;
	[tilespmem:v2+s29+$0x0] =	vst.idx.msk $0xffff, v0  }
0x27a: {  	v4 =	vmov v10;
	v10 =	vmov v16;
	v16 =	vmov v22;
	[hbm4b:s14+s4] =	stream.linear.scatter [tilespmem:s8], [sflag:$0x3], $0x400, $0x38;
	[tilespmem:$0x13D00] =	vst v63  }
0x27b: {  	s5 =	sadd.s32 $0x8, s5;
	s7 =	sadd.s32 $0x1, s7;
	v22 =	vmovc v28;
	v28 =	vmovc v34;
	v34 =	vmov v40;
	v2 =	vmov v8;
	v0 =	vmov v6;
	s14 =	sadd.s32 $0x80, s14  }
0x27c: {  	s2 =	sadd.s32 $0x1, s2  }
0x27d: {  	p0 =	sne.s32 s2, s13  }
.Ltmp1:
0x27e: {  	_ = 	snop;
	(pc) =	sbr.rel @p0 .LBB2_1-.Ltmp1, $4  }
0x27f: {  	_ = 	snop  }
0x280: {  	_ =	swait.ge [sflag:s31], $0x400  }
0x281: {  	[sflag:s31] =	ssyncset.done $0x0  }
0x282: {  	[sflag:s31] =	ssyncadd.s32 $0xFFFFFC00  }
0x283: {  	_ =	sfence.sel $0x180000  }
0x284: {  	[bflag:$0x0] =	sbarrier.arrive $0xFFFF  }
0x285: {  	_ =	strace $0x90000047  }
0x286: {  	s0 =	stileid.u32;
	[bflag:$0x2] =	sbarrier.arrive $0xFFFF  }
0x287: {  	p0 =	sne.s32 s0, $0x0;
	s0 =	rddreg [dreg:$0x6]  }
0x288: {  	s0 =	sadd.s32 @!p0 $0x100000, s0  }
0x289: {  	[sflag:s0] =	ssyncadd.tile.s32 @!p0 $0x1;
	_ =	shalt  }
.Lfunc_end2:
_tile_overlayer_lowered:
.L_overlay_start_2:
0x28a: {  	(tag) =	ssettag $0x2  }
0x28b: {  	s0 =	rddreg [dreg:$0x0];
	s2 =	stileid.u32  }
0x28c: {  	s1 =	rddreg [dreg:$0x1];
	p0 =	sne.s32 s2, $0x0  }
0x28d: {  	s3 =	rddreg [dreg:$0x2];
	[bflag:$0x3] =	sbarrier.arrive $0xFFFF;
	s2 =	simm.s32 @!p0 $0x1C04  }
0x28e: {  	[timem:s3], [sflag:s2] =	dma.local @!p0 [hbm:s0], s1  }
0x28f: {  	s0 =	simm.s32 @!p0 $0x4  }
0x290: {  	_ =	swait.ge @!p0 [sflag:s0], s1  }
0x291: {  	s1 =	ssub.s32 @!p0 $0x0, s1;
	[sflag:s0] =	ssyncset.done @!p0 $0x0  }
0x292: {  	[sflag:s0] =	ssyncadd.s32 @!p0 s1  }
0x293: {  	[bflag:$0x3] =	sbarrier.arrive $0xFFFF  }
0x294: {  	_ =	shalt  }

</sc_bundles>
